<compile_context>
chip_gen: v7x
topology: tpu7x:2x2x1
jax: 0.10.2.dev20260603
libtpu: 0.0.44.dev20260713+nightly
codegen_flags: <defaults>
</compile_context>

<pallas_src>
import functools

import jax
import jax.numpy as jnp
from jax import lax
from jax.experimental import pallas as pl
from jax.experimental.pallas import tpu as pltpu
from jax.experimental.pallas import tpu_sc as plsc

_K = 256
_ROWS = 64
_COLS = 8192
_NC = 2
_NS = 16
_NW = _NC * _NS
_NV = _COLS // 16
_UNROLL = 8
_SC_ROWS = 32
_RPW = _SC_ROWS // _NW


def _u32(val):
    return jnp.full((16,), val, jnp.uint32)


def _sc_body(x_hbm, o_hbm, xv, kv, hist, *sems):
    wid = lax.axis_index("s") * _NC + lax.axis_index("c")
    base = wid * _RPW
    in_sems = sems[:_RPW]
    out_sems = sems[_RPW:]
    in_descs = [
        pltpu.async_copy(x_hbm.at[base + r],
                         xv.at[pl.ds(r * _COLS, _COLS)], in_sems[r])
        for r in range(_RPW)
    ]
    out_descs = []

    zeros16 = jnp.zeros((16,), jnp.int32)
    ones16 = jnp.ones((16,), jnp.int32)
    iota16 = lax.iota(jnp.int32, 16)
    msb = _u32(0x80000000)

    for r in range(_RPW):
        off = r * _COLS
        xrow = xv.at[pl.ds(off, _COLS)]
        krow = kv.at[pl.ds(off, _COLS)]
        in_descs[r].wait()

        prefix = _u32(0)
        kk = jnp.int32(_K)

        for rnd, shift in enumerate((24, 16, 8, 0)):
            shv = _u32(shift)
            pshv = _u32(shift + 8)
            ff = _u32(0xFF)

            for i in range(16):
                hist[pl.ds(i * 16, 16)] = zeros16

            if rnd == 0:
                @plsc.parallel_loop(0, _NV, unroll=_UNROLL)
                def hist_body(i, _shv=shv):
                    v = xrow[pl.ds(i * 16, 16)]
                    b = lax.bitcast_convert_type(v, jnp.uint32)
                    u = jnp.where((b & msb) > _u32(0), ~b, b | msb)
                    krow[pl.ds(i * 16, 16)] = u
                    bin_ = lax.convert_element_type(u >> _shv, jnp.int32)
                    plsc.addupdate_scatter(hist, [bin_], ones16)
            else:
                @plsc.parallel_loop(0, _NV, unroll=_UNROLL)
                def hist_body(i, _shv=shv, _pshv=pshv, _ff=ff,
                              _prefix=prefix):
                    u = krow[pl.ds(i * 16, 16)]
                    m = (u >> _pshv) == _prefix
                    bin_ = lax.convert_element_type((u >> _shv) & _ff,
                                                    jnp.int32)
                    plsc.addupdate_scatter(hist, [bin_], ones16, mask=m)

            vecs = [hist[pl.ds(i * 16, 16)] for i in range(16)]

            sums = [jnp.sum(v) for v in vecs]
            suf = [None] * 16
            acc = jnp.int32(0)
            for j in range(15, -1, -1):
                acc = acc + sums[j]
                suf[j] = acc
            njs = jnp.int32(0)
            for j in range(16):
                njs = njs + jnp.where(suf[j] >= kk, 1, 0)
            jstar = njs - 1

            vstar = zeros16
            suf_star = jnp.int32(0)
            sum_star = jnp.int32(0)
            for j in range(16):
                is_j = jstar == j
                vstar = jnp.where(is_j, vecs[j], vstar)
                suf_star = jnp.where(is_j, suf[j], suf_star)
                sum_star = jnp.where(is_j, sums[j], sum_star)
            above = suf_star - sum_star

            b_suf = lax.rev(plsc.cumsum(lax.rev(vstar, (0,))), (0,))
            cnt_ge = b_suf + above
            bstar = jnp.sum(jnp.where(cnt_ge >= kk, 1, 0)) - 1
            eq = iota16 == bstar
            suf_at = jnp.sum(jnp.where(eq, b_suf, 0))
            hist_at = jnp.sum(jnp.where(eq, vstar, 0))
            kk = kk - (above + suf_at - hist_at)

            digit = lax.convert_element_type(
                jnp.broadcast_to(jstar * 16 + bstar, (16,)), jnp.uint32)
            prefix = (prefix << _u32(8)) | digit

        bbits = jnp.where((prefix & msb) > _u32(0), prefix ^ msb, ~prefix)
        thr = lax.bitcast_convert_type(bbits, jnp.float32)

        @plsc.parallel_loop(0, _NV, unroll=_UNROLL)
        def mask_body(i, _thr=thr):
            v = xrow[pl.ds(i * 16, 16)]
            xrow[pl.ds(i * 16, 16)] = jnp.where(v >= _thr, v, 0.0)

        out_descs.append(
            pltpu.async_copy(xv.at[pl.ds(off, _COLS)],
                             o_hbm.at[base + r], out_sems[r]))

    for d in out_descs:
        d.wait()


_sc_call = functools.partial(
    pl.kernel,
    out_type=jax.ShapeDtypeStruct((_SC_ROWS, _COLS), jnp.float32),
    mesh=plsc.VectorSubcoreMesh(
        core_axis_name="c", subcore_axis_name="s",
        num_cores=_NC, num_subcores=_NS),
    scratch_types=(
        [pltpu.VMEM((_RPW * _COLS,), jnp.float32),
         pltpu.VMEM((_RPW * _COLS,), jnp.uint32),
         pltpu.VMEM((256,), jnp.int32)]
        + [pltpu.SemaphoreType.DMA] * (2 * _RPW)
    ),
    compiler_params=pltpu.CompilerParams(needs_layout_passes=False),
)(_sc_body)


def _search(key):
    cnt = jnp.sum((key >= 0).astype(jnp.int32), axis=1, keepdims=True)
    t = jnp.where(cnt >= _K, jnp.int32(0), jnp.int32(-2147483648))
    for bit in range(30, -1, -1):
        cand = t | (jnp.int32(1) << bit)
        cnt = jnp.sum((key >= cand).astype(jnp.int32), axis=1, keepdims=True)
        t = jnp.where(cnt >= _K, cand, t)
    return t


def _tc_kernel_body(x_ref, o_ref):
    x = x_ref[...]
    b = jax.lax.bitcast_convert_type(x, jnp.int32)
    key = b ^ ((b >> 31) & jnp.int32(0x7FFFFFFF))

    half = x.shape[0] // 2
    t0 = _search(key[:half])
    t1 = _search(key[half:])
    t = jnp.concatenate([t0, t1], axis=0)

    thr_bits = t ^ ((t >> 31) & jnp.int32(0x7FFFFFFF))
    thr = jax.lax.bitcast_convert_type(thr_bits, jnp.float32)
    o_ref[...] = jnp.where(x >= thr, x, jnp.zeros_like(x))


def _tc_call(x):
    n_tc = _ROWS - _SC_ROWS
    return pl.pallas_call(
        _tc_kernel_body,
        grid=(1,),
        in_specs=[pl.BlockSpec((n_tc, _COLS), lambda i: (1, 0))],
        out_specs=pl.BlockSpec((n_tc, _COLS), lambda i: (0, 0)),
        out_shape=jax.ShapeDtypeStruct((n_tc, _COLS), x.dtype),
    )(x)


@jax.jit
def kernel(x):
    out_sc = _sc_call(x)
    out_tc = _tc_call(x)
    return jnp.concatenate([out_sc, out_tc], axis=0)

# --- scband reference (transcript-rebuilt; emitter-appended) ---
"""Pipeline reference for scband-smooth-top-k-2662879723714 (READ-ONLY COPY).

The authoritative reference and input builder live on the scoring server;
editing this copy changes nothing except your own understanding.
"""

import jax, jax.numpy as jnp
import numpy as np

K = 256

def setup_inputs(seed: int = 0) -> dict:
    key = jax.random.key(seed)
    x = jax.random.normal(key, (64, 8192), dtype=jnp.float32)
    return {"x": x}

def reference(x):
    # SmoothTopK forward: keep values >= k-th largest along last dim, zero elsewhere
    values, indices = jax.lax.top_k(x, K)
    threshold = jnp.min(values, axis=-1, keepdims=True)
    return jnp.where(x >= threshold, x, jnp.zeros_like(x))

if __name__ == "__main__":
    import jax
    _d = setup_inputs()
    print(jax.jit(kernel)(*tuple(_d.values())))

</pallas_src>

<mosaic_0001>
#map = affine_map<(d0, d1) -> (0, 0)>
module attributes {stable_mosaic.version = 14 : i64} {
  func.func @_sc_body(%arg0: i32, %arg1: i32, %arg2: memref<64x8192xf32, #tpu.memory_space<hbm>>, %arg3: memref<32x8192xf32, #tpu.memory_space<hbm>>, %arg4: memref<8192xf32, #tpu.memory_space<vmem>>, %arg5: memref<8192xi32, #tpu.memory_space<vmem>>, %arg6: memref<256xi32, #tpu.memory_space<vmem>>, %arg7: memref<!tpu.dma_semaphore, #tpu.memory_space<semaphore_mem>>, %arg8: memref<!tpu.dma_semaphore, #tpu.memory_space<semaphore_mem>>) attributes {dimension_semantics = [#tpu.dimension_semantics<core_parallel>, #tpu.dimension_semantics<subcore_parallel>], iteration_bounds = array<i64: 2, 16>, scalar_prefetch = 0 : i64, scratch_operands = 5 : i64, tpu.core_type = #tpu.core_type<sc_vector_subcore>, window_params = [{transform_indices = #map}, {transform_indices = #map}]} {
    %mul3A = arith.constant 2 : i32
    %mul3A_0 = arith.muli %arg1, %mul3A : i32
    %add3A = arith.addi %mul3A_0, %arg0 : i32
    %mul3A_1 = arith.constant 1 : i32
    %mul3A_2 = arith.muli %add3A, %mul3A_1 : i32
    %add3A_3 = arith.constant 0 : i32
    %add3A_4 = arith.addi %mul3A_2, %add3A_3 : i32
    %dma_start3A = arith.constant 0 : i32
    %dma_start3A_5 = tpu.memref_slice %arg4[%dma_start3A] : memref<8192xf32, #tpu.memory_space<vmem>> -> memref<8192xf32, #tpu.memory_space<vmem>>
    %dma_start3A_6 = arith.constant 0 : i32
    %dma_start3A_7 = tpu.memref_slice %arg2[%add3A_4, %dma_start3A_6] : memref<64x8192xf32, #tpu.memory_space<hbm>> -> memref<1x8192xf32, #tpu.memory_space<hbm>>
    %dma_start3A_8 = tpu.memref_squeeze %dma_start3A_7 : memref<1x8192xf32, #tpu.memory_space<hbm>> -> memref<8192xf32, #tpu.memory_space<hbm>>
    %dma_start3A_9 = arith.constant 0 : i32
    %dma_start3A_10 = tpu.memref_slice %arg4[%dma_start3A_9] : memref<8192xf32, #tpu.memory_space<vmem>> -> memref<8192xf32, #tpu.memory_space<vmem>>
    %dma_start3A_11 = arith.constant 0 : i32
    %dma_start3A_12 = tpu.memref_slice %arg2[%add3A_4, %dma_start3A_11] : memref<64x8192xf32, #tpu.memory_space<hbm>> -> memref<1x8192xf32, #tpu.memory_space<hbm>>
    %dma_start3A_13 = tpu.memref_squeeze %dma_start3A_12 : memref<1x8192xf32, #tpu.memory_space<hbm>> -> memref<8192xf32, #tpu.memory_space<hbm>>
    tpu.enqueue_dma source(%dma_start3A_13 : memref<8192xf32, #tpu.memory_space<hbm>>) target(%dma_start3A_10 : memref<8192xf32, #tpu.memory_space<vmem>>) target_semaphore(%arg7 : memref<!tpu.dma_semaphore, #tpu.memory_space<semaphore_mem>>)
    %broadcast_in_dim3A = arith.constant 0 : i32
    %broadcast_in_dim3A_14 = vector.broadcast %broadcast_in_dim3A : i32 to vector<16xi32>
    %broadcast_in_dim3A_15 = arith.constant 1 : i32
    %broadcast_in_dim3A_16 = vector.broadcast %broadcast_in_dim3A_15 : i32 to vector<16xi32>
    %iota3A = tpu.iota {dimensions = array<i32: 0>} : vector<16xi32>
    %broadcast_in_dim3A_17 = arith.constant -2147483648 : i32
    %broadcast_in_dim3A_18 = vector.broadcast %broadcast_in_dim3A_17 : i32 to vector<16xi32>
    %dma_wait3A = arith.constant 0 : i32
    %dma_wait3A_19 = tpu.memref_slice %arg4[%dma_wait3A] : memref<8192xf32, #tpu.memory_space<vmem>> -> memref<8192xf32, #tpu.memory_space<vmem>>
    %dma_wait3A_20 = arith.constant 0 : i32
    %dma_wait3A_21 = tpu.memref_slice %arg2[%add3A_4, %dma_wait3A_20] : memref<64x8192xf32, #tpu.memory_space<hbm>> -> memref<1x8192xf32, #tpu.memory_space<hbm>>
    %dma_wait3A_22 = tpu.memref_squeeze %dma_wait3A_21 : memref<1x8192xf32, #tpu.memory_space<hbm>> -> memref<8192xf32, #tpu.memory_space<hbm>>
    %dma_wait3A_23 = arith.constant 0 : i32
    %dma_wait3A_24 = tpu.memref_slice %arg4[%dma_wait3A_23] : memref<8192xf32, #tpu.memory_space<vmem>> -> memref<8192xf32, #tpu.memory_space<vmem>>
    %dma_wait3A_25 = arith.constant 0 : i32
    %dma_wait3A_26 = tpu.memref_slice %arg2[%add3A_4, %dma_wait3A_25] : memref<64x8192xf32, #tpu.memory_space<hbm>> -> memref<1x8192xf32, #tpu.memory_space<hbm>>
    %dma_wait3A_27 = tpu.memref_squeeze %dma_wait3A_26 : memref<1x8192xf32, #tpu.memory_space<hbm>> -> memref<8192xf32, #tpu.memory_space<hbm>>
    tpu.wait_dma2 semaphore(%arg7 : memref<!tpu.dma_semaphore, #tpu.memory_space<semaphore_mem>>) src(%dma_wait3A_27 : memref<8192xf32, #tpu.memory_space<hbm>>) dst(%dma_wait3A_24 : memref<8192xf32, #tpu.memory_space<vmem>>)
    %broadcast_in_dim3A_28 = arith.constant 0 : i32
    %broadcast_in_dim3A_29 = vector.broadcast %broadcast_in_dim3A_28 : i32 to vector<16xi32>
    %broadcast_in_dim3A_30 = arith.constant 24 : i32
    %broadcast_in_dim3A_31 = vector.broadcast %broadcast_in_dim3A_30 : i32 to vector<16xi32>
    %broadcast_in_dim3A_32 = arith.constant 32 : i32
    %broadcast_in_dim3A_33 = vector.broadcast %broadcast_in_dim3A_32 : i32 to vector<16xi32>
    %broadcast_in_dim3A_34 = arith.constant 255 : i32
    %broadcast_in_dim3A_35 = vector.broadcast %broadcast_in_dim3A_34 : i32 to vector<16xi32>
    %swap3A = arith.constant 0 : index
    %swap3A_36 = tpu.vector_load %arg6[%swap3A] {strides = array<i32>} : memref<256xi32, #tpu.memory_space<vmem>>, vector<16xi32>,
    tpu.vector_store %arg6[%swap3A], %broadcast_in_dim3A_14 {strides = array<i32>} : memref<256xi32, #tpu.memory_space<vmem>>, vector<16xi32>,
    %swap3A_37 = arith.constant 16 : index
    %swap3A_38 = tpu.vector_load %arg6[%swap3A_37] {strides = array<i32>} : memref<256xi32, #tpu.memory_space<vmem>>, vector<16xi32>,
    tpu.vector_store %arg6[%swap3A_37], %broadcast_in_dim3A_14 {strides = array<i32>} : memref<256xi32, #tpu.memory_space<vmem>>, vector<16xi32>,
    %swap3A_39 = arith.constant 32 : index
    %swap3A_40 = tpu.vector_load %arg6[%swap3A_39] {strides = array<i32>} : memref<256xi32, #tpu.memory_space<vmem>>, vector<16xi32>,
    tpu.vector_store %arg6[%swap3A_39], %broadcast_in_dim3A_14 {strides = array<i32>} : memref<256xi32, #tpu.memory_space<vmem>>, vector<16xi32>,
    %swap3A_41 = arith.constant 48 : index
    %swap3A_42 = tpu.vector_load %arg6[%swap3A_41] {strides = array<i32>} : memref<256xi32, #tpu.memory_space<vmem>>, vector<16xi32>,
    tpu.vector_store %arg6[%swap3A_41], %broadcast_in_dim3A_14 {strides = array<i32>} : memref<256xi32, #tpu.memory_space<vmem>>, vector<16xi32>,
    %swap3A_43 = arith.constant 64 : index
    %swap3A_44 = tpu.vector_load %arg6[%swap3A_43] {strides = array<i32>} : memref<256xi32, #tpu.memory_space<vmem>>, vector<16xi32>,
    tpu.vector_store %arg6[%swap3A_43], %broadcast_in_dim3A_14 {strides = array<i32>} : memref<256xi32, #tpu.memory_space<vmem>>, vector<16xi32>,
    %swap3A_45 = arith.constant 80 : index
    %swap3A_46 = tpu.vector_load %arg6[%swap3A_45] {strides = array<i32>} : memref<256xi32, #tpu.memory_space<vmem>>, vector<16xi32>,
    tpu.vector_store %arg6[%swap3A_45], %broadcast_in_dim3A_14 {strides = array<i32>} : memref<256xi32, #tpu.memory_space<vmem>>, vector<16xi32>,
    %swap3A_47 = arith.constant 96 : index
    %swap3A_48 = tpu.vector_load %arg6[%swap3A_47] {strides = array<i32>} : memref<256xi32, #tpu.memory_space<vmem>>, vector<16xi32>,
    tpu.vector_store %arg6[%swap3A_47], %broadcast_in_dim3A_14 {strides = array<i32>} : memref<256xi32, #tpu.memory_space<vmem>>, vector<16xi32>,
    %swap3A_49 = arith.constant 112 : index
    %swap3A_50 = tpu.vector_load %arg6[%swap3A_49] {strides = array<i32>} : memref<256xi32, #tpu.memory_space<vmem>>, vector<16xi32>,
    tpu.vector_store %arg6[%swap3A_49], %broadcast_in_dim3A_14 {strides = array<i32>} : memref<256xi32, #tpu.memory_space<vmem>>, vector<16xi32>,
    %swap3A_51 = arith.constant 128 : index
    %swap3A_52 = tpu.vector_load %arg6[%swap3A_51] {strides = array<i32>} : memref<256xi32, #tpu.memory_space<vmem>>, vector<16xi32>,
    tpu.vector_store %arg6[%swap3A_51], %broadcast_in_dim3A_14 {strides = array<i32>} : memref<256xi32, #tpu.memory_space<vmem>>, vector<16xi32>,
    %swap3A_53 = arith.constant 144 : index
    %swap3A_54 = tpu.vector_load %arg6[%swap3A_53] {strides = array<i32>} : memref<256xi32, #tpu.memory_space<vmem>>, vector<16xi32>,
    tpu.vector_store %arg6[%swap3A_53], %broadcast_in_dim3A_14 {strides = array<i32>} : memref<256xi32, #tpu.memory_space<vmem>>, vector<16xi32>,
    %swap3A_55 = arith.constant 160 : index
    %swap3A_56 = tpu.vector_load %arg6[%swap3A_55] {strides = array<i32>} : memref<256xi32, #tpu.memory_space<vmem>>, vector<16xi32>,
    tpu.vector_store %arg6[%swap3A_55], %broadcast_in_dim3A_14 {strides = array<i32>} : memref<256xi32, #tpu.memory_space<vmem>>, vector<16xi32>,
    %swap3A_57 = arith.constant 176 : index
    %swap3A_58 = tpu.vector_load %arg6[%swap3A_57] {strides = array<i32>} : memref<256xi32, #tpu.memory_space<vmem>>, vector<16xi32>,
    tpu.vector_store %arg6[%swap3A_57], %broadcast_in_dim3A_14 {strides = array<i32>} : memref<256xi32, #tpu.memory_space<vmem>>, vector<16xi32>,
    %swap3A_59 = arith.constant 192 : index
    %swap3A_60 = tpu.vector_load %arg6[%swap3A_59] {strides = array<i32>} : memref<256xi32, #tpu.memory_space<vmem>>, vector<16xi32>,
    tpu.vector_store %arg6[%swap3A_59], %broadcast_in_dim3A_14 {strides = array<i32>} : memref<256xi32, #tpu.memory_space<vmem>>, vector<16xi32>,
    %swap3A_61 = arith.constant 208 : index
    %swap3A_62 = tpu.vector_load %arg6[%swap3A_61] {strides = array<i32>} : memref<256xi32, #tpu.memory_space<vmem>>, vector<16xi32>,
    tpu.vector_store %arg6[%swap3A_61], %broadcast_in_dim3A_14 {strides = array<i32>} : memref<256xi32, #tpu.memory_space<vmem>>, vector<16xi32>,
    %swap3A_63 = arith.constant 224 : index
    %swap3A_64 = tpu.vector_load %arg6[%swap3A_63] {strides = array<i32>} : memref<256xi32, #tpu.memory_space<vmem>>, vector<16xi32>,
    tpu.vector_store %arg6[%swap3A_63], %broadcast_in_dim3A_14 {strides = array<i32>} : memref<256xi32, #tpu.memory_space<vmem>>, vector<16xi32>,
    %swap3A_65 = arith.constant 240 : index
    %swap3A_66 = tpu.vector_load %arg6[%swap3A_65] {strides = array<i32>} : memref<256xi32, #tpu.memory_space<vmem>>, vector<16xi32>,
    tpu.vector_store %arg6[%swap3A_65], %broadcast_in_dim3A_14 {strides = array<i32>} : memref<256xi32, #tpu.memory_space<vmem>>, vector<16xi32>,
    %parallel_loop3A = arith.constant 0 : i32
    %parallel_loop3A_67 = arith.constant 512 : i32
    %parallel_loop3A_68 = arith.constant 1 : i32
    scf.for %parallel_loop3A_1564 = %parallel_loop3A to %parallel_loop3A_67 step %parallel_loop3A_68  : i32 {
      %parallel_loop3A_1565 = arith.constant 16 : i32
      %parallel_loop3A_1566 = arith.muli %parallel_loop3A_1564, %parallel_loop3A_1565 : i32
      %parallel_loop3A_1567 = arith.constant 0 : i32
      %parallel_loop3A_1568 = tpu.memref_slice %arg4[%parallel_loop3A_1567] : memref<8192xf32, #tpu.memory_space<vmem>> -> memref<8192xf32, #tpu.memory_space<vmem>>
      %parallel_loop3A_1569 = arith.index_cast %parallel_loop3A_1566 : i32 to index
      %parallel_loop3A_1570 = tpu.vector_load %parallel_loop3A_1568[%parallel_loop3A_1569] {strides = array<i32>} : memref<8192xf32, #tpu.memory_space<vmem>>, vector<16xf32>,
      %parallel_loop3A_1571 = tpu.bitcast %parallel_loop3A_1570 : vector<16xf32> -> vector<16xi32>
      %parallel_loop3A_1572 = arith.andi %parallel_loop3A_1571, %broadcast_in_dim3A_18 : vector<16xi32>
      %parallel_loop3A_1573 = arith.constant 0 : i32
      %parallel_loop3A_1574 = vector.broadcast %parallel_loop3A_1573 : i32 to vector<16xi32>
      %parallel_loop3A_1575 = arith.cmpi ugt, %parallel_loop3A_1572, %parallel_loop3A_1574 : vector<16xi32>
      %parallel_loop3A_1576 = arith.constant dense<-1> : vector<16xi32>
      %parallel_loop3A_1577 = arith.xori %parallel_loop3A_1571, %parallel_loop3A_1576 : vector<16xi32>
      %parallel_loop3A_1578 = arith.ori %parallel_loop3A_1571, %broadcast_in_dim3A_18 : vector<16xi32>
      %parallel_loop3A_1579 = arith.select %parallel_loop3A_1575, %parallel_loop3A_1577, %parallel_loop3A_1578 : vector<16xi1>, vector<16xi32>
      %parallel_loop3A_1580 = arith.constant 16 : i32
      %parallel_loop3A_1581 = arith.muli %parallel_loop3A_1564, %parallel_loop3A_1580 : i32
      %parallel_loop3A_1582 = arith.constant 0 : i32
      %parallel_loop3A_1583 = tpu.memref_slice %arg5[%parallel_loop3A_1582] : memref<8192xi32, #tpu.memory_space<vmem>> -> memref<8192xi32, #tpu.memory_space<vmem>>
      %parallel_loop3A_1584 = arith.index_cast %parallel_loop3A_1581 : i32 to index
      %parallel_loop3A_1585 = tpu.vector_load %parallel_loop3A_1583[%parallel_loop3A_1584] {strides = array<i32>} : memref<8192xi32, #tpu.memory_space<vmem>>, vector<16xi32>,
      tpu.vector_store %parallel_loop3A_1583[%parallel_loop3A_1584], %parallel_loop3A_1579 {strides = array<i32>} : memref<8192xi32, #tpu.memory_space<vmem>>, vector<16xi32>,
      %parallel_loop3A_1586 = arith.shrui %parallel_loop3A_1579, %broadcast_in_dim3A_31 : vector<16xi32>
      tpu.vector_store_idx %arg6[%parallel_loop3A_1586], %broadcast_in_dim3A_16 {add = true} : memref<256xi32, #tpu.memory_space<vmem>>[vector<16xi32>], vector<16xi32>,
    } {sc.loop_unroll_factor = 8 : i64, sc.parallel_access}
    %get3A = arith.constant 0 : index
    %get3A_69 = tpu.vector_load %arg6[%get3A] {strides = array<i32>} : memref<256xi32, #tpu.memory_space<vmem>>, vector<16xi32>,
    %get3A_70 = arith.constant 16 : index
    %get3A_71 = tpu.vector_load %arg6[%get3A_70] {strides = array<i32>} : memref<256xi32, #tpu.memory_space<vmem>>, vector<16xi32>,
    %get3A_72 = arith.constant 32 : index
    %get3A_73 = tpu.vector_load %arg6[%get3A_72] {strides = array<i32>} : memref<256xi32, #tpu.memory_space<vmem>>, vector<16xi32>,
    %get3A_74 = arith.constant 48 : index
    %get3A_75 = tpu.vector_load %arg6[%get3A_74] {strides = array<i32>} : memref<256xi32, #tpu.memory_space<vmem>>, vector<16xi32>,
    %get3A_76 = arith.constant 64 : index
    %get3A_77 = tpu.vector_load %arg6[%get3A_76] {strides = array<i32>} : memref<256xi32, #tpu.memory_space<vmem>>, vector<16xi32>,
    %get3A_78 = arith.constant 80 : index
    %get3A_79 = tpu.vector_load %arg6[%get3A_78] {strides = array<i32>} : memref<256xi32, #tpu.memory_space<vmem>>, vector<16xi32>,
    %get3A_80 = arith.constant 96 : index
    %get3A_81 = tpu.vector_load %arg6[%get3A_80] {strides = array<i32>} : memref<256xi32, #tpu.memory_space<vmem>>, vector<16xi32>,
    %get3A_82 = arith.constant 112 : index
    %get3A_83 = tpu.vector_load %arg6[%get3A_82] {strides = array<i32>} : memref<256xi32, #tpu.memory_space<vmem>>, vector<16xi32>,
    %get3A_84 = arith.constant 128 : index
    %get3A_85 = tpu.vector_load %arg6[%get3A_84] {strides = array<i32>} : memref<256xi32, #tpu.memory_space<vmem>>, vector<16xi32>,
    %get3A_86 = arith.constant 144 : index
    %get3A_87 = tpu.vector_load %arg6[%get3A_86] {strides = array<i32>} : memref<256xi32, #tpu.memory_space<vmem>>, vector<16xi32>,
    %get3A_88 = arith.constant 160 : index
    %get3A_89 = tpu.vector_load %arg6[%get3A_88] {strides = array<i32>} : memref<256xi32, #tpu.memory_space<vmem>>, vector<16xi32>,
    %get3A_90 = arith.constant 176 : index
    %get3A_91 = tpu.vector_load %arg6[%get3A_90] {strides = array<i32>} : memref<256xi32, #tpu.memory_space<vmem>>, vector<16xi32>,
    %get3A_92 = arith.constant 192 : index
    %get3A_93 = tpu.vector_load %arg6[%get3A_92] {strides = array<i32>} : memref<256xi32, #tpu.memory_space<vmem>>, vector<16xi32>,
    %get3A_94 = arith.constant 208 : index
    %get3A_95 = tpu.vector_load %arg6[%get3A_94] {strides = array<i32>} : memref<256xi32, #tpu.memory_space<vmem>>, vector<16xi32>,
    %get3A_96 = arith.constant 224 : index
    %get3A_97 = tpu.vector_load %arg6[%get3A_96] {strides = array<i32>} : memref<256xi32, #tpu.memory_space<vmem>>, vector<16xi32>,
    %get3A_98 = arith.constant 240 : index
    %get3A_99 = tpu.vector_load %arg6[%get3A_98] {strides = array<i32>} : memref<256xi32, #tpu.memory_space<vmem>>, vector<16xi32>,
    %reduce_sum3A = arith.constant true
    %reduce_sum3A_100 = vector.broadcast %reduce_sum3A : i1 to vector<16xi1>
    %reduce_sum3A_101 = tpu.scan <sum>, %get3A_69 masked %reduce_sum3A_100 : vector<16xi32>, vector<16xi1> -> vector<16xi32>
    %reduce_sum3A_102 = vector.extract %reduce_sum3A_101[15] : i32 from vector<16xi32>
    %reduce_sum3A_103 = arith.constant true
    %reduce_sum3A_104 = vector.broadcast %reduce_sum3A_103 : i1 to vector<16xi1>
    %reduce_sum3A_105 = tpu.scan <sum>, %get3A_71 masked %reduce_sum3A_104 : vector<16xi32>, vector<16xi1> -> vector<16xi32>
    %reduce_sum3A_106 = vector.extract %reduce_sum3A_105[15] : i32 from vector<16xi32>
    %reduce_sum3A_107 = arith.constant true
    %reduce_sum3A_108 = vector.broadcast %reduce_sum3A_107 : i1 to vector<16xi1>
    %reduce_sum3A_109 = tpu.scan <sum>, %get3A_73 masked %reduce_sum3A_108 : vector<16xi32>, vector<16xi1> -> vector<16xi32>
    %reduce_sum3A_110 = vector.extract %reduce_sum3A_109[15] : i32 from vector<16xi32>
    %reduce_sum3A_111 = arith.constant true
    %reduce_sum3A_112 = vector.broadcast %reduce_sum3A_111 : i1 to vector<16xi1>
    %reduce_sum3A_113 = tpu.scan <sum>, %get3A_75 masked %reduce_sum3A_112 : vector<16xi32>, vector<16xi1> -> vector<16xi32>
    %reduce_sum3A_114 = vector.extract %reduce_sum3A_113[15] : i32 from vector<16xi32>
    %reduce_sum3A_115 = arith.constant true
    %reduce_sum3A_116 = vector.broadcast %reduce_sum3A_115 : i1 to vector<16xi1>
    %reduce_sum3A_117 = tpu.scan <sum>, %get3A_77 masked %reduce_sum3A_116 : vector<16xi32>, vector<16xi1> -> vector<16xi32>
    %reduce_sum3A_118 = vector.extract %reduce_sum3A_117[15] : i32 from vector<16xi32>
    %reduce_sum3A_119 = arith.constant true
    %reduce_sum3A_120 = vector.broadcast %reduce_sum3A_119 : i1 to vector<16xi1>
    %reduce_sum3A_121 = tpu.scan <sum>, %get3A_79 masked %reduce_sum3A_120 : vector<16xi32>, vector<16xi1> -> vector<16xi32>
    %reduce_sum3A_122 = vector.extract %reduce_sum3A_121[15] : i32 from vector<16xi32>
    %reduce_sum3A_123 = arith.constant true
    %reduce_sum3A_124 = vector.broadcast %reduce_sum3A_123 : i1 to vector<16xi1>
    %reduce_sum3A_125 = tpu.scan <sum>, %get3A_81 masked %reduce_sum3A_124 : vector<16xi32>, vector<16xi1> -> vector<16xi32>
    %reduce_sum3A_126 = vector.extract %reduce_sum3A_125[15] : i32 from vector<16xi32>
    %reduce_sum3A_127 = arith.constant true
    %reduce_sum3A_128 = vector.broadcast %reduce_sum3A_127 : i1 to vector<16xi1>
    %reduce_sum3A_129 = tpu.scan <sum>, %get3A_83 masked %reduce_sum3A_128 : vector<16xi32>, vector<16xi1> -> vector<16xi32>
    %reduce_sum3A_130 = vector.extract %reduce_sum3A_129[15] : i32 from vector<16xi32>
    %reduce_sum3A_131 = arith.constant true
    %reduce_sum3A_132 = vector.broadcast %reduce_sum3A_131 : i1 to vector<16xi1>
    %reduce_sum3A_133 = tpu.scan <sum>, %get3A_85 masked %reduce_sum3A_132 : vector<16xi32>, vector<16xi1> -> vector<16xi32>
    %reduce_sum3A_134 = vector.extract %reduce_sum3A_133[15] : i32 from vector<16xi32>
    %reduce_sum3A_135 = arith.constant true
    %reduce_sum3A_136 = vector.broadcast %reduce_sum3A_135 : i1 to vector<16xi1>
    %reduce_sum3A_137 = tpu.scan <sum>, %get3A_87 masked %reduce_sum3A_136 : vector<16xi32>, vector<16xi1> -> vector<16xi32>
    %reduce_sum3A_138 = vector.extract %reduce_sum3A_137[15] : i32 from vector<16xi32>
    %reduce_sum3A_139 = arith.constant true
    %reduce_sum3A_140 = vector.broadcast %reduce_sum3A_139 : i1 to vector<16xi1>
    %reduce_sum3A_141 = tpu.scan <sum>, %get3A_89 masked %reduce_sum3A_140 : vector<16xi32>, vector<16xi1> -> vector<16xi32>
    %reduce_sum3A_142 = vector.extract %reduce_sum3A_141[15] : i32 from vector<16xi32>
    %reduce_sum3A_143 = arith.constant true
    %reduce_sum3A_144 = vector.broadcast %reduce_sum3A_143 : i1 to vector<16xi1>
    %reduce_sum3A_145 = tpu.scan <sum>, %get3A_91 masked %reduce_sum3A_144 : vector<16xi32>, vector<16xi1> -> vector<16xi32>
    %reduce_sum3A_146 = vector.extract %reduce_sum3A_145[15] : i32 from vector<16xi32>
    %reduce_sum3A_147 = arith.constant true
    %reduce_sum3A_148 = vector.broadcast %reduce_sum3A_147 : i1 to vector<16xi1>
    %reduce_sum3A_149 = tpu.scan <sum>, %get3A_93 masked %reduce_sum3A_148 : vector<16xi32>, vector<16xi1> -> vector<16xi32>
    %reduce_sum3A_150 = vector.extract %reduce_sum3A_149[15] : i32 from vector<16xi32>
    %reduce_sum3A_151 = arith.constant true
    %reduce_sum3A_152 = vector.broadcast %reduce_sum3A_151 : i1 to vector<16xi1>
    %reduce_sum3A_153 = tpu.scan <sum>, %get3A_95 masked %reduce_sum3A_152 : vector<16xi32>, vector<16xi1> -> vector<16xi32>
    %reduce_sum3A_154 = vector.extract %reduce_sum3A_153[15] : i32 from vector<16xi32>
    %reduce_sum3A_155 = arith.constant true
    %reduce_sum3A_156 = vector.broadcast %reduce_sum3A_155 : i1 to vector<16xi1>
    %reduce_sum3A_157 = tpu.scan <sum>, %get3A_97 masked %reduce_sum3A_156 : vector<16xi32>, vector<16xi1> -> vector<16xi32>
    %reduce_sum3A_158 = vector.extract %reduce_sum3A_157[15] : i32 from vector<16xi32>
    %reduce_sum3A_159 = arith.constant true
    %reduce_sum3A_160 = vector.broadcast %reduce_sum3A_159 : i1 to vector<16xi1>
    %reduce_sum3A_161 = tpu.scan <sum>, %get3A_99 masked %reduce_sum3A_160 : vector<16xi32>, vector<16xi1> -> vector<16xi32>
    %reduce_sum3A_162 = vector.extract %reduce_sum3A_161[15] : i32 from vector<16xi32>
    %add3A_163 = arith.constant 0 : i32
    %add3A_164 = arith.addi %add3A_163, %reduce_sum3A_162 : i32
    %add3A_165 = arith.addi %add3A_164, %reduce_sum3A_158 : i32
    %add3A_166 = arith.addi %add3A_165, %reduce_sum3A_154 : i32
    %add3A_167 = arith.addi %add3A_166, %reduce_sum3A_150 : i32
    %add3A_168 = arith.addi %add3A_167, %reduce_sum3A_146 : i32
    %add3A_169 = arith.addi %add3A_168, %reduce_sum3A_142 : i32
    %add3A_170 = arith.addi %add3A_169, %reduce_sum3A_138 : i32
    %add3A_171 = arith.addi %add3A_170, %reduce_sum3A_134 : i32
    %add3A_172 = arith.addi %add3A_171, %reduce_sum3A_130 : i32
    %add3A_173 = arith.addi %add3A_172, %reduce_sum3A_126 : i32
    %add3A_174 = arith.addi %add3A_173, %reduce_sum3A_122 : i32
    %add3A_175 = arith.addi %add3A_174, %reduce_sum3A_118 : i32
    %add3A_176 = arith.addi %add3A_175, %reduce_sum3A_114 : i32
    %add3A_177 = arith.addi %add3A_176, %reduce_sum3A_110 : i32
    %add3A_178 = arith.addi %add3A_177, %reduce_sum3A_106 : i32
    %add3A_179 = arith.addi %add3A_178, %reduce_sum3A_102 : i32
    %ge3A = arith.constant 256 : i32
    %ge3A_180 = arith.cmpi sge, %add3A_179, %ge3A : i32
    %jit3A = arith.constant 1 : i32
    %jit3A_181 = arith.constant 0 : i32
    %select_n3A = arith.select %ge3A_180, %jit3A, %jit3A_181 : i32
    %add3A_182 = arith.constant 0 : i32
    %add3A_183 = arith.addi %add3A_182, %select_n3A : i32
    %ge3A_184 = arith.constant 256 : i32
    %ge3A_185 = arith.cmpi sge, %add3A_178, %ge3A_184 : i32
    %jit3A_186 = arith.constant 1 : i32
    %jit3A_187 = arith.constant 0 : i32
    %select_n3A_188 = arith.select %ge3A_185, %jit3A_186, %jit3A_187 : i32
    %add3A_189 = arith.addi %add3A_183, %select_n3A_188 : i32
    %ge3A_190 = arith.constant 256 : i32
    %ge3A_191 = arith.cmpi sge, %add3A_177, %ge3A_190 : i32
    %jit3A_192 = arith.constant 1 : i32
    %jit3A_193 = arith.constant 0 : i32
    %select_n3A_194 = arith.select %ge3A_191, %jit3A_192, %jit3A_193 : i32
    %add3A_195 = arith.addi %add3A_189, %select_n3A_194 : i32
    %ge3A_196 = arith.constant 256 : i32
    %ge3A_197 = arith.cmpi sge, %add3A_176, %ge3A_196 : i32
    %jit3A_198 = arith.constant 1 : i32
    %jit3A_199 = arith.constant 0 : i32
    %select_n3A_200 = arith.select %ge3A_197, %jit3A_198, %jit3A_199 : i32
    %add3A_201 = arith.addi %add3A_195, %select_n3A_200 : i32
    %ge3A_202 = arith.constant 256 : i32
    %ge3A_203 = arith.cmpi sge, %add3A_175, %ge3A_202 : i32
    %jit3A_204 = arith.constant 1 : i32
    %jit3A_205 = arith.constant 0 : i32
    %select_n3A_206 = arith.select %ge3A_203, %jit3A_204, %jit3A_205 : i32
    %add3A_207 = arith.addi %add3A_201, %select_n3A_206 : i32
    %ge3A_208 = arith.constant 256 : i32
    %ge3A_209 = arith.cmpi sge, %add3A_174, %ge3A_208 : i32
    %jit3A_210 = arith.constant 1 : i32
    %jit3A_211 = arith.constant 0 : i32
    %select_n3A_212 = arith.select %ge3A_209, %jit3A_210, %jit3A_211 : i32
    %add3A_213 = arith.addi %add3A_207, %select_n3A_212 : i32
    %ge3A_214 = arith.constant 256 : i32
    %ge3A_215 = arith.cmpi sge, %add3A_173, %ge3A_214 : i32
    %jit3A_216 = arith.constant 1 : i32
    %jit3A_217 = arith.constant 0 : i32
    %select_n3A_218 = arith.select %ge3A_215, %jit3A_216, %jit3A_217 : i32
    %add3A_219 = arith.addi %add3A_213, %select_n3A_218 : i32
    %ge3A_220 = arith.constant 256 : i32
    %ge3A_221 = arith.cmpi sge, %add3A_172, %ge3A_220 : i32
    %jit3A_222 = arith.constant 1 : i32
    %jit3A_223 = arith.constant 0 : i32
    %select_n3A_224 = arith.select %ge3A_221, %jit3A_222, %jit3A_223 : i32
    %add3A_225 = arith.addi %add3A_219, %select_n3A_224 : i32
    %ge3A_226 = arith.constant 256 : i32
    %ge3A_227 = arith.cmpi sge, %add3A_171, %ge3A_226 : i32
    %jit3A_228 = arith.constant 1 : i32
    %jit3A_229 = arith.constant 0 : i32
    %select_n3A_230 = arith.select %ge3A_227, %jit3A_228, %jit3A_229 : i32
    %add3A_231 = arith.addi %add3A_225, %select_n3A_230 : i32
    %ge3A_232 = arith.constant 256 : i32
    %ge3A_233 = arith.cmpi sge, %add3A_170, %ge3A_232 : i32
    %jit3A_234 = arith.constant 1 : i32
    %jit3A_235 = arith.constant 0 : i32
    %select_n3A_236 = arith.select %ge3A_233, %jit3A_234, %jit3A_235 : i32
    %add3A_237 = arith.addi %add3A_231, %select_n3A_236 : i32
    %ge3A_238 = arith.constant 256 : i32
    %ge3A_239 = arith.cmpi sge, %add3A_169, %ge3A_238 : i32
    %jit3A_240 = arith.constant 1 : i32
    %jit3A_241 = arith.constant 0 : i32
    %select_n3A_242 = arith.select %ge3A_239, %jit3A_240, %jit3A_241 : i32
    %add3A_243 = arith.addi %add3A_237, %select_n3A_242 : i32
    %ge3A_244 = arith.constant 256 : i32
    %ge3A_245 = arith.cmpi sge, %add3A_168, %ge3A_244 : i32
    %jit3A_246 = arith.constant 1 : i32
    %jit3A_247 = arith.constant 0 : i32
    %select_n3A_248 = arith.select %ge3A_245, %jit3A_246, %jit3A_247 : i32
    %add3A_249 = arith.addi %add3A_243, %select_n3A_248 : i32
    %ge3A_250 = arith.constant 256 : i32
    %ge3A_251 = arith.cmpi sge, %add3A_167, %ge3A_250 : i32
    %jit3A_252 = arith.constant 1 : i32
    %jit3A_253 = arith.constant 0 : i32
    %select_n3A_254 = arith.select %ge3A_251, %jit3A_252, %jit3A_253 : i32
    %add3A_255 = arith.addi %add3A_249, %select_n3A_254 : i32
    %ge3A_256 = arith.constant 256 : i32
    %ge3A_257 = arith.cmpi sge, %add3A_166, %ge3A_256 : i32
    %jit3A_258 = arith.constant 1 : i32
    %jit3A_259 = arith.constant 0 : i32
    %select_n3A_260 = arith.select %ge3A_257, %jit3A_258, %jit3A_259 : i32
    %add3A_261 = arith.addi %add3A_255, %select_n3A_260 : i32
    %ge3A_262 = arith.constant 256 : i32
    %ge3A_263 = arith.cmpi sge, %add3A_165, %ge3A_262 : i32
    %jit3A_264 = arith.constant 1 : i32
    %jit3A_265 = arith.constant 0 : i32
    %select_n3A_266 = arith.select %ge3A_263, %jit3A_264, %jit3A_265 : i32
    %add3A_267 = arith.addi %add3A_261, %select_n3A_266 : i32
    %ge3A_268 = arith.constant 256 : i32
    %ge3A_269 = arith.cmpi sge, %add3A_164, %ge3A_268 : i32
    %jit3A_270 = arith.constant 1 : i32
    %jit3A_271 = arith.constant 0 : i32
    %select_n3A_272 = arith.select %ge3A_269, %jit3A_270, %jit3A_271 : i32
    %add3A_273 = arith.addi %add3A_267, %select_n3A_272 : i32
    %sub3A = arith.constant 1 : i32
    %sub3A_274 = arith.subi %add3A_273, %sub3A : i32
    %eq3A = arith.constant 0 : i32
    %eq3A_275 = arith.cmpi eq, %sub3A_274, %eq3A : i32
    %select_n3A_276 = arith.select %eq3A_275, %get3A_69, %broadcast_in_dim3A_14 : vector<16xi32>
    %jit3A_277 = arith.constant 0 : i32
    %select_n3A_278 = arith.select %eq3A_275, %add3A_179, %jit3A_277 : i32
    %jit3A_279 = arith.constant 0 : i32
    %select_n3A_280 = arith.select %eq3A_275, %reduce_sum3A_102, %jit3A_279 : i32
    %eq3A_281 = arith.constant 1 : i32
    %eq3A_282 = arith.cmpi eq, %sub3A_274, %eq3A_281 : i32
    %select_n3A_283 = arith.select %eq3A_282, %get3A_71, %select_n3A_276 : vector<16xi32>
    %select_n3A_284 = arith.select %eq3A_282, %add3A_178, %select_n3A_278 : i32
    %select_n3A_285 = arith.select %eq3A_282, %reduce_sum3A_106, %select_n3A_280 : i32
    %eq3A_286 = arith.constant 2 : i32
    %eq3A_287 = arith.cmpi eq, %sub3A_274, %eq3A_286 : i32
    %select_n3A_288 = arith.select %eq3A_287, %get3A_73, %select_n3A_283 : vector<16xi32>
    %select_n3A_289 = arith.select %eq3A_287, %add3A_177, %select_n3A_284 : i32
    %select_n3A_290 = arith.select %eq3A_287, %reduce_sum3A_110, %select_n3A_285 : i32
    %eq3A_291 = arith.constant 3 : i32
    %eq3A_292 = arith.cmpi eq, %sub3A_274, %eq3A_291 : i32
    %select_n3A_293 = arith.select %eq3A_292, %get3A_75, %select_n3A_288 : vector<16xi32>
    %select_n3A_294 = arith.select %eq3A_292, %add3A_176, %select_n3A_289 : i32
    %select_n3A_295 = arith.select %eq3A_292, %reduce_sum3A_114, %select_n3A_290 : i32
    %eq3A_296 = arith.constant 4 : i32
    %eq3A_297 = arith.cmpi eq, %sub3A_274, %eq3A_296 : i32
    %select_n3A_298 = arith.select %eq3A_297, %get3A_77, %select_n3A_293 : vector<16xi32>
    %select_n3A_299 = arith.select %eq3A_297, %add3A_175, %select_n3A_294 : i32
    %select_n3A_300 = arith.select %eq3A_297, %reduce_sum3A_118, %select_n3A_295 : i32
    %eq3A_301 = arith.constant 5 : i32
    %eq3A_302 = arith.cmpi eq, %sub3A_274, %eq3A_301 : i32
    %select_n3A_303 = arith.select %eq3A_302, %get3A_79, %select_n3A_298 : vector<16xi32>
    %select_n3A_304 = arith.select %eq3A_302, %add3A_174, %select_n3A_299 : i32
    %select_n3A_305 = arith.select %eq3A_302, %reduce_sum3A_122, %select_n3A_300 : i32
    %eq3A_306 = arith.constant 6 : i32
    %eq3A_307 = arith.cmpi eq, %sub3A_274, %eq3A_306 : i32
    %select_n3A_308 = arith.select %eq3A_307, %get3A_81, %select_n3A_303 : vector<16xi32>
    %select_n3A_309 = arith.select %eq3A_307, %add3A_173, %select_n3A_304 : i32
    %select_n3A_310 = arith.select %eq3A_307, %reduce_sum3A_126, %select_n3A_305 : i32
    %eq3A_311 = arith.constant 7 : i32
    %eq3A_312 = arith.cmpi eq, %sub3A_274, %eq3A_311 : i32
    %select_n3A_313 = arith.select %eq3A_312, %get3A_83, %select_n3A_308 : vector<16xi32>
    %select_n3A_314 = arith.select %eq3A_312, %add3A_172, %select_n3A_309 : i32
    %select_n3A_315 = arith.select %eq3A_312, %reduce_sum3A_130, %select_n3A_310 : i32
    %eq3A_316 = arith.constant 8 : i32
    %eq3A_317 = arith.cmpi eq, %sub3A_274, %eq3A_316 : i32
    %select_n3A_318 = arith.select %eq3A_317, %get3A_85, %select_n3A_313 : vector<16xi32>
    %select_n3A_319 = arith.select %eq3A_317, %add3A_171, %select_n3A_314 : i32
    %select_n3A_320 = arith.select %eq3A_317, %reduce_sum3A_134, %select_n3A_315 : i32
    %eq3A_321 = arith.constant 9 : i32
    %eq3A_322 = arith.cmpi eq, %sub3A_274, %eq3A_321 : i32
    %select_n3A_323 = arith.select %eq3A_322, %get3A_87, %select_n3A_318 : vector<16xi32>
    %select_n3A_324 = arith.select %eq3A_322, %add3A_170, %select_n3A_319 : i32
    %select_n3A_325 = arith.select %eq3A_322, %reduce_sum3A_138, %select_n3A_320 : i32
    %eq3A_326 = arith.constant 10 : i32
    %eq3A_327 = arith.cmpi eq, %sub3A_274, %eq3A_326 : i32
    %select_n3A_328 = arith.select %eq3A_327, %get3A_89, %select_n3A_323 : vector<16xi32>
    %select_n3A_329 = arith.select %eq3A_327, %add3A_169, %select_n3A_324 : i32
    %select_n3A_330 = arith.select %eq3A_327, %reduce_sum3A_142, %select_n3A_325 : i32
    %eq3A_331 = arith.constant 11 : i32
    %eq3A_332 = arith.cmpi eq, %sub3A_274, %eq3A_331 : i32
    %select_n3A_333 = arith.select %eq3A_332, %get3A_91, %select_n3A_328 : vector<16xi32>
    %select_n3A_334 = arith.select %eq3A_332, %add3A_168, %select_n3A_329 : i32
    %select_n3A_335 = arith.select %eq3A_332, %reduce_sum3A_146, %select_n3A_330 : i32
    %eq3A_336 = arith.constant 12 : i32
    %eq3A_337 = arith.cmpi eq, %sub3A_274, %eq3A_336 : i32
    %select_n3A_338 = arith.select %eq3A_337, %get3A_93, %select_n3A_333 : vector<16xi32>
    %select_n3A_339 = arith.select %eq3A_337, %add3A_167, %select_n3A_334 : i32
    %select_n3A_340 = arith.select %eq3A_337, %reduce_sum3A_150, %select_n3A_335 : i32
    %eq3A_341 = arith.constant 13 : i32
    %eq3A_342 = arith.cmpi eq, %sub3A_274, %eq3A_341 : i32
    %select_n3A_343 = arith.select %eq3A_342, %get3A_95, %select_n3A_338 : vector<16xi32>
    %select_n3A_344 = arith.select %eq3A_342, %add3A_166, %select_n3A_339 : i32
    %select_n3A_345 = arith.select %eq3A_342, %reduce_sum3A_154, %select_n3A_340 : i32
    %eq3A_346 = arith.constant 14 : i32
    %eq3A_347 = arith.cmpi eq, %sub3A_274, %eq3A_346 : i32
    %select_n3A_348 = arith.select %eq3A_347, %get3A_97, %select_n3A_343 : vector<16xi32>
    %select_n3A_349 = arith.select %eq3A_347, %add3A_165, %select_n3A_344 : i32
    %select_n3A_350 = arith.select %eq3A_347, %reduce_sum3A_158, %select_n3A_345 : i32
    %eq3A_351 = arith.constant 15 : i32
    %eq3A_352 = arith.cmpi eq, %sub3A_274, %eq3A_351 : i32
    %select_n3A_353 = arith.select %eq3A_352, %get3A_99, %select_n3A_348 : vector<16xi32>
    %select_n3A_354 = arith.select %eq3A_352, %add3A_164, %select_n3A_349 : i32
    %select_n3A_355 = arith.select %eq3A_352, %reduce_sum3A_162, %select_n3A_350 : i32
    %sub3A_356 = arith.subi %select_n3A_354, %select_n3A_355 : i32
    %rev3A = arith.constant 15 : i32
    %rev3A_357 = vector.broadcast %rev3A : i32 to vector<16xi32>
    %rev3A_358 = tpu.iota {dimensions = array<i32: 0>} : vector<16xi32>
    %rev3A_359 = arith.subi %rev3A_357, %rev3A_358 : vector<16xi32>
    %rev3A_360 = tpu.dynamic_gather %select_n3A_353[%rev3A_359] in [0] : vector<16xi32>, vector<16xi32> -> vector<16xi32>
    %broadcast_in_dim3A_361 = arith.constant true
    %broadcast_in_dim3A_362 = vector.broadcast %broadcast_in_dim3A_361 : i1 to vector<16xi1>
    %masked_cumsum3A = tpu.scan <sum>, %rev3A_360 masked %broadcast_in_dim3A_362 : vector<16xi32>, vector<16xi1> -> vector<16xi32>
    %rev3A_363 = arith.constant 15 : i32
    %rev3A_364 = vector.broadcast %rev3A_363 : i32 to vector<16xi32>
    %rev3A_365 = tpu.iota {dimensions = array<i32: 0>} : vector<16xi32>
    %rev3A_366 = arith.subi %rev3A_364, %rev3A_365 : vector<16xi32>
    %rev3A_367 = tpu.dynamic_gather %masked_cumsum3A[%rev3A_366] in [0] : vector<16xi32>, vector<16xi32> -> vector<16xi32>
    %add3A_368 = vector.broadcast %sub3A_356 : i32 to vector<16xi32>
    %add3A_369 = arith.addi %rev3A_367, %add3A_368 : vector<16xi32>
    %ge3A_370 = arith.constant 256 : i32
    %ge3A_371 = vector.broadcast %ge3A_370 : i32 to vector<16xi32>
    %ge3A_372 = arith.cmpi sge, %add3A_369, %ge3A_371 : vector<16xi32>
    %jit3A_373 = arith.constant 1 : i32
    %jit3A_374 = arith.constant 0 : i32
    %broadcast_in_dim3A_375 = vector.broadcast %jit3A_373 : i32 to vector<16xi32>
    %broadcast_in_dim3A_376 = vector.broadcast %jit3A_374 : i32 to vector<16xi32>
    %select_n3A_377 = arith.select %ge3A_372, %broadcast_in_dim3A_375, %broadcast_in_dim3A_376 : vector<16xi1>, vector<16xi32>
    %reduce_sum3A_378 = arith.constant true
    %reduce_sum3A_379 = vector.broadcast %reduce_sum3A_378 : i1 to vector<16xi1>
    %reduce_sum3A_380 = tpu.scan <sum>, %select_n3A_377 masked %reduce_sum3A_379 : vector<16xi32>, vector<16xi1> -> vector<16xi32>
    %reduce_sum3A_381 = vector.extract %reduce_sum3A_380[15] : i32 from vector<16xi32>
    %sub3A_382 = arith.constant 1 : i32
    %sub3A_383 = arith.subi %reduce_sum3A_381, %sub3A_382 : i32
    %eq3A_384 = vector.broadcast %sub3A_383 : i32 to vector<16xi32>
    %eq3A_385 = arith.cmpi eq, %iota3A, %eq3A_384 : vector<16xi32>
    %jit3A_386 = arith.constant 0 : i32
    %broadcast_in_dim3A_387 = vector.broadcast %jit3A_386 : i32 to vector<16xi32>
    %select_n3A_388 = arith.select %eq3A_385, %rev3A_367, %broadcast_in_dim3A_387 : vector<16xi1>, vector<16xi32>
    %reduce_sum3A_389 = arith.constant true
    %reduce_sum3A_390 = vector.broadcast %reduce_sum3A_389 : i1 to vector<16xi1>
    %reduce_sum3A_391 = tpu.scan <sum>, %select_n3A_388 masked %reduce_sum3A_390 : vector<16xi32>, vector<16xi1> -> vector<16xi32>
    %reduce_sum3A_392 = vector.extract %reduce_sum3A_391[15] : i32 from vector<16xi32>
    %jit3A_393 = arith.constant 0 : i32
    %broadcast_in_dim3A_394 = vector.broadcast %jit3A_393 : i32 to vector<16xi32>
    %select_n3A_395 = arith.select %eq3A_385, %select_n3A_353, %broadcast_in_dim3A_394 : vector<16xi1>, vector<16xi32>
    %reduce_sum3A_396 = arith.constant true
    %reduce_sum3A_397 = vector.broadcast %reduce_sum3A_396 : i1 to vector<16xi1>
    %reduce_sum3A_398 = tpu.scan <sum>, %select_n3A_395 masked %reduce_sum3A_397 : vector<16xi32>, vector<16xi1> -> vector<16xi32>
    %reduce_sum3A_399 = vector.extract %reduce_sum3A_398[15] : i32 from vector<16xi32>
    %add3A_400 = arith.addi %sub3A_356, %reduce_sum3A_392 : i32
    %sub3A_401 = arith.subi %add3A_400, %reduce_sum3A_399 : i32
    %sub3A_402 = arith.constant 256 : i32
    %sub3A_403 = arith.subi %sub3A_402, %sub3A_401 : i32
    %mul3A_404 = arith.constant 16 : i32
    %mul3A_405 = arith.muli %sub3A_274, %mul3A_404 : i32
    %add3A_406 = arith.addi %mul3A_405, %sub3A_383 : i32
    %broadcast_in_dim3A_407 = vector.broadcast %add3A_406 : i32 to vector<16xi32>
    %broadcast_in_dim3A_408 = arith.constant 8 : i32
    %broadcast_in_dim3A_409 = vector.broadcast %broadcast_in_dim3A_408 : i32 to vector<16xi32>
    %shift_left3A = arith.shli %broadcast_in_dim3A_29, %broadcast_in_dim3A_409 : vector<16xi32>
    %or3A = arith.ori %shift_left3A, %broadcast_in_dim3A_407 : vector<16xi32>
    %broadcast_in_dim3A_410 = arith.constant 16 : i32
    %broadcast_in_dim3A_411 = vector.broadcast %broadcast_in_dim3A_410 : i32 to vector<16xi32>
    %broadcast_in_dim3A_412 = arith.constant 24 : i32
    %broadcast_in_dim3A_413 = vector.broadcast %broadcast_in_dim3A_412 : i32 to vector<16xi32>
    %broadcast_in_dim3A_414 = arith.constant 255 : i32
    %broadcast_in_dim3A_415 = vector.broadcast %broadcast_in_dim3A_414 : i32 to vector<16xi32>
    %swap3A_416 = arith.constant 0 : index
    %swap3A_417 = tpu.vector_load %arg6[%swap3A_416] {strides = array<i32>} : memref<256xi32, #tpu.memory_space<vmem>>, vector<16xi32>,
    tpu.vector_store %arg6[%swap3A_416], %broadcast_in_dim3A_14 {strides = array<i32>} : memref<256xi32, #tpu.memory_space<vmem>>, vector<16xi32>,
    %swap3A_418 = arith.constant 16 : index
    %swap3A_419 = tpu.vector_load %arg6[%swap3A_418] {strides = array<i32>} : memref<256xi32, #tpu.memory_space<vmem>>, vector<16xi32>,
    tpu.vector_store %arg6[%swap3A_418], %broadcast_in_dim3A_14 {strides = array<i32>} : memref<256xi32, #tpu.memory_space<vmem>>, vector<16xi32>,
    %swap3A_420 = arith.constant 32 : index
    %swap3A_421 = tpu.vector_load %arg6[%swap3A_420] {strides = array<i32>} : memref<256xi32, #tpu.memory_space<vmem>>, vector<16xi32>,
    tpu.vector_store %arg6[%swap3A_420], %broadcast_in_dim3A_14 {strides = array<i32>} : memref<256xi32, #tpu.memory_space<vmem>>, vector<16xi32>,
    %swap3A_422 = arith.constant 48 : index
    %swap3A_423 = tpu.vector_load %arg6[%swap3A_422] {strides = array<i32>} : memref<256xi32, #tpu.memory_space<vmem>>, vector<16xi32>,
    tpu.vector_store %arg6[%swap3A_422], %broadcast_in_dim3A_14 {strides = array<i32>} : memref<256xi32, #tpu.memory_space<vmem>>, vector<16xi32>,
    %swap3A_424 = arith.constant 64 : index
    %swap3A_425 = tpu.vector_load %arg6[%swap3A_424] {strides = array<i32>} : memref<256xi32, #tpu.memory_space<vmem>>, vector<16xi32>,
    tpu.vector_store %arg6[%swap3A_424], %broadcast_in_dim3A_14 {strides = array<i32>} : memref<256xi32, #tpu.memory_space<vmem>>, vector<16xi32>,
    %swap3A_426 = arith.constant 80 : index
    %swap3A_427 = tpu.vector_load %arg6[%swap3A_426] {strides = array<i32>} : memref<256xi32, #tpu.memory_space<vmem>>, vector<16xi32>,
    tpu.vector_store %arg6[%swap3A_426], %broadcast_in_dim3A_14 {strides = array<i32>} : memref<256xi32, #tpu.memory_space<vmem>>, vector<16xi32>,
    %swap3A_428 = arith.constant 96 : index
    %swap3A_429 = tpu.vector_load %arg6[%swap3A_428] {strides = array<i32>} : memref<256xi32, #tpu.memory_space<vmem>>, vector<16xi32>,
    tpu.vector_store %arg6[%swap3A_428], %broadcast_in_dim3A_14 {strides = array<i32>} : memref<256xi32, #tpu.memory_space<vmem>>, vector<16xi32>,
    %swap3A_430 = arith.constant 112 : index
    %swap3A_431 = tpu.vector_load %arg6[%swap3A_430] {strides = array<i32>} : memref<256xi32, #tpu.memory_space<vmem>>, vector<16xi32>,
    tpu.vector_store %arg6[%swap3A_430], %broadcast_in_dim3A_14 {strides = array<i32>} : memref<256xi32, #tpu.memory_space<vmem>>, vector<16xi32>,
    %swap3A_432 = arith.constant 128 : index
    %swap3A_433 = tpu.vector_load %arg6[%swap3A_432] {strides = array<i32>} : memref<256xi32, #tpu.memory_space<vmem>>, vector<16xi32>,
    tpu.vector_store %arg6[%swap3A_432], %broadcast_in_dim3A_14 {strides = array<i32>} : memref<256xi32, #tpu.memory_space<vmem>>, vector<16xi32>,
    %swap3A_434 = arith.constant 144 : index
    %swap3A_435 = tpu.vector_load %arg6[%swap3A_434] {strides = array<i32>} : memref<256xi32, #tpu.memory_space<vmem>>, vector<16xi32>,
    tpu.vector_store %arg6[%swap3A_434], %broadcast_in_dim3A_14 {strides = array<i32>} : memref<256xi32, #tpu.memory_space<vmem>>, vector<16xi32>,
    %swap3A_436 = arith.constant 160 : index
    %swap3A_437 = tpu.vector_load %arg6[%swap3A_436] {strides = array<i32>} : memref<256xi32, #tpu.memory_space<vmem>>, vector<16xi32>,
    tpu.vector_store %arg6[%swap3A_436], %broadcast_in_dim3A_14 {strides = array<i32>} : memref<256xi32, #tpu.memory_space<vmem>>, vector<16xi32>,
    %swap3A_438 = arith.constant 176 : index
    %swap3A_439 = tpu.vector_load %arg6[%swap3A_438] {strides = array<i32>} : memref<256xi32, #tpu.memory_space<vmem>>, vector<16xi32>,
    tpu.vector_store %arg6[%swap3A_438], %broadcast_in_dim3A_14 {strides = array<i32>} : memref<256xi32, #tpu.memory_space<vmem>>, vector<16xi32>,
    %swap3A_440 = arith.constant 192 : index
    %swap3A_441 = tpu.vector_load %arg6[%swap3A_440] {strides = array<i32>} : memref<256xi32, #tpu.memory_space<vmem>>, vector<16xi32>,
    tpu.vector_store %arg6[%swap3A_440], %broadcast_in_dim3A_14 {strides = array<i32>} : memref<256xi32, #tpu.memory_space<vmem>>, vector<16xi32>,
    %swap3A_442 = arith.constant 208 : index
    %swap3A_443 = tpu.vector_load %arg6[%swap3A_442] {strides = array<i32>} : memref<256xi32, #tpu.memory_space<vmem>>, vector<16xi32>,
    tpu.vector_store %arg6[%swap3A_442], %broadcast_in_dim3A_14 {strides = array<i32>} : memref<256xi32, #tpu.memory_space<vmem>>, vector<16xi32>,
    %swap3A_444 = arith.constant 224 : index
    %swap3A_445 = tpu.vector_load %arg6[%swap3A_444] {strides = array<i32>} : memref<256xi32, #tpu.memory_space<vmem>>, vector<16xi32>,
    tpu.vector_store %arg6[%swap3A_444], %broadcast_in_dim3A_14 {strides = array<i32>} : memref<256xi32, #tpu.memory_space<vmem>>, vector<16xi32>,
    %swap3A_446 = arith.constant 240 : index
    %swap3A_447 = tpu.vector_load %arg6[%swap3A_446] {strides = array<i32>} : memref<256xi32, #tpu.memory_space<vmem>>, vector<16xi32>,
    tpu.vector_store %arg6[%swap3A_446], %broadcast_in_dim3A_14 {strides = array<i32>} : memref<256xi32, #tpu.memory_space<vmem>>, vector<16xi32>,
    %parallel_loop3A_448 = arith.constant 0 : i32
    %parallel_loop3A_449 = arith.constant 512 : i32
    %parallel_loop3A_450 = arith.constant 1 : i32
    scf.for %parallel_loop3A_1564 = %parallel_loop3A_448 to %parallel_loop3A_449 step %parallel_loop3A_450  : i32 {
      %parallel_loop3A_1565 = arith.constant 16 : i32
      %parallel_loop3A_1566 = arith.muli %parallel_loop3A_1564, %parallel_loop3A_1565 : i32
      %parallel_loop3A_1567 = arith.constant 0 : i32
      %parallel_loop3A_1568 = tpu.memref_slice %arg5[%parallel_loop3A_1567] : memref<8192xi32, #tpu.memory_space<vmem>> -> memref<8192xi32, #tpu.memory_space<vmem>>
      %parallel_loop3A_1569 = arith.index_cast %parallel_loop3A_1566 : i32 to index
      %parallel_loop3A_1570 = tpu.vector_load %parallel_loop3A_1568[%parallel_loop3A_1569] {strides = array<i32>} : memref<8192xi32, #tpu.memory_space<vmem>>, vector<16xi32>,
      %parallel_loop3A_1571 = arith.shrui %parallel_loop3A_1570, %broadcast_in_dim3A_413 : vector<16xi32>
      %parallel_loop3A_1572 = arith.cmpi eq, %parallel_loop3A_1571, %or3A : vector<16xi32>
      %parallel_loop3A_1573 = arith.shrui %parallel_loop3A_1570, %broadcast_in_dim3A_411 : vector<16xi32>
      %parallel_loop3A_1574 = arith.andi %parallel_loop3A_1573, %broadcast_in_dim3A_415 : vector<16xi32>
      tpu.vector_store_idx %arg6[%parallel_loop3A_1574], %broadcast_in_dim3A_16 masked %parallel_loop3A_1572 {add = true} : memref<256xi32, #tpu.memory_space<vmem>>[vector<16xi32>], vector<16xi32>, vector<16xi1>
    } {sc.loop_unroll_factor = 8 : i64, sc.parallel_access}
    %get3A_451 = arith.constant 0 : index
    %get3A_452 = tpu.vector_load %arg6[%get3A_451] {strides = array<i32>} : memref<256xi32, #tpu.memory_space<vmem>>, vector<16xi32>,
    %get3A_453 = arith.constant 16 : index
    %get3A_454 = tpu.vector_load %arg6[%get3A_453] {strides = array<i32>} : memref<256xi32, #tpu.memory_space<vmem>>, vector<16xi32>,
    %get3A_455 = arith.constant 32 : index
    %get3A_456 = tpu.vector_load %arg6[%get3A_455] {strides = array<i32>} : memref<256xi32, #tpu.memory_space<vmem>>, vector<16xi32>,
    %get3A_457 = arith.constant 48 : index
    %get3A_458 = tpu.vector_load %arg6[%get3A_457] {strides = array<i32>} : memref<256xi32, #tpu.memory_space<vmem>>, vector<16xi32>,
    %get3A_459 = arith.constant 64 : index
    %get3A_460 = tpu.vector_load %arg6[%get3A_459] {strides = array<i32>} : memref<256xi32, #tpu.memory_space<vmem>>, vector<16xi32>,
    %get3A_461 = arith.constant 80 : index
    %get3A_462 = tpu.vector_load %arg6[%get3A_461] {strides = array<i32>} : memref<256xi32, #tpu.memory_space<vmem>>, vector<16xi32>,
    %get3A_463 = arith.constant 96 : index
    %get3A_464 = tpu.vector_load %arg6[%get3A_463] {strides = array<i32>} : memref<256xi32, #tpu.memory_space<vmem>>, vector<16xi32>,
    %get3A_465 = arith.constant 112 : index
    %get3A_466 = tpu.vector_load %arg6[%get3A_465] {strides = array<i32>} : memref<256xi32, #tpu.memory_space<vmem>>, vector<16xi32>,
    %get3A_467 = arith.constant 128 : index
    %get3A_468 = tpu.vector_load %arg6[%get3A_467] {strides = array<i32>} : memref<256xi32, #tpu.memory_space<vmem>>, vector<16xi32>,
    %get3A_469 = arith.constant 144 : index
    %get3A_470 = tpu.vector_load %arg6[%get3A_469] {strides = array<i32>} : memref<256xi32, #tpu.memory_space<vmem>>, vector<16xi32>,
    %get3A_471 = arith.constant 160 : index
    %get3A_472 = tpu.vector_load %arg6[%get3A_471] {strides = array<i32>} : memref<256xi32, #tpu.memory_space<vmem>>, vector<16xi32>,
    %get3A_473 = arith.constant 176 : index
    %get3A_474 = tpu.vector_load %arg6[%get3A_473] {strides = array<i32>} : memref<256xi32, #tpu.memory_space<vmem>>, vector<16xi32>,
    %get3A_475 = arith.constant 192 : index
    %get3A_476 = tpu.vector_load %arg6[%get3A_475] {strides = array<i32>} : memref<256xi32, #tpu.memory_space<vmem>>, vector<16xi32>,
    %get3A_477 = arith.constant 208 : index
    %get3A_478 = tpu.vector_load %arg6[%get3A_477] {strides = array<i32>} : memref<256xi32, #tpu.memory_space<vmem>>, vector<16xi32>,
    %get3A_479 = arith.constant 224 : index
    %get3A_480 = tpu.vector_load %arg6[%get3A_479] {strides = array<i32>} : memref<256xi32, #tpu.memory_space<vmem>>, vector<16xi32>,
    %get3A_481 = arith.constant 240 : index
    %get3A_482 = tpu.vector_load %arg6[%get3A_481] {strides = array<i32>} : memref<256xi32, #tpu.memory_space<vmem>>, vector<16xi32>,
    %reduce_sum3A_483 = arith.constant true
    %reduce_sum3A_484 = vector.broadcast %reduce_sum3A_483 : i1 to vector<16xi1>
    %reduce_sum3A_485 = tpu.scan <sum>, %get3A_452 masked %reduce_sum3A_484 : vector<16xi32>, vector<16xi1> -> vector<16xi32>
    %reduce_sum3A_486 = vector.extract %reduce_sum3A_485[15] : i32 from vector<16xi32>
    %reduce_sum3A_487 = arith.constant true
    %reduce_sum3A_488 = vector.broadcast %reduce_sum3A_487 : i1 to vector<16xi1>
    %reduce_sum3A_489 = tpu.scan <sum>, %get3A_454 masked %reduce_sum3A_488 : vector<16xi32>, vector<16xi1> -> vector<16xi32>
    %reduce_sum3A_490 = vector.extract %reduce_sum3A_489[15] : i32 from vector<16xi32>
    %reduce_sum3A_491 = arith.constant true
    %reduce_sum3A_492 = vector.broadcast %reduce_sum3A_491 : i1 to vector<16xi1>
    %reduce_sum3A_493 = tpu.scan <sum>, %get3A_456 masked %reduce_sum3A_492 : vector<16xi32>, vector<16xi1> -> vector<16xi32>
    %reduce_sum3A_494 = vector.extract %reduce_sum3A_493[15] : i32 from vector<16xi32>
    %reduce_sum3A_495 = arith.constant true
    %reduce_sum3A_496 = vector.broadcast %reduce_sum3A_495 : i1 to vector<16xi1>
    %reduce_sum3A_497 = tpu.scan <sum>, %get3A_458 masked %reduce_sum3A_496 : vector<16xi32>, vector<16xi1> -> vector<16xi32>
    %reduce_sum3A_498 = vector.extract %reduce_sum3A_497[15] : i32 from vector<16xi32>
    %reduce_sum3A_499 = arith.constant true
    %reduce_sum3A_500 = vector.broadcast %reduce_sum3A_499 : i1 to vector<16xi1>
    %reduce_sum3A_501 = tpu.scan <sum>, %get3A_460 masked %reduce_sum3A_500 : vector<16xi32>, vector<16xi1> -> vector<16xi32>
    %reduce_sum3A_502 = vector.extract %reduce_sum3A_501[15] : i32 from vector<16xi32>
    %reduce_sum3A_503 = arith.constant true
    %reduce_sum3A_504 = vector.broadcast %reduce_sum3A_503 : i1 to vector<16xi1>
    %reduce_sum3A_505 = tpu.scan <sum>, %get3A_462 masked %reduce_sum3A_504 : vector<16xi32>, vector<16xi1> -> vector<16xi32>
    %reduce_sum3A_506 = vector.extract %reduce_sum3A_505[15] : i32 from vector<16xi32>
    %reduce_sum3A_507 = arith.constant true
    %reduce_sum3A_508 = vector.broadcast %reduce_sum3A_507 : i1 to vector<16xi1>
    %reduce_sum3A_509 = tpu.scan <sum>, %get3A_464 masked %reduce_sum3A_508 : vector<16xi32>, vector<16xi1> -> vector<16xi32>
    %reduce_sum3A_510 = vector.extract %reduce_sum3A_509[15] : i32 from vector<16xi32>
    %reduce_sum3A_511 = arith.constant true
    %reduce_sum3A_512 = vector.broadcast %reduce_sum3A_511 : i1 to vector<16xi1>
    %reduce_sum3A_513 = tpu.scan <sum>, %get3A_466 masked %reduce_sum3A_512 : vector<16xi32>, vector<16xi1> -> vector<16xi32>
    %reduce_sum3A_514 = vector.extract %reduce_sum3A_513[15] : i32 from vector<16xi32>
    %reduce_sum3A_515 = arith.constant true
    %reduce_sum3A_516 = vector.broadcast %reduce_sum3A_515 : i1 to vector<16xi1>
    %reduce_sum3A_517 = tpu.scan <sum>, %get3A_468 masked %reduce_sum3A_516 : vector<16xi32>, vector<16xi1> -> vector<16xi32>
    %reduce_sum3A_518 = vector.extract %reduce_sum3A_517[15] : i32 from vector<16xi32>
    %reduce_sum3A_519 = arith.constant true
    %reduce_sum3A_520 = vector.broadcast %reduce_sum3A_519 : i1 to vector<16xi1>
    %reduce_sum3A_521 = tpu.scan <sum>, %get3A_470 masked %reduce_sum3A_520 : vector<16xi32>, vector<16xi1> -> vector<16xi32>
    %reduce_sum3A_522 = vector.extract %reduce_sum3A_521[15] : i32 from vector<16xi32>
    %reduce_sum3A_523 = arith.constant true
    %reduce_sum3A_524 = vector.broadcast %reduce_sum3A_523 : i1 to vector<16xi1>
    %reduce_sum3A_525 = tpu.scan <sum>, %get3A_472 masked %reduce_sum3A_524 : vector<16xi32>, vector<16xi1> -> vector<16xi32>
    %reduce_sum3A_526 = vector.extract %reduce_sum3A_525[15] : i32 from vector<16xi32>
    %reduce_sum3A_527 = arith.constant true
    %reduce_sum3A_528 = vector.broadcast %reduce_sum3A_527 : i1 to vector<16xi1>
    %reduce_sum3A_529 = tpu.scan <sum>, %get3A_474 masked %reduce_sum3A_528 : vector<16xi32>, vector<16xi1> -> vector<16xi32>
    %reduce_sum3A_530 = vector.extract %reduce_sum3A_529[15] : i32 from vector<16xi32>
    %reduce_sum3A_531 = arith.constant true
    %reduce_sum3A_532 = vector.broadcast %reduce_sum3A_531 : i1 to vector<16xi1>
    %reduce_sum3A_533 = tpu.scan <sum>, %get3A_476 masked %reduce_sum3A_532 : vector<16xi32>, vector<16xi1> -> vector<16xi32>
    %reduce_sum3A_534 = vector.extract %reduce_sum3A_533[15] : i32 from vector<16xi32>
    %reduce_sum3A_535 = arith.constant true
    %reduce_sum3A_536 = vector.broadcast %reduce_sum3A_535 : i1 to vector<16xi1>
    %reduce_sum3A_537 = tpu.scan <sum>, %get3A_478 masked %reduce_sum3A_536 : vector<16xi32>, vector<16xi1> -> vector<16xi32>
    %reduce_sum3A_538 = vector.extract %reduce_sum3A_537[15] : i32 from vector<16xi32>
    %reduce_sum3A_539 = arith.constant true
    %reduce_sum3A_540 = vector.broadcast %reduce_sum3A_539 : i1 to vector<16xi1>
    %reduce_sum3A_541 = tpu.scan <sum>, %get3A_480 masked %reduce_sum3A_540 : vector<16xi32>, vector<16xi1> -> vector<16xi32>
    %reduce_sum3A_542 = vector.extract %reduce_sum3A_541[15] : i32 from vector<16xi32>
    %reduce_sum3A_543 = arith.constant true
    %reduce_sum3A_544 = vector.broadcast %reduce_sum3A_543 : i1 to vector<16xi1>
    %reduce_sum3A_545 = tpu.scan <sum>, %get3A_482 masked %reduce_sum3A_544 : vector<16xi32>, vector<16xi1> -> vector<16xi32>
    %reduce_sum3A_546 = vector.extract %reduce_sum3A_545[15] : i32 from vector<16xi32>
    %add3A_547 = arith.constant 0 : i32
    %add3A_548 = arith.addi %add3A_547, %reduce_sum3A_546 : i32
    %add3A_549 = arith.addi %add3A_548, %reduce_sum3A_542 : i32
    %add3A_550 = arith.addi %add3A_549, %reduce_sum3A_538 : i32
    %add3A_551 = arith.addi %add3A_550, %reduce_sum3A_534 : i32
    %add3A_552 = arith.addi %add3A_551, %reduce_sum3A_530 : i32
    %add3A_553 = arith.addi %add3A_552, %reduce_sum3A_526 : i32
    %add3A_554 = arith.addi %add3A_553, %reduce_sum3A_522 : i32
    %add3A_555 = arith.addi %add3A_554, %reduce_sum3A_518 : i32
    %add3A_556 = arith.addi %add3A_555, %reduce_sum3A_514 : i32
    %add3A_557 = arith.addi %add3A_556, %reduce_sum3A_510 : i32
    %add3A_558 = arith.addi %add3A_557, %reduce_sum3A_506 : i32
    %add3A_559 = arith.addi %add3A_558, %reduce_sum3A_502 : i32
    %add3A_560 = arith.addi %add3A_559, %reduce_sum3A_498 : i32
    %add3A_561 = arith.addi %add3A_560, %reduce_sum3A_494 : i32
    %add3A_562 = arith.addi %add3A_561, %reduce_sum3A_490 : i32
    %add3A_563 = arith.addi %add3A_562, %reduce_sum3A_486 : i32
    %ge3A_564 = arith.cmpi sge, %add3A_563, %sub3A_403 : i32
    %jit3A_565 = arith.constant 1 : i32
    %jit3A_566 = arith.constant 0 : i32
    %select_n3A_567 = arith.select %ge3A_564, %jit3A_565, %jit3A_566 : i32
    %add3A_568 = arith.constant 0 : i32
    %add3A_569 = arith.addi %add3A_568, %select_n3A_567 : i32
    %ge3A_570 = arith.cmpi sge, %add3A_562, %sub3A_403 : i32
    %jit3A_571 = arith.constant 1 : i32
    %jit3A_572 = arith.constant 0 : i32
    %select_n3A_573 = arith.select %ge3A_570, %jit3A_571, %jit3A_572 : i32
    %add3A_574 = arith.addi %add3A_569, %select_n3A_573 : i32
    %ge3A_575 = arith.cmpi sge, %add3A_561, %sub3A_403 : i32
    %jit3A_576 = arith.constant 1 : i32
    %jit3A_577 = arith.constant 0 : i32
    %select_n3A_578 = arith.select %ge3A_575, %jit3A_576, %jit3A_577 : i32
    %add3A_579 = arith.addi %add3A_574, %select_n3A_578 : i32
    %ge3A_580 = arith.cmpi sge, %add3A_560, %sub3A_403 : i32
    %jit3A_581 = arith.constant 1 : i32
    %jit3A_582 = arith.constant 0 : i32
    %select_n3A_583 = arith.select %ge3A_580, %jit3A_581, %jit3A_582 : i32
    %add3A_584 = arith.addi %add3A_579, %select_n3A_583 : i32
    %ge3A_585 = arith.cmpi sge, %add3A_559, %sub3A_403 : i32
    %jit3A_586 = arith.constant 1 : i32
    %jit3A_587 = arith.constant 0 : i32
    %select_n3A_588 = arith.select %ge3A_585, %jit3A_586, %jit3A_587 : i32
    %add3A_589 = arith.addi %add3A_584, %select_n3A_588 : i32
    %ge3A_590 = arith.cmpi sge, %add3A_558, %sub3A_403 : i32
    %jit3A_591 = arith.constant 1 : i32
    %jit3A_592 = arith.constant 0 : i32
    %select_n3A_593 = arith.select %ge3A_590, %jit3A_591, %jit3A_592 : i32
    %add3A_594 = arith.addi %add3A_589, %select_n3A_593 : i32
    %ge3A_595 = arith.cmpi sge, %add3A_557, %sub3A_403 : i32
    %jit3A_596 = arith.constant 1 : i32
    %jit3A_597 = arith.constant 0 : i32
    %select_n3A_598 = arith.select %ge3A_595, %jit3A_596, %jit3A_597 : i32
    %add3A_599 = arith.addi %add3A_594, %select_n3A_598 : i32
    %ge3A_600 = arith.cmpi sge, %add3A_556, %sub3A_403 : i32
    %jit3A_601 = arith.constant 1 : i32
    %jit3A_602 = arith.constant 0 : i32
    %select_n3A_603 = arith.select %ge3A_600, %jit3A_601, %jit3A_602 : i32
    %add3A_604 = arith.addi %add3A_599, %select_n3A_603 : i32
    %ge3A_605 = arith.cmpi sge, %add3A_555, %sub3A_403 : i32
    %jit3A_606 = arith.constant 1 : i32
    %jit3A_607 = arith.constant 0 : i32
    %select_n3A_608 = arith.select %ge3A_605, %jit3A_606, %jit3A_607 : i32
    %add3A_609 = arith.addi %add3A_604, %select_n3A_608 : i32
    %ge3A_610 = arith.cmpi sge, %add3A_554, %sub3A_403 : i32
    %jit3A_611 = arith.constant 1 : i32
    %jit3A_612 = arith.constant 0 : i32
    %select_n3A_613 = arith.select %ge3A_610, %jit3A_611, %jit3A_612 : i32
    %add3A_614 = arith.addi %add3A_609, %select_n3A_613 : i32
    %ge3A_615 = arith.cmpi sge, %add3A_553, %sub3A_403 : i32
    %jit3A_616 = arith.constant 1 : i32
    %jit3A_617 = arith.constant 0 : i32
    %select_n3A_618 = arith.select %ge3A_615, %jit3A_616, %jit3A_617 : i32
    %add3A_619 = arith.addi %add3A_614, %select_n3A_618 : i32
    %ge3A_620 = arith.cmpi sge, %add3A_552, %sub3A_403 : i32
    %jit3A_621 = arith.constant 1 : i32
    %jit3A_622 = arith.constant 0 : i32
    %select_n3A_623 = arith.select %ge3A_620, %jit3A_621, %jit3A_622 : i32
    %add3A_624 = arith.addi %add3A_619, %select_n3A_623 : i32
    %ge3A_625 = arith.cmpi sge, %add3A_551, %sub3A_403 : i32
    %jit3A_626 = arith.constant 1 : i32
    %jit3A_627 = arith.constant 0 : i32
    %select_n3A_628 = arith.select %ge3A_625, %jit3A_626, %jit3A_627 : i32
    %add3A_629 = arith.addi %add3A_624, %select_n3A_628 : i32
    %ge3A_630 = arith.cmpi sge, %add3A_550, %sub3A_403 : i32
    %jit3A_631 = arith.constant 1 : i32
    %jit3A_632 = arith.constant 0 : i32
    %select_n3A_633 = arith.select %ge3A_630, %jit3A_631, %jit3A_632 : i32
    %add3A_634 = arith.addi %add3A_629, %select_n3A_633 : i32
    %ge3A_635 = arith.cmpi sge, %add3A_549, %sub3A_403 : i32
    %jit3A_636 = arith.constant 1 : i32
    %jit3A_637 = arith.constant 0 : i32
    %select_n3A_638 = arith.select %ge3A_635, %jit3A_636, %jit3A_637 : i32
    %add3A_639 = arith.addi %add3A_634, %select_n3A_638 : i32
    %ge3A_640 = arith.cmpi sge, %add3A_548, %sub3A_403 : i32
    %jit3A_641 = arith.constant 1 : i32
    %jit3A_642 = arith.constant 0 : i32
    %select_n3A_643 = arith.select %ge3A_640, %jit3A_641, %jit3A_642 : i32
    %add3A_644 = arith.addi %add3A_639, %select_n3A_643 : i32
    %sub3A_645 = arith.constant 1 : i32
    %sub3A_646 = arith.subi %add3A_644, %sub3A_645 : i32
    %eq3A_647 = arith.constant 0 : i32
    %eq3A_648 = arith.cmpi eq, %sub3A_646, %eq3A_647 : i32
    %select_n3A_649 = arith.select %eq3A_648, %get3A_452, %broadcast_in_dim3A_14 : vector<16xi32>
    %jit3A_650 = arith.constant 0 : i32
    %select_n3A_651 = arith.select %eq3A_648, %add3A_563, %jit3A_650 : i32
    %jit3A_652 = arith.constant 0 : i32
    %select_n3A_653 = arith.select %eq3A_648, %reduce_sum3A_486, %jit3A_652 : i32
    %eq3A_654 = arith.constant 1 : i32
    %eq3A_655 = arith.cmpi eq, %sub3A_646, %eq3A_654 : i32
    %select_n3A_656 = arith.select %eq3A_655, %get3A_454, %select_n3A_649 : vector<16xi32>
    %select_n3A_657 = arith.select %eq3A_655, %add3A_562, %select_n3A_651 : i32
    %select_n3A_658 = arith.select %eq3A_655, %reduce_sum3A_490, %select_n3A_653 : i32
    %eq3A_659 = arith.constant 2 : i32
    %eq3A_660 = arith.cmpi eq, %sub3A_646, %eq3A_659 : i32
    %select_n3A_661 = arith.select %eq3A_660, %get3A_456, %select_n3A_656 : vector<16xi32>
    %select_n3A_662 = arith.select %eq3A_660, %add3A_561, %select_n3A_657 : i32
    %select_n3A_663 = arith.select %eq3A_660, %reduce_sum3A_494, %select_n3A_658 : i32
    %eq3A_664 = arith.constant 3 : i32
    %eq3A_665 = arith.cmpi eq, %sub3A_646, %eq3A_664 : i32
    %select_n3A_666 = arith.select %eq3A_665, %get3A_458, %select_n3A_661 : vector<16xi32>
    %select_n3A_667 = arith.select %eq3A_665, %add3A_560, %select_n3A_662 : i32
    %select_n3A_668 = arith.select %eq3A_665, %reduce_sum3A_498, %select_n3A_663 : i32
    %eq3A_669 = arith.constant 4 : i32
    %eq3A_670 = arith.cmpi eq, %sub3A_646, %eq3A_669 : i32
    %select_n3A_671 = arith.select %eq3A_670, %get3A_460, %select_n3A_666 : vector<16xi32>
    %select_n3A_672 = arith.select %eq3A_670, %add3A_559, %select_n3A_667 : i32
    %select_n3A_673 = arith.select %eq3A_670, %reduce_sum3A_502, %select_n3A_668 : i32
    %eq3A_674 = arith.constant 5 : i32
    %eq3A_675 = arith.cmpi eq, %sub3A_646, %eq3A_674 : i32
    %select_n3A_676 = arith.select %eq3A_675, %get3A_462, %select_n3A_671 : vector<16xi32>
    %select_n3A_677 = arith.select %eq3A_675, %add3A_558, %select_n3A_672 : i32
    %select_n3A_678 = arith.select %eq3A_675, %reduce_sum3A_506, %select_n3A_673 : i32
    %eq3A_679 = arith.constant 6 : i32
    %eq3A_680 = arith.cmpi eq, %sub3A_646, %eq3A_679 : i32
    %select_n3A_681 = arith.select %eq3A_680, %get3A_464, %select_n3A_676 : vector<16xi32>
    %select_n3A_682 = arith.select %eq3A_680, %add3A_557, %select_n3A_677 : i32
    %select_n3A_683 = arith.select %eq3A_680, %reduce_sum3A_510, %select_n3A_678 : i32
    %eq3A_684 = arith.constant 7 : i32
    %eq3A_685 = arith.cmpi eq, %sub3A_646, %eq3A_684 : i32
    %select_n3A_686 = arith.select %eq3A_685, %get3A_466, %select_n3A_681 : vector<16xi32>
    %select_n3A_687 = arith.select %eq3A_685, %add3A_556, %select_n3A_682 : i32
    %select_n3A_688 = arith.select %eq3A_685, %reduce_sum3A_514, %select_n3A_683 : i32
    %eq3A_689 = arith.constant 8 : i32
    %eq3A_690 = arith.cmpi eq, %sub3A_646, %eq3A_689 : i32
    %select_n3A_691 = arith.select %eq3A_690, %get3A_468, %select_n3A_686 : vector<16xi32>
    %select_n3A_692 = arith.select %eq3A_690, %add3A_555, %select_n3A_687 : i32
    %select_n3A_693 = arith.select %eq3A_690, %reduce_sum3A_518, %select_n3A_688 : i32
    %eq3A_694 = arith.constant 9 : i32
    %eq3A_695 = arith.cmpi eq, %sub3A_646, %eq3A_694 : i32
    %select_n3A_696 = arith.select %eq3A_695, %get3A_470, %select_n3A_691 : vector<16xi32>
    %select_n3A_697 = arith.select %eq3A_695, %add3A_554, %select_n3A_692 : i32
    %select_n3A_698 = arith.select %eq3A_695, %reduce_sum3A_522, %select_n3A_693 : i32
    %eq3A_699 = arith.constant 10 : i32
    %eq3A_700 = arith.cmpi eq, %sub3A_646, %eq3A_699 : i32
    %select_n3A_701 = arith.select %eq3A_700, %get3A_472, %select_n3A_696 : vector<16xi32>
    %select_n3A_702 = arith.select %eq3A_700, %add3A_553, %select_n3A_697 : i32
    %select_n3A_703 = arith.select %eq3A_700, %reduce_sum3A_526, %select_n3A_698 : i32
    %eq3A_704 = arith.constant 11 : i32
    %eq3A_705 = arith.cmpi eq, %sub3A_646, %eq3A_704 : i32
    %select_n3A_706 = arith.select %eq3A_705, %get3A_474, %select_n3A_701 : vector<16xi32>
    %select_n3A_707 = arith.select %eq3A_705, %add3A_552, %select_n3A_702 : i32
    %select_n3A_708 = arith.select %eq3A_705, %reduce_sum3A_530, %select_n3A_703 : i32
    %eq3A_709 = arith.constant 12 : i32
    %eq3A_710 = arith.cmpi eq, %sub3A_646, %eq3A_709 : i32
    %select_n3A_711 = arith.select %eq3A_710, %get3A_476, %select_n3A_706 : vector<16xi32>
    %select_n3A_712 = arith.select %eq3A_710, %add3A_551, %select_n3A_707 : i32
    %select_n3A_713 = arith.select %eq3A_710, %reduce_sum3A_534, %select_n3A_708 : i32
    %eq3A_714 = arith.constant 13 : i32
    %eq3A_715 = arith.cmpi eq, %sub3A_646, %eq3A_714 : i32
    %select_n3A_716 = arith.select %eq3A_715, %get3A_478, %select_n3A_711 : vector<16xi32>
    %select_n3A_717 = arith.select %eq3A_715, %add3A_550, %select_n3A_712 : i32
    %select_n3A_718 = arith.select %eq3A_715, %reduce_sum3A_538, %select_n3A_713 : i32
    %eq3A_719 = arith.constant 14 : i32
    %eq3A_720 = arith.cmpi eq, %sub3A_646, %eq3A_719 : i32
    %select_n3A_721 = arith.select %eq3A_720, %get3A_480, %select_n3A_716 : vector<16xi32>
    %select_n3A_722 = arith.select %eq3A_720, %add3A_549, %select_n3A_717 : i32
    %select_n3A_723 = arith.select %eq3A_720, %reduce_sum3A_542, %select_n3A_718 : i32
    %eq3A_724 = arith.constant 15 : i32
    %eq3A_725 = arith.cmpi eq, %sub3A_646, %eq3A_724 : i32
    %select_n3A_726 = arith.select %eq3A_725, %get3A_482, %select_n3A_721 : vector<16xi32>
    %select_n3A_727 = arith.select %eq3A_725, %add3A_548, %select_n3A_722 : i32
    %select_n3A_728 = arith.select %eq3A_725, %reduce_sum3A_546, %select_n3A_723 : i32
    %sub3A_729 = arith.subi %select_n3A_727, %select_n3A_728 : i32
    %rev3A_730 = arith.constant 15 : i32
    %rev3A_731 = vector.broadcast %rev3A_730 : i32 to vector<16xi32>
    %rev3A_732 = tpu.iota {dimensions = array<i32: 0>} : vector<16xi32>
    %rev3A_733 = arith.subi %rev3A_731, %rev3A_732 : vector<16xi32>
    %rev3A_734 = tpu.dynamic_gather %select_n3A_726[%rev3A_733] in [0] : vector<16xi32>, vector<16xi32> -> vector<16xi32>
    %broadcast_in_dim3A_735 = arith.constant true
    %broadcast_in_dim3A_736 = vector.broadcast %broadcast_in_dim3A_735 : i1 to vector<16xi1>
    %masked_cumsum3A_737 = tpu.scan <sum>, %rev3A_734 masked %broadcast_in_dim3A_736 : vector<16xi32>, vector<16xi1> -> vector<16xi32>
    %rev3A_738 = arith.constant 15 : i32
    %rev3A_739 = vector.broadcast %rev3A_738 : i32 to vector<16xi32>
    %rev3A_740 = tpu.iota {dimensions = array<i32: 0>} : vector<16xi32>
    %rev3A_741 = arith.subi %rev3A_739, %rev3A_740 : vector<16xi32>
    %rev3A_742 = tpu.dynamic_gather %masked_cumsum3A_737[%rev3A_741] in [0] : vector<16xi32>, vector<16xi32> -> vector<16xi32>
    %add3A_743 = vector.broadcast %sub3A_729 : i32 to vector<16xi32>
    %add3A_744 = arith.addi %rev3A_742, %add3A_743 : vector<16xi32>
    %ge3A_745 = vector.broadcast %sub3A_403 : i32 to vector<16xi32>
    %ge3A_746 = arith.cmpi sge, %add3A_744, %ge3A_745 : vector<16xi32>
    %jit3A_747 = arith.constant 1 : i32
    %jit3A_748 = arith.constant 0 : i32
    %broadcast_in_dim3A_749 = vector.broadcast %jit3A_747 : i32 to vector<16xi32>
    %broadcast_in_dim3A_750 = vector.broadcast %jit3A_748 : i32 to vector<16xi32>
    %select_n3A_751 = arith.select %ge3A_746, %broadcast_in_dim3A_749, %broadcast_in_dim3A_750 : vector<16xi1>, vector<16xi32>
    %reduce_sum3A_752 = arith.constant true
    %reduce_sum3A_753 = vector.broadcast %reduce_sum3A_752 : i1 to vector<16xi1>
    %reduce_sum3A_754 = tpu.scan <sum>, %select_n3A_751 masked %reduce_sum3A_753 : vector<16xi32>, vector<16xi1> -> vector<16xi32>
    %reduce_sum3A_755 = vector.extract %reduce_sum3A_754[15] : i32 from vector<16xi32>
    %sub3A_756 = arith.constant 1 : i32
    %sub3A_757 = arith.subi %reduce_sum3A_755, %sub3A_756 : i32
    %eq3A_758 = vector.broadcast %sub3A_757 : i32 to vector<16xi32>
    %eq3A_759 = arith.cmpi eq, %iota3A, %eq3A_758 : vector<16xi32>
    %jit3A_760 = arith.constant 0 : i32
    %broadcast_in_dim3A_761 = vector.broadcast %jit3A_760 : i32 to vector<16xi32>
    %select_n3A_762 = arith.select %eq3A_759, %rev3A_742, %broadcast_in_dim3A_761 : vector<16xi1>, vector<16xi32>
    %reduce_sum3A_763 = arith.constant true
    %reduce_sum3A_764 = vector.broadcast %reduce_sum3A_763 : i1 to vector<16xi1>
    %reduce_sum3A_765 = tpu.scan <sum>, %select_n3A_762 masked %reduce_sum3A_764 : vector<16xi32>, vector<16xi1> -> vector<16xi32>
    %reduce_sum3A_766 = vector.extract %reduce_sum3A_765[15] : i32 from vector<16xi32>
    %jit3A_767 = arith.constant 0 : i32
    %broadcast_in_dim3A_768 = vector.broadcast %jit3A_767 : i32 to vector<16xi32>
    %select_n3A_769 = arith.select %eq3A_759, %select_n3A_726, %broadcast_in_dim3A_768 : vector<16xi1>, vector<16xi32>
    %reduce_sum3A_770 = arith.constant true
    %reduce_sum3A_771 = vector.broadcast %reduce_sum3A_770 : i1 to vector<16xi1>
    %reduce_sum3A_772 = tpu.scan <sum>, %select_n3A_769 masked %reduce_sum3A_771 : vector<16xi32>, vector<16xi1> -> vector<16xi32>
    %reduce_sum3A_773 = vector.extract %reduce_sum3A_772[15] : i32 from vector<16xi32>
    %add3A_774 = arith.addi %sub3A_729, %reduce_sum3A_766 : i32
    %sub3A_775 = arith.subi %add3A_774, %reduce_sum3A_773 : i32
    %sub3A_776 = arith.subi %sub3A_403, %sub3A_775 : i32
    %mul3A_777 = arith.constant 16 : i32
    %mul3A_778 = arith.muli %sub3A_646, %mul3A_777 : i32
    %add3A_779 = arith.addi %mul3A_778, %sub3A_757 : i32
    %broadcast_in_dim3A_780 = vector.broadcast %add3A_779 : i32 to vector<16xi32>
    %broadcast_in_dim3A_781 = arith.constant 8 : i32
    %broadcast_in_dim3A_782 = vector.broadcast %broadcast_in_dim3A_781 : i32 to vector<16xi32>
    %shift_left3A_783 = arith.shli %or3A, %broadcast_in_dim3A_782 : vector<16xi32>
    %or3A_784 = arith.ori %shift_left3A_783, %broadcast_in_dim3A_780 : vector<16xi32>
    %broadcast_in_dim3A_785 = arith.constant 8 : i32
    %broadcast_in_dim3A_786 = vector.broadcast %broadcast_in_dim3A_785 : i32 to vector<16xi32>
    %broadcast_in_dim3A_787 = arith.constant 16 : i32
    %broadcast_in_dim3A_788 = vector.broadcast %broadcast_in_dim3A_787 : i32 to vector<16xi32>
    %broadcast_in_dim3A_789 = arith.constant 255 : i32
    %broadcast_in_dim3A_790 = vector.broadcast %broadcast_in_dim3A_789 : i32 to vector<16xi32>
    %swap3A_791 = arith.constant 0 : index
    %swap3A_792 = tpu.vector_load %arg6[%swap3A_791] {strides = array<i32>} : memref<256xi32, #tpu.memory_space<vmem>>, vector<16xi32>,
    tpu.vector_store %arg6[%swap3A_791], %broadcast_in_dim3A_14 {strides = array<i32>} : memref<256xi32, #tpu.memory_space<vmem>>, vector<16xi32>,
    %swap3A_793 = arith.constant 16 : index
    %swap3A_794 = tpu.vector_load %arg6[%swap3A_793] {strides = array<i32>} : memref<256xi32, #tpu.memory_space<vmem>>, vector<16xi32>,
    tpu.vector_store %arg6[%swap3A_793], %broadcast_in_dim3A_14 {strides = array<i32>} : memref<256xi32, #tpu.memory_space<vmem>>, vector<16xi32>,
    %swap3A_795 = arith.constant 32 : index
    %swap3A_796 = tpu.vector_load %arg6[%swap3A_795] {strides = array<i32>} : memref<256xi32, #tpu.memory_space<vmem>>, vector<16xi32>,
    tpu.vector_store %arg6[%swap3A_795], %broadcast_in_dim3A_14 {strides = array<i32>} : memref<256xi32, #tpu.memory_space<vmem>>, vector<16xi32>,
    %swap3A_797 = arith.constant 48 : index
    %swap3A_798 = tpu.vector_load %arg6[%swap3A_797] {strides = array<i32>} : memref<256xi32, #tpu.memory_space<vmem>>, vector<16xi32>,
    tpu.vector_store %arg6[%swap3A_797], %broadcast_in_dim3A_14 {strides = array<i32>} : memref<256xi32, #tpu.memory_space<vmem>>, vector<16xi32>,
    %swap3A_799 = arith.constant 64 : index
    %swap3A_800 = tpu.vector_load %arg6[%swap3A_799] {strides = array<i32>} : memref<256xi32, #tpu.memory_space<vmem>>, vector<16xi32>,
    tpu.vector_store %arg6[%swap3A_799], %broadcast_in_dim3A_14 {strides = array<i32>} : memref<256xi32, #tpu.memory_space<vmem>>, vector<16xi32>,
    %swap3A_801 = arith.constant 80 : index
    %swap3A_802 = tpu.vector_load %arg6[%swap3A_801] {strides = array<i32>} : memref<256xi32, #tpu.memory_space<vmem>>, vector<16xi32>,
    tpu.vector_store %arg6[%swap3A_801], %broadcast_in_dim3A_14 {strides = array<i32>} : memref<256xi32, #tpu.memory_space<vmem>>, vector<16xi32>,
    %swap3A_803 = arith.constant 96 : index
    %swap3A_804 = tpu.vector_load %arg6[%swap3A_803] {strides = array<i32>} : memref<256xi32, #tpu.memory_space<vmem>>, vector<16xi32>,
    tpu.vector_store %arg6[%swap3A_803], %broadcast_in_dim3A_14 {strides = array<i32>} : memref<256xi32, #tpu.memory_space<vmem>>, vector<16xi32>,
    %swap3A_805 = arith.constant 112 : index
    %swap3A_806 = tpu.vector_load %arg6[%swap3A_805] {strides = array<i32>} : memref<256xi32, #tpu.memory_space<vmem>>, vector<16xi32>,
    tpu.vector_store %arg6[%swap3A_805], %broadcast_in_dim3A_14 {strides = array<i32>} : memref<256xi32, #tpu.memory_space<vmem>>, vector<16xi32>,
    %swap3A_807 = arith.constant 128 : index
    %swap3A_808 = tpu.vector_load %arg6[%swap3A_807] {strides = array<i32>} : memref<256xi32, #tpu.memory_space<vmem>>, vector<16xi32>,
    tpu.vector_store %arg6[%swap3A_807], %broadcast_in_dim3A_14 {strides = array<i32>} : memref<256xi32, #tpu.memory_space<vmem>>, vector<16xi32>,
    %swap3A_809 = arith.constant 144 : index
    %swap3A_810 = tpu.vector_load %arg6[%swap3A_809] {strides = array<i32>} : memref<256xi32, #tpu.memory_space<vmem>>, vector<16xi32>,
    tpu.vector_store %arg6[%swap3A_809], %broadcast_in_dim3A_14 {strides = array<i32>} : memref<256xi32, #tpu.memory_space<vmem>>, vector<16xi32>,
    %swap3A_811 = arith.constant 160 : index
    %swap3A_812 = tpu.vector_load %arg6[%swap3A_811] {strides = array<i32>} : memref<256xi32, #tpu.memory_space<vmem>>, vector<16xi32>,
    tpu.vector_store %arg6[%swap3A_811], %broadcast_in_dim3A_14 {strides = array<i32>} : memref<256xi32, #tpu.memory_space<vmem>>, vector<16xi32>,
    %swap3A_813 = arith.constant 176 : index
    %swap3A_814 = tpu.vector_load %arg6[%swap3A_813] {strides = array<i32>} : memref<256xi32, #tpu.memory_space<vmem>>, vector<16xi32>,
    tpu.vector_store %arg6[%swap3A_813], %broadcast_in_dim3A_14 {strides = array<i32>} : memref<256xi32, #tpu.memory_space<vmem>>, vector<16xi32>,
    %swap3A_815 = arith.constant 192 : index
    %swap3A_816 = tpu.vector_load %arg6[%swap3A_815] {strides = array<i32>} : memref<256xi32, #tpu.memory_space<vmem>>, vector<16xi32>,
    tpu.vector_store %arg6[%swap3A_815], %broadcast_in_dim3A_14 {strides = array<i32>} : memref<256xi32, #tpu.memory_space<vmem>>, vector<16xi32>,
    %swap3A_817 = arith.constant 208 : index
    %swap3A_818 = tpu.vector_load %arg6[%swap3A_817] {strides = array<i32>} : memref<256xi32, #tpu.memory_space<vmem>>, vector<16xi32>,
    tpu.vector_store %arg6[%swap3A_817], %broadcast_in_dim3A_14 {strides = array<i32>} : memref<256xi32, #tpu.memory_space<vmem>>, vector<16xi32>,
    %swap3A_819 = arith.constant 224 : index
    %swap3A_820 = tpu.vector_load %arg6[%swap3A_819] {strides = array<i32>} : memref<256xi32, #tpu.memory_space<vmem>>, vector<16xi32>,
    tpu.vector_store %arg6[%swap3A_819], %broadcast_in_dim3A_14 {strides = array<i32>} : memref<256xi32, #tpu.memory_space<vmem>>, vector<16xi32>,
    %swap3A_821 = arith.constant 240 : index
    %swap3A_822 = tpu.vector_load %arg6[%swap3A_821] {strides = array<i32>} : memref<256xi32, #tpu.memory_space<vmem>>, vector<16xi32>,
    tpu.vector_store %arg6[%swap3A_821], %broadcast_in_dim3A_14 {strides = array<i32>} : memref<256xi32, #tpu.memory_space<vmem>>, vector<16xi32>,
    %parallel_loop3A_823 = arith.constant 0 : i32
    %parallel_loop3A_824 = arith.constant 512 : i32
    %parallel_loop3A_825 = arith.constant 1 : i32
    scf.for %parallel_loop3A_1564 = %parallel_loop3A_823 to %parallel_loop3A_824 step %parallel_loop3A_825  : i32 {
      %parallel_loop3A_1565 = arith.constant 16 : i32
      %parallel_loop3A_1566 = arith.muli %parallel_loop3A_1564, %parallel_loop3A_1565 : i32
      %parallel_loop3A_1567 = arith.constant 0 : i32
      %parallel_loop3A_1568 = tpu.memref_slice %arg5[%parallel_loop3A_1567] : memref<8192xi32, #tpu.memory_space<vmem>> -> memref<8192xi32, #tpu.memory_space<vmem>>
      %parallel_loop3A_1569 = arith.index_cast %parallel_loop3A_1566 : i32 to index
      %parallel_loop3A_1570 = tpu.vector_load %parallel_loop3A_1568[%parallel_loop3A_1569] {strides = array<i32>} : memref<8192xi32, #tpu.memory_space<vmem>>, vector<16xi32>,
      %parallel_loop3A_1571 = arith.shrui %parallel_loop3A_1570, %broadcast_in_dim3A_788 : vector<16xi32>
      %parallel_loop3A_1572 = arith.cmpi eq, %parallel_loop3A_1571, %or3A_784 : vector<16xi32>
      %parallel_loop3A_1573 = arith.shrui %parallel_loop3A_1570, %broadcast_in_dim3A_786 : vector<16xi32>
      %parallel_loop3A_1574 = arith.andi %parallel_loop3A_1573, %broadcast_in_dim3A_790 : vector<16xi32>
      tpu.vector_store_idx %arg6[%parallel_loop3A_1574], %broadcast_in_dim3A_16 masked %parallel_loop3A_1572 {add = true} : memref<256xi32, #tpu.memory_space<vmem>>[vector<16xi32>], vector<16xi32>, vector<16xi1>
    } {sc.loop_unroll_factor = 8 : i64, sc.parallel_access}
    %get3A_826 = arith.constant 0 : index
    %get3A_827 = tpu.vector_load %arg6[%get3A_826] {strides = array<i32>} : memref<256xi32, #tpu.memory_space<vmem>>, vector<16xi32>,
    %get3A_828 = arith.constant 16 : index
    %get3A_829 = tpu.vector_load %arg6[%get3A_828] {strides = array<i32>} : memref<256xi32, #tpu.memory_space<vmem>>, vector<16xi32>,
    %get3A_830 = arith.constant 32 : index
    %get3A_831 = tpu.vector_load %arg6[%get3A_830] {strides = array<i32>} : memref<256xi32, #tpu.memory_space<vmem>>, vector<16xi32>,
    %get3A_832 = arith.constant 48 : index
    %get3A_833 = tpu.vector_load %arg6[%get3A_832] {strides = array<i32>} : memref<256xi32, #tpu.memory_space<vmem>>, vector<16xi32>,
    %get3A_834 = arith.constant 64 : index
    %get3A_835 = tpu.vector_load %arg6[%get3A_834] {strides = array<i32>} : memref<256xi32, #tpu.memory_space<vmem>>, vector<16xi32>,
    %get3A_836 = arith.constant 80 : index
    %get3A_837 = tpu.vector_load %arg6[%get3A_836] {strides = array<i32>} : memref<256xi32, #tpu.memory_space<vmem>>, vector<16xi32>,
    %get3A_838 = arith.constant 96 : index
    %get3A_839 = tpu.vector_load %arg6[%get3A_838] {strides = array<i32>} : memref<256xi32, #tpu.memory_space<vmem>>, vector<16xi32>,
    %get3A_840 = arith.constant 112 : index
    %get3A_841 = tpu.vector_load %arg6[%get3A_840] {strides = array<i32>} : memref<256xi32, #tpu.memory_space<vmem>>, vector<16xi32>,
    %get3A_842 = arith.constant 128 : index
    %get3A_843 = tpu.vector_load %arg6[%get3A_842] {strides = array<i32>} : memref<256xi32, #tpu.memory_space<vmem>>, vector<16xi32>,
    %get3A_844 = arith.constant 144 : index
    %get3A_845 = tpu.vector_load %arg6[%get3A_844] {strides = array<i32>} : memref<256xi32, #tpu.memory_space<vmem>>, vector<16xi32>,
    %get3A_846 = arith.constant 160 : index
    %get3A_847 = tpu.vector_load %arg6[%get3A_846] {strides = array<i32>} : memref<256xi32, #tpu.memory_space<vmem>>, vector<16xi32>,
    %get3A_848 = arith.constant 176 : index
    %get3A_849 = tpu.vector_load %arg6[%get3A_848] {strides = array<i32>} : memref<256xi32, #tpu.memory_space<vmem>>, vector<16xi32>,
    %get3A_850 = arith.constant 192 : index
    %get3A_851 = tpu.vector_load %arg6[%get3A_850] {strides = array<i32>} : memref<256xi32, #tpu.memory_space<vmem>>, vector<16xi32>,
    %get3A_852 = arith.constant 208 : index
    %get3A_853 = tpu.vector_load %arg6[%get3A_852] {strides = array<i32>} : memref<256xi32, #tpu.memory_space<vmem>>, vector<16xi32>,
    %get3A_854 = arith.constant 224 : index
    %get3A_855 = tpu.vector_load %arg6[%get3A_854] {strides = array<i32>} : memref<256xi32, #tpu.memory_space<vmem>>, vector<16xi32>,
    %get3A_856 = arith.constant 240 : index
    %get3A_857 = tpu.vector_load %arg6[%get3A_856] {strides = array<i32>} : memref<256xi32, #tpu.memory_space<vmem>>, vector<16xi32>,
    %reduce_sum3A_858 = arith.constant true
    %reduce_sum3A_859 = vector.broadcast %reduce_sum3A_858 : i1 to vector<16xi1>
    %reduce_sum3A_860 = tpu.scan <sum>, %get3A_827 masked %reduce_sum3A_859 : vector<16xi32>, vector<16xi1> -> vector<16xi32>
    %reduce_sum3A_861 = vector.extract %reduce_sum3A_860[15] : i32 from vector<16xi32>
    %reduce_sum3A_862 = arith.constant true
    %reduce_sum3A_863 = vector.broadcast %reduce_sum3A_862 : i1 to vector<16xi1>
    %reduce_sum3A_864 = tpu.scan <sum>, %get3A_829 masked %reduce_sum3A_863 : vector<16xi32>, vector<16xi1> -> vector<16xi32>
    %reduce_sum3A_865 = vector.extract %reduce_sum3A_864[15] : i32 from vector<16xi32>
    %reduce_sum3A_866 = arith.constant true
    %reduce_sum3A_867 = vector.broadcast %reduce_sum3A_866 : i1 to vector<16xi1>
    %reduce_sum3A_868 = tpu.scan <sum>, %get3A_831 masked %reduce_sum3A_867 : vector<16xi32>, vector<16xi1> -> vector<16xi32>
    %reduce_sum3A_869 = vector.extract %reduce_sum3A_868[15] : i32 from vector<16xi32>
    %reduce_sum3A_870 = arith.constant true
    %reduce_sum3A_871 = vector.broadcast %reduce_sum3A_870 : i1 to vector<16xi1>
    %reduce_sum3A_872 = tpu.scan <sum>, %get3A_833 masked %reduce_sum3A_871 : vector<16xi32>, vector<16xi1> -> vector<16xi32>
    %reduce_sum3A_873 = vector.extract %reduce_sum3A_872[15] : i32 from vector<16xi32>
    %reduce_sum3A_874 = arith.constant true
    %reduce_sum3A_875 = vector.broadcast %reduce_sum3A_874 : i1 to vector<16xi1>
    %reduce_sum3A_876 = tpu.scan <sum>, %get3A_835 masked %reduce_sum3A_875 : vector<16xi32>, vector<16xi1> -> vector<16xi32>
    %reduce_sum3A_877 = vector.extract %reduce_sum3A_876[15] : i32 from vector<16xi32>
    %reduce_sum3A_878 = arith.constant true
    %reduce_sum3A_879 = vector.broadcast %reduce_sum3A_878 : i1 to vector<16xi1>
    %reduce_sum3A_880 = tpu.scan <sum>, %get3A_837 masked %reduce_sum3A_879 : vector<16xi32>, vector<16xi1> -> vector<16xi32>
    %reduce_sum3A_881 = vector.extract %reduce_sum3A_880[15] : i32 from vector<16xi32>
    %reduce_sum3A_882 = arith.constant true
    %reduce_sum3A_883 = vector.broadcast %reduce_sum3A_882 : i1 to vector<16xi1>
    %reduce_sum3A_884 = tpu.scan <sum>, %get3A_839 masked %reduce_sum3A_883 : vector<16xi32>, vector<16xi1> -> vector<16xi32>
    %reduce_sum3A_885 = vector.extract %reduce_sum3A_884[15] : i32 from vector<16xi32>
    %reduce_sum3A_886 = arith.constant true
    %reduce_sum3A_887 = vector.broadcast %reduce_sum3A_886 : i1 to vector<16xi1>
    %reduce_sum3A_888 = tpu.scan <sum>, %get3A_841 masked %reduce_sum3A_887 : vector<16xi32>, vector<16xi1> -> vector<16xi32>
    %reduce_sum3A_889 = vector.extract %reduce_sum3A_888[15] : i32 from vector<16xi32>
    %reduce_sum3A_890 = arith.constant true
    %reduce_sum3A_891 = vector.broadcast %reduce_sum3A_890 : i1 to vector<16xi1>
    %reduce_sum3A_892 = tpu.scan <sum>, %get3A_843 masked %reduce_sum3A_891 : vector<16xi32>, vector<16xi1> -> vector<16xi32>
    %reduce_sum3A_893 = vector.extract %reduce_sum3A_892[15] : i32 from vector<16xi32>
    %reduce_sum3A_894 = arith.constant true
    %reduce_sum3A_895 = vector.broadcast %reduce_sum3A_894 : i1 to vector<16xi1>
    %reduce_sum3A_896 = tpu.scan <sum>, %get3A_845 masked %reduce_sum3A_895 : vector<16xi32>, vector<16xi1> -> vector<16xi32>
    %reduce_sum3A_897 = vector.extract %reduce_sum3A_896[15] : i32 from vector<16xi32>
    %reduce_sum3A_898 = arith.constant true
    %reduce_sum3A_899 = vector.broadcast %reduce_sum3A_898 : i1 to vector<16xi1>
    %reduce_sum3A_900 = tpu.scan <sum>, %get3A_847 masked %reduce_sum3A_899 : vector<16xi32>, vector<16xi1> -> vector<16xi32>
    %reduce_sum3A_901 = vector.extract %reduce_sum3A_900[15] : i32 from vector<16xi32>
    %reduce_sum3A_902 = arith.constant true
    %reduce_sum3A_903 = vector.broadcast %reduce_sum3A_902 : i1 to vector<16xi1>
    %reduce_sum3A_904 = tpu.scan <sum>, %get3A_849 masked %reduce_sum3A_903 : vector<16xi32>, vector<16xi1> -> vector<16xi32>
    %reduce_sum3A_905 = vector.extract %reduce_sum3A_904[15] : i32 from vector<16xi32>
    %reduce_sum3A_906 = arith.constant true
    %reduce_sum3A_907 = vector.broadcast %reduce_sum3A_906 : i1 to vector<16xi1>
    %reduce_sum3A_908 = tpu.scan <sum>, %get3A_851 masked %reduce_sum3A_907 : vector<16xi32>, vector<16xi1> -> vector<16xi32>
    %reduce_sum3A_909 = vector.extract %reduce_sum3A_908[15] : i32 from vector<16xi32>
    %reduce_sum3A_910 = arith.constant true
    %reduce_sum3A_911 = vector.broadcast %reduce_sum3A_910 : i1 to vector<16xi1>
    %reduce_sum3A_912 = tpu.scan <sum>, %get3A_853 masked %reduce_sum3A_911 : vector<16xi32>, vector<16xi1> -> vector<16xi32>
    %reduce_sum3A_913 = vector.extract %reduce_sum3A_912[15] : i32 from vector<16xi32>
    %reduce_sum3A_914 = arith.constant true
    %reduce_sum3A_915 = vector.broadcast %reduce_sum3A_914 : i1 to vector<16xi1>
    %reduce_sum3A_916 = tpu.scan <sum>, %get3A_855 masked %reduce_sum3A_915 : vector<16xi32>, vector<16xi1> -> vector<16xi32>
    %reduce_sum3A_917 = vector.extract %reduce_sum3A_916[15] : i32 from vector<16xi32>
    %reduce_sum3A_918 = arith.constant true
    %reduce_sum3A_919 = vector.broadcast %reduce_sum3A_918 : i1 to vector<16xi1>
    %reduce_sum3A_920 = tpu.scan <sum>, %get3A_857 masked %reduce_sum3A_919 : vector<16xi32>, vector<16xi1> -> vector<16xi32>
    %reduce_sum3A_921 = vector.extract %reduce_sum3A_920[15] : i32 from vector<16xi32>
    %add3A_922 = arith.constant 0 : i32
    %add3A_923 = arith.addi %add3A_922, %reduce_sum3A_921 : i32
    %add3A_924 = arith.addi %add3A_923, %reduce_sum3A_917 : i32
    %add3A_925 = arith.addi %add3A_924, %reduce_sum3A_913 : i32
    %add3A_926 = arith.addi %add3A_925, %reduce_sum3A_909 : i32
    %add3A_927 = arith.addi %add3A_926, %reduce_sum3A_905 : i32
    %add3A_928 = arith.addi %add3A_927, %reduce_sum3A_901 : i32
    %add3A_929 = arith.addi %add3A_928, %reduce_sum3A_897 : i32
    %add3A_930 = arith.addi %add3A_929, %reduce_sum3A_893 : i32
    %add3A_931 = arith.addi %add3A_930, %reduce_sum3A_889 : i32
    %add3A_932 = arith.addi %add3A_931, %reduce_sum3A_885 : i32
    %add3A_933 = arith.addi %add3A_932, %reduce_sum3A_881 : i32
    %add3A_934 = arith.addi %add3A_933, %reduce_sum3A_877 : i32
    %add3A_935 = arith.addi %add3A_934, %reduce_sum3A_873 : i32
    %add3A_936 = arith.addi %add3A_935, %reduce_sum3A_869 : i32
    %add3A_937 = arith.addi %add3A_936, %reduce_sum3A_865 : i32
    %add3A_938 = arith.addi %add3A_937, %reduce_sum3A_861 : i32
    %ge3A_939 = arith.cmpi sge, %add3A_938, %sub3A_776 : i32
    %jit3A_940 = arith.constant 1 : i32
    %jit3A_941 = arith.constant 0 : i32
    %select_n3A_942 = arith.select %ge3A_939, %jit3A_940, %jit3A_941 : i32
    %add3A_943 = arith.constant 0 : i32
    %add3A_944 = arith.addi %add3A_943, %select_n3A_942 : i32
    %ge3A_945 = arith.cmpi sge, %add3A_937, %sub3A_776 : i32
    %jit3A_946 = arith.constant 1 : i32
    %jit3A_947 = arith.constant 0 : i32
    %select_n3A_948 = arith.select %ge3A_945, %jit3A_946, %jit3A_947 : i32
    %add3A_949 = arith.addi %add3A_944, %select_n3A_948 : i32
    %ge3A_950 = arith.cmpi sge, %add3A_936, %sub3A_776 : i32
    %jit3A_951 = arith.constant 1 : i32
    %jit3A_952 = arith.constant 0 : i32
    %select_n3A_953 = arith.select %ge3A_950, %jit3A_951, %jit3A_952 : i32
    %add3A_954 = arith.addi %add3A_949, %select_n3A_953 : i32
    %ge3A_955 = arith.cmpi sge, %add3A_935, %sub3A_776 : i32
    %jit3A_956 = arith.constant 1 : i32
    %jit3A_957 = arith.constant 0 : i32
    %select_n3A_958 = arith.select %ge3A_955, %jit3A_956, %jit3A_957 : i32
    %add3A_959 = arith.addi %add3A_954, %select_n3A_958 : i32
    %ge3A_960 = arith.cmpi sge, %add3A_934, %sub3A_776 : i32
    %jit3A_961 = arith.constant 1 : i32
    %jit3A_962 = arith.constant 0 : i32
    %select_n3A_963 = arith.select %ge3A_960, %jit3A_961, %jit3A_962 : i32
    %add3A_964 = arith.addi %add3A_959, %select_n3A_963 : i32
    %ge3A_965 = arith.cmpi sge, %add3A_933, %sub3A_776 : i32
    %jit3A_966 = arith.constant 1 : i32
    %jit3A_967 = arith.constant 0 : i32
    %select_n3A_968 = arith.select %ge3A_965, %jit3A_966, %jit3A_967 : i32
    %add3A_969 = arith.addi %add3A_964, %select_n3A_968 : i32
    %ge3A_970 = arith.cmpi sge, %add3A_932, %sub3A_776 : i32
    %jit3A_971 = arith.constant 1 : i32
    %jit3A_972 = arith.constant 0 : i32
    %select_n3A_973 = arith.select %ge3A_970, %jit3A_971, %jit3A_972 : i32
    %add3A_974 = arith.addi %add3A_969, %select_n3A_973 : i32
    %ge3A_975 = arith.cmpi sge, %add3A_931, %sub3A_776 : i32
    %jit3A_976 = arith.constant 1 : i32
    %jit3A_977 = arith.constant 0 : i32
    %select_n3A_978 = arith.select %ge3A_975, %jit3A_976, %jit3A_977 : i32
    %add3A_979 = arith.addi %add3A_974, %select_n3A_978 : i32
    %ge3A_980 = arith.cmpi sge, %add3A_930, %sub3A_776 : i32
    %jit3A_981 = arith.constant 1 : i32
    %jit3A_982 = arith.constant 0 : i32
    %select_n3A_983 = arith.select %ge3A_980, %jit3A_981, %jit3A_982 : i32
    %add3A_984 = arith.addi %add3A_979, %select_n3A_983 : i32
    %ge3A_985 = arith.cmpi sge, %add3A_929, %sub3A_776 : i32
    %jit3A_986 = arith.constant 1 : i32
    %jit3A_987 = arith.constant 0 : i32
    %select_n3A_988 = arith.select %ge3A_985, %jit3A_986, %jit3A_987 : i32
    %add3A_989 = arith.addi %add3A_984, %select_n3A_988 : i32
    %ge3A_990 = arith.cmpi sge, %add3A_928, %sub3A_776 : i32
    %jit3A_991 = arith.constant 1 : i32
    %jit3A_992 = arith.constant 0 : i32
    %select_n3A_993 = arith.select %ge3A_990, %jit3A_991, %jit3A_992 : i32
    %add3A_994 = arith.addi %add3A_989, %select_n3A_993 : i32
    %ge3A_995 = arith.cmpi sge, %add3A_927, %sub3A_776 : i32
    %jit3A_996 = arith.constant 1 : i32
    %jit3A_997 = arith.constant 0 : i32
    %select_n3A_998 = arith.select %ge3A_995, %jit3A_996, %jit3A_997 : i32
    %add3A_999 = arith.addi %add3A_994, %select_n3A_998 : i32
    %ge3A_1000 = arith.cmpi sge, %add3A_926, %sub3A_776 : i32
    %jit3A_1001 = arith.constant 1 : i32
    %jit3A_1002 = arith.constant 0 : i32
    %select_n3A_1003 = arith.select %ge3A_1000, %jit3A_1001, %jit3A_1002 : i32
    %add3A_1004 = arith.addi %add3A_999, %select_n3A_1003 : i32
    %ge3A_1005 = arith.cmpi sge, %add3A_925, %sub3A_776 : i32
    %jit3A_1006 = arith.constant 1 : i32
    %jit3A_1007 = arith.constant 0 : i32
    %select_n3A_1008 = arith.select %ge3A_1005, %jit3A_1006, %jit3A_1007 : i32
    %add3A_1009 = arith.addi %add3A_1004, %select_n3A_1008 : i32
    %ge3A_1010 = arith.cmpi sge, %add3A_924, %sub3A_776 : i32
    %jit3A_1011 = arith.constant 1 : i32
    %jit3A_1012 = arith.constant 0 : i32
    %select_n3A_1013 = arith.select %ge3A_1010, %jit3A_1011, %jit3A_1012 : i32
    %add3A_1014 = arith.addi %add3A_1009, %select_n3A_1013 : i32
    %ge3A_1015 = arith.cmpi sge, %add3A_923, %sub3A_776 : i32
    %jit3A_1016 = arith.constant 1 : i32
    %jit3A_1017 = arith.constant 0 : i32
    %select_n3A_1018 = arith.select %ge3A_1015, %jit3A_1016, %jit3A_1017 : i32
    %add3A_1019 = arith.addi %add3A_1014, %select_n3A_1018 : i32
    %sub3A_1020 = arith.constant 1 : i32
    %sub3A_1021 = arith.subi %add3A_1019, %sub3A_1020 : i32
    %eq3A_1022 = arith.constant 0 : i32
    %eq3A_1023 = arith.cmpi eq, %sub3A_1021, %eq3A_1022 : i32
    %select_n3A_1024 = arith.select %eq3A_1023, %get3A_827, %broadcast_in_dim3A_14 : vector<16xi32>
    %jit3A_1025 = arith.constant 0 : i32
    %select_n3A_1026 = arith.select %eq3A_1023, %add3A_938, %jit3A_1025 : i32
    %jit3A_1027 = arith.constant 0 : i32
    %select_n3A_1028 = arith.select %eq3A_1023, %reduce_sum3A_861, %jit3A_1027 : i32
    %eq3A_1029 = arith.constant 1 : i32
    %eq3A_1030 = arith.cmpi eq, %sub3A_1021, %eq3A_1029 : i32
    %select_n3A_1031 = arith.select %eq3A_1030, %get3A_829, %select_n3A_1024 : vector<16xi32>
    %select_n3A_1032 = arith.select %eq3A_1030, %add3A_937, %select_n3A_1026 : i32
    %select_n3A_1033 = arith.select %eq3A_1030, %reduce_sum3A_865, %select_n3A_1028 : i32
    %eq3A_1034 = arith.constant 2 : i32
    %eq3A_1035 = arith.cmpi eq, %sub3A_1021, %eq3A_1034 : i32
    %select_n3A_1036 = arith.select %eq3A_1035, %get3A_831, %select_n3A_1031 : vector<16xi32>
    %select_n3A_1037 = arith.select %eq3A_1035, %add3A_936, %select_n3A_1032 : i32
    %select_n3A_1038 = arith.select %eq3A_1035, %reduce_sum3A_869, %select_n3A_1033 : i32
    %eq3A_1039 = arith.constant 3 : i32
    %eq3A_1040 = arith.cmpi eq, %sub3A_1021, %eq3A_1039 : i32
    %select_n3A_1041 = arith.select %eq3A_1040, %get3A_833, %select_n3A_1036 : vector<16xi32>
    %select_n3A_1042 = arith.select %eq3A_1040, %add3A_935, %select_n3A_1037 : i32
    %select_n3A_1043 = arith.select %eq3A_1040, %reduce_sum3A_873, %select_n3A_1038 : i32
    %eq3A_1044 = arith.constant 4 : i32
    %eq3A_1045 = arith.cmpi eq, %sub3A_1021, %eq3A_1044 : i32
    %select_n3A_1046 = arith.select %eq3A_1045, %get3A_835, %select_n3A_1041 : vector<16xi32>
    %select_n3A_1047 = arith.select %eq3A_1045, %add3A_934, %select_n3A_1042 : i32
    %select_n3A_1048 = arith.select %eq3A_1045, %reduce_sum3A_877, %select_n3A_1043 : i32
    %eq3A_1049 = arith.constant 5 : i32
    %eq3A_1050 = arith.cmpi eq, %sub3A_1021, %eq3A_1049 : i32
    %select_n3A_1051 = arith.select %eq3A_1050, %get3A_837, %select_n3A_1046 : vector<16xi32>
    %select_n3A_1052 = arith.select %eq3A_1050, %add3A_933, %select_n3A_1047 : i32
    %select_n3A_1053 = arith.select %eq3A_1050, %reduce_sum3A_881, %select_n3A_1048 : i32
    %eq3A_1054 = arith.constant 6 : i32
    %eq3A_1055 = arith.cmpi eq, %sub3A_1021, %eq3A_1054 : i32
    %select_n3A_1056 = arith.select %eq3A_1055, %get3A_839, %select_n3A_1051 : vector<16xi32>
    %select_n3A_1057 = arith.select %eq3A_1055, %add3A_932, %select_n3A_1052 : i32
    %select_n3A_1058 = arith.select %eq3A_1055, %reduce_sum3A_885, %select_n3A_1053 : i32
    %eq3A_1059 = arith.constant 7 : i32
    %eq3A_1060 = arith.cmpi eq, %sub3A_1021, %eq3A_1059 : i32
    %select_n3A_1061 = arith.select %eq3A_1060, %get3A_841, %select_n3A_1056 : vector<16xi32>
    %select_n3A_1062 = arith.select %eq3A_1060, %add3A_931, %select_n3A_1057 : i32
    %select_n3A_1063 = arith.select %eq3A_1060, %reduce_sum3A_889, %select_n3A_1058 : i32
    %eq3A_1064 = arith.constant 8 : i32
    %eq3A_1065 = arith.cmpi eq, %sub3A_1021, %eq3A_1064 : i32
    %select_n3A_1066 = arith.select %eq3A_1065, %get3A_843, %select_n3A_1061 : vector<16xi32>
    %select_n3A_1067 = arith.select %eq3A_1065, %add3A_930, %select_n3A_1062 : i32
    %select_n3A_1068 = arith.select %eq3A_1065, %reduce_sum3A_893, %select_n3A_1063 : i32
    %eq3A_1069 = arith.constant 9 : i32
    %eq3A_1070 = arith.cmpi eq, %sub3A_1021, %eq3A_1069 : i32
    %select_n3A_1071 = arith.select %eq3A_1070, %get3A_845, %select_n3A_1066 : vector<16xi32>
    %select_n3A_1072 = arith.select %eq3A_1070, %add3A_929, %select_n3A_1067 : i32
    %select_n3A_1073 = arith.select %eq3A_1070, %reduce_sum3A_897, %select_n3A_1068 : i32
    %eq3A_1074 = arith.constant 10 : i32
    %eq3A_1075 = arith.cmpi eq, %sub3A_1021, %eq3A_1074 : i32
    %select_n3A_1076 = arith.select %eq3A_1075, %get3A_847, %select_n3A_1071 : vector<16xi32>
    %select_n3A_1077 = arith.select %eq3A_1075, %add3A_928, %select_n3A_1072 : i32
    %select_n3A_1078 = arith.select %eq3A_1075, %reduce_sum3A_901, %select_n3A_1073 : i32
    %eq3A_1079 = arith.constant 11 : i32
    %eq3A_1080 = arith.cmpi eq, %sub3A_1021, %eq3A_1079 : i32
    %select_n3A_1081 = arith.select %eq3A_1080, %get3A_849, %select_n3A_1076 : vector<16xi32>
    %select_n3A_1082 = arith.select %eq3A_1080, %add3A_927, %select_n3A_1077 : i32
    %select_n3A_1083 = arith.select %eq3A_1080, %reduce_sum3A_905, %select_n3A_1078 : i32
    %eq3A_1084 = arith.constant 12 : i32
    %eq3A_1085 = arith.cmpi eq, %sub3A_1021, %eq3A_1084 : i32
    %select_n3A_1086 = arith.select %eq3A_1085, %get3A_851, %select_n3A_1081 : vector<16xi32>
    %select_n3A_1087 = arith.select %eq3A_1085, %add3A_926, %select_n3A_1082 : i32
    %select_n3A_1088 = arith.select %eq3A_1085, %reduce_sum3A_909, %select_n3A_1083 : i32
    %eq3A_1089 = arith.constant 13 : i32
    %eq3A_1090 = arith.cmpi eq, %sub3A_1021, %eq3A_1089 : i32
    %select_n3A_1091 = arith.select %eq3A_1090, %get3A_853, %select_n3A_1086 : vector<16xi32>
    %select_n3A_1092 = arith.select %eq3A_1090, %add3A_925, %select_n3A_1087 : i32
    %select_n3A_1093 = arith.select %eq3A_1090, %reduce_sum3A_913, %select_n3A_1088 : i32
    %eq3A_1094 = arith.constant 14 : i32
    %eq3A_1095 = arith.cmpi eq, %sub3A_1021, %eq3A_1094 : i32
    %select_n3A_1096 = arith.select %eq3A_1095, %get3A_855, %select_n3A_1091 : vector<16xi32>
    %select_n3A_1097 = arith.select %eq3A_1095, %add3A_924, %select_n3A_1092 : i32
    %select_n3A_1098 = arith.select %eq3A_1095, %reduce_sum3A_917, %select_n3A_1093 : i32
    %eq3A_1099 = arith.constant 15 : i32
    %eq3A_1100 = arith.cmpi eq, %sub3A_1021, %eq3A_1099 : i32
    %select_n3A_1101 = arith.select %eq3A_1100, %get3A_857, %select_n3A_1096 : vector<16xi32>
    %select_n3A_1102 = arith.select %eq3A_1100, %add3A_923, %select_n3A_1097 : i32
    %select_n3A_1103 = arith.select %eq3A_1100, %reduce_sum3A_921, %select_n3A_1098 : i32
    %sub3A_1104 = arith.subi %select_n3A_1102, %select_n3A_1103 : i32
    %rev3A_1105 = arith.constant 15 : i32
    %rev3A_1106 = vector.broadcast %rev3A_1105 : i32 to vector<16xi32>
    %rev3A_1107 = tpu.iota {dimensions = array<i32: 0>} : vector<16xi32>
    %rev3A_1108 = arith.subi %rev3A_1106, %rev3A_1107 : vector<16xi32>
    %rev3A_1109 = tpu.dynamic_gather %select_n3A_1101[%rev3A_1108] in [0] : vector<16xi32>, vector<16xi32> -> vector<16xi32>
    %broadcast_in_dim3A_1110 = arith.constant true
    %broadcast_in_dim3A_1111 = vector.broadcast %broadcast_in_dim3A_1110 : i1 to vector<16xi1>
    %masked_cumsum3A_1112 = tpu.scan <sum>, %rev3A_1109 masked %broadcast_in_dim3A_1111 : vector<16xi32>, vector<16xi1> -> vector<16xi32>
    %rev3A_1113 = arith.constant 15 : i32
    %rev3A_1114 = vector.broadcast %rev3A_1113 : i32 to vector<16xi32>
    %rev3A_1115 = tpu.iota {dimensions = array<i32: 0>} : vector<16xi32>
    %rev3A_1116 = arith.subi %rev3A_1114, %rev3A_1115 : vector<16xi32>
    %rev3A_1117 = tpu.dynamic_gather %masked_cumsum3A_1112[%rev3A_1116] in [0] : vector<16xi32>, vector<16xi32> -> vector<16xi32>
    %add3A_1118 = vector.broadcast %sub3A_1104 : i32 to vector<16xi32>
    %add3A_1119 = arith.addi %rev3A_1117, %add3A_1118 : vector<16xi32>
    %ge3A_1120 = vector.broadcast %sub3A_776 : i32 to vector<16xi32>
    %ge3A_1121 = arith.cmpi sge, %add3A_1119, %ge3A_1120 : vector<16xi32>
    %jit3A_1122 = arith.constant 1 : i32
    %jit3A_1123 = arith.constant 0 : i32
    %broadcast_in_dim3A_1124 = vector.broadcast %jit3A_1122 : i32 to vector<16xi32>
    %broadcast_in_dim3A_1125 = vector.broadcast %jit3A_1123 : i32 to vector<16xi32>
    %select_n3A_1126 = arith.select %ge3A_1121, %broadcast_in_dim3A_1124, %broadcast_in_dim3A_1125 : vector<16xi1>, vector<16xi32>
    %reduce_sum3A_1127 = arith.constant true
    %reduce_sum3A_1128 = vector.broadcast %reduce_sum3A_1127 : i1 to vector<16xi1>
    %reduce_sum3A_1129 = tpu.scan <sum>, %select_n3A_1126 masked %reduce_sum3A_1128 : vector<16xi32>, vector<16xi1> -> vector<16xi32>
    %reduce_sum3A_1130 = vector.extract %reduce_sum3A_1129[15] : i32 from vector<16xi32>
    %sub3A_1131 = arith.constant 1 : i32
    %sub3A_1132 = arith.subi %reduce_sum3A_1130, %sub3A_1131 : i32
    %eq3A_1133 = vector.broadcast %sub3A_1132 : i32 to vector<16xi32>
    %eq3A_1134 = arith.cmpi eq, %iota3A, %eq3A_1133 : vector<16xi32>
    %jit3A_1135 = arith.constant 0 : i32
    %broadcast_in_dim3A_1136 = vector.broadcast %jit3A_1135 : i32 to vector<16xi32>
    %select_n3A_1137 = arith.select %eq3A_1134, %rev3A_1117, %broadcast_in_dim3A_1136 : vector<16xi1>, vector<16xi32>
    %reduce_sum3A_1138 = arith.constant true
    %reduce_sum3A_1139 = vector.broadcast %reduce_sum3A_1138 : i1 to vector<16xi1>
    %reduce_sum3A_1140 = tpu.scan <sum>, %select_n3A_1137 masked %reduce_sum3A_1139 : vector<16xi32>, vector<16xi1> -> vector<16xi32>
    %reduce_sum3A_1141 = vector.extract %reduce_sum3A_1140[15] : i32 from vector<16xi32>
    %jit3A_1142 = arith.constant 0 : i32
    %broadcast_in_dim3A_1143 = vector.broadcast %jit3A_1142 : i32 to vector<16xi32>
    %select_n3A_1144 = arith.select %eq3A_1134, %select_n3A_1101, %broadcast_in_dim3A_1143 : vector<16xi1>, vector<16xi32>
    %reduce_sum3A_1145 = arith.constant true
    %reduce_sum3A_1146 = vector.broadcast %reduce_sum3A_1145 : i1 to vector<16xi1>
    %reduce_sum3A_1147 = tpu.scan <sum>, %select_n3A_1144 masked %reduce_sum3A_1146 : vector<16xi32>, vector<16xi1> -> vector<16xi32>
    %reduce_sum3A_1148 = vector.extract %reduce_sum3A_1147[15] : i32 from vector<16xi32>
    %add3A_1149 = arith.addi %sub3A_1104, %reduce_sum3A_1141 : i32
    %sub3A_1150 = arith.subi %add3A_1149, %reduce_sum3A_1148 : i32
    %sub3A_1151 = arith.subi %sub3A_776, %sub3A_1150 : i32
    %mul3A_1152 = arith.constant 16 : i32
    %mul3A_1153 = arith.muli %sub3A_1021, %mul3A_1152 : i32
    %add3A_1154 = arith.addi %mul3A_1153, %sub3A_1132 : i32
    %broadcast_in_dim3A_1155 = vector.broadcast %add3A_1154 : i32 to vector<16xi32>
    %broadcast_in_dim3A_1156 = arith.constant 8 : i32
    %broadcast_in_dim3A_1157 = vector.broadcast %broadcast_in_dim3A_1156 : i32 to vector<16xi32>
    %shift_left3A_1158 = arith.shli %or3A_784, %broadcast_in_dim3A_1157 : vector<16xi32>
    %or3A_1159 = arith.ori %shift_left3A_1158, %broadcast_in_dim3A_1155 : vector<16xi32>
    %broadcast_in_dim3A_1160 = arith.constant 0 : i32
    %broadcast_in_dim3A_1161 = vector.broadcast %broadcast_in_dim3A_1160 : i32 to vector<16xi32>
    %broadcast_in_dim3A_1162 = arith.constant 8 : i32
    %broadcast_in_dim3A_1163 = vector.broadcast %broadcast_in_dim3A_1162 : i32 to vector<16xi32>
    %broadcast_in_dim3A_1164 = arith.constant 255 : i32
    %broadcast_in_dim3A_1165 = vector.broadcast %broadcast_in_dim3A_1164 : i32 to vector<16xi32>
    %swap3A_1166 = arith.constant 0 : index
    %swap3A_1167 = tpu.vector_load %arg6[%swap3A_1166] {strides = array<i32>} : memref<256xi32, #tpu.memory_space<vmem>>, vector<16xi32>,
    tpu.vector_store %arg6[%swap3A_1166], %broadcast_in_dim3A_14 {strides = array<i32>} : memref<256xi32, #tpu.memory_space<vmem>>, vector<16xi32>,
    %swap3A_1168 = arith.constant 16 : index
    %swap3A_1169 = tpu.vector_load %arg6[%swap3A_1168] {strides = array<i32>} : memref<256xi32, #tpu.memory_space<vmem>>, vector<16xi32>,
    tpu.vector_store %arg6[%swap3A_1168], %broadcast_in_dim3A_14 {strides = array<i32>} : memref<256xi32, #tpu.memory_space<vmem>>, vector<16xi32>,
    %swap3A_1170 = arith.constant 32 : index
    %swap3A_1171 = tpu.vector_load %arg6[%swap3A_1170] {strides = array<i32>} : memref<256xi32, #tpu.memory_space<vmem>>, vector<16xi32>,
    tpu.vector_store %arg6[%swap3A_1170], %broadcast_in_dim3A_14 {strides = array<i32>} : memref<256xi32, #tpu.memory_space<vmem>>, vector<16xi32>,
    %swap3A_1172 = arith.constant 48 : index
    %swap3A_1173 = tpu.vector_load %arg6[%swap3A_1172] {strides = array<i32>} : memref<256xi32, #tpu.memory_space<vmem>>, vector<16xi32>,
    tpu.vector_store %arg6[%swap3A_1172], %broadcast_in_dim3A_14 {strides = array<i32>} : memref<256xi32, #tpu.memory_space<vmem>>, vector<16xi32>,
    %swap3A_1174 = arith.constant 64 : index
    %swap3A_1175 = tpu.vector_load %arg6[%swap3A_1174] {strides = array<i32>} : memref<256xi32, #tpu.memory_space<vmem>>, vector<16xi32>,
    tpu.vector_store %arg6[%swap3A_1174], %broadcast_in_dim3A_14 {strides = array<i32>} : memref<256xi32, #tpu.memory_space<vmem>>, vector<16xi32>,
    %swap3A_1176 = arith.constant 80 : index
    %swap3A_1177 = tpu.vector_load %arg6[%swap3A_1176] {strides = array<i32>} : memref<256xi32, #tpu.memory_space<vmem>>, vector<16xi32>,
    tpu.vector_store %arg6[%swap3A_1176], %broadcast_in_dim3A_14 {strides = array<i32>} : memref<256xi32, #tpu.memory_space<vmem>>, vector<16xi32>,
    %swap3A_1178 = arith.constant 96 : index
    %swap3A_1179 = tpu.vector_load %arg6[%swap3A_1178] {strides = array<i32>} : memref<256xi32, #tpu.memory_space<vmem>>, vector<16xi32>,
    tpu.vector_store %arg6[%swap3A_1178], %broadcast_in_dim3A_14 {strides = array<i32>} : memref<256xi32, #tpu.memory_space<vmem>>, vector<16xi32>,
    %swap3A_1180 = arith.constant 112 : index
    %swap3A_1181 = tpu.vector_load %arg6[%swap3A_1180] {strides = array<i32>} : memref<256xi32, #tpu.memory_space<vmem>>, vector<16xi32>,
    tpu.vector_store %arg6[%swap3A_1180], %broadcast_in_dim3A_14 {strides = array<i32>} : memref<256xi32, #tpu.memory_space<vmem>>, vector<16xi32>,
    %swap3A_1182 = arith.constant 128 : index
    %swap3A_1183 = tpu.vector_load %arg6[%swap3A_1182] {strides = array<i32>} : memref<256xi32, #tpu.memory_space<vmem>>, vector<16xi32>,
    tpu.vector_store %arg6[%swap3A_1182], %broadcast_in_dim3A_14 {strides = array<i32>} : memref<256xi32, #tpu.memory_space<vmem>>, vector<16xi32>,
    %swap3A_1184 = arith.constant 144 : index
    %swap3A_1185 = tpu.vector_load %arg6[%swap3A_1184] {strides = array<i32>} : memref<256xi32, #tpu.memory_space<vmem>>, vector<16xi32>,
    tpu.vector_store %arg6[%swap3A_1184], %broadcast_in_dim3A_14 {strides = array<i32>} : memref<256xi32, #tpu.memory_space<vmem>>, vector<16xi32>,
    %swap3A_1186 = arith.constant 160 : index
    %swap3A_1187 = tpu.vector_load %arg6[%swap3A_1186] {strides = array<i32>} : memref<256xi32, #tpu.memory_space<vmem>>, vector<16xi32>,
    tpu.vector_store %arg6[%swap3A_1186], %broadcast_in_dim3A_14 {strides = array<i32>} : memref<256xi32, #tpu.memory_space<vmem>>, vector<16xi32>,
    %swap3A_1188 = arith.constant 176 : index
    %swap3A_1189 = tpu.vector_load %arg6[%swap3A_1188] {strides = array<i32>} : memref<256xi32, #tpu.memory_space<vmem>>, vector<16xi32>,
    tpu.vector_store %arg6[%swap3A_1188], %broadcast_in_dim3A_14 {strides = array<i32>} : memref<256xi32, #tpu.memory_space<vmem>>, vector<16xi32>,
    %swap3A_1190 = arith.constant 192 : index
    %swap3A_1191 = tpu.vector_load %arg6[%swap3A_1190] {strides = array<i32>} : memref<256xi32, #tpu.memory_space<vmem>>, vector<16xi32>,
    tpu.vector_store %arg6[%swap3A_1190], %broadcast_in_dim3A_14 {strides = array<i32>} : memref<256xi32, #tpu.memory_space<vmem>>, vector<16xi32>,
    %swap3A_1192 = arith.constant 208 : index
    %swap3A_1193 = tpu.vector_load %arg6[%swap3A_1192] {strides = array<i32>} : memref<256xi32, #tpu.memory_space<vmem>>, vector<16xi32>,
    tpu.vector_store %arg6[%swap3A_1192], %broadcast_in_dim3A_14 {strides = array<i32>} : memref<256xi32, #tpu.memory_space<vmem>>, vector<16xi32>,
    %swap3A_1194 = arith.constant 224 : index
    %swap3A_1195 = tpu.vector_load %arg6[%swap3A_1194] {strides = array<i32>} : memref<256xi32, #tpu.memory_space<vmem>>, vector<16xi32>,
    tpu.vector_store %arg6[%swap3A_1194], %broadcast_in_dim3A_14 {strides = array<i32>} : memref<256xi32, #tpu.memory_space<vmem>>, vector<16xi32>,
    %swap3A_1196 = arith.constant 240 : index
    %swap3A_1197 = tpu.vector_load %arg6[%swap3A_1196] {strides = array<i32>} : memref<256xi32, #tpu.memory_space<vmem>>, vector<16xi32>,
    tpu.vector_store %arg6[%swap3A_1196], %broadcast_in_dim3A_14 {strides = array<i32>} : memref<256xi32, #tpu.memory_space<vmem>>, vector<16xi32>,
    %parallel_loop3A_1198 = arith.constant 0 : i32
    %parallel_loop3A_1199 = arith.constant 512 : i32
    %parallel_loop3A_1200 = arith.constant 1 : i32
    scf.for %parallel_loop3A_1564 = %parallel_loop3A_1198 to %parallel_loop3A_1199 step %parallel_loop3A_1200  : i32 {
      %parallel_loop3A_1565 = arith.constant 16 : i32
      %parallel_loop3A_1566 = arith.muli %parallel_loop3A_1564, %parallel_loop3A_1565 : i32
      %parallel_loop3A_1567 = arith.constant 0 : i32
      %parallel_loop3A_1568 = tpu.memref_slice %arg5[%parallel_loop3A_1567] : memref<8192xi32, #tpu.memory_space<vmem>> -> memref<8192xi32, #tpu.memory_space<vmem>>
      %parallel_loop3A_1569 = arith.index_cast %parallel_loop3A_1566 : i32 to index
      %parallel_loop3A_1570 = tpu.vector_load %parallel_loop3A_1568[%parallel_loop3A_1569] {strides = array<i32>} : memref<8192xi32, #tpu.memory_space<vmem>>, vector<16xi32>,
      %parallel_loop3A_1571 = arith.shrui %parallel_loop3A_1570, %broadcast_in_dim3A_1163 : vector<16xi32>
      %parallel_loop3A_1572 = arith.cmpi eq, %parallel_loop3A_1571, %or3A_1159 : vector<16xi32>
      %parallel_loop3A_1573 = arith.shrui %parallel_loop3A_1570, %broadcast_in_dim3A_1161 : vector<16xi32>
      %parallel_loop3A_1574 = arith.andi %parallel_loop3A_1573, %broadcast_in_dim3A_1165 : vector<16xi32>
      tpu.vector_store_idx %arg6[%parallel_loop3A_1574], %broadcast_in_dim3A_16 masked %parallel_loop3A_1572 {add = true} : memref<256xi32, #tpu.memory_space<vmem>>[vector<16xi32>], vector<16xi32>, vector<16xi1>
    } {sc.loop_unroll_factor = 8 : i64, sc.parallel_access}
    %get3A_1201 = arith.constant 0 : index
    %get3A_1202 = tpu.vector_load %arg6[%get3A_1201] {strides = array<i32>} : memref<256xi32, #tpu.memory_space<vmem>>, vector<16xi32>,
    %get3A_1203 = arith.constant 16 : index
    %get3A_1204 = tpu.vector_load %arg6[%get3A_1203] {strides = array<i32>} : memref<256xi32, #tpu.memory_space<vmem>>, vector<16xi32>,
    %get3A_1205 = arith.constant 32 : index
    %get3A_1206 = tpu.vector_load %arg6[%get3A_1205] {strides = array<i32>} : memref<256xi32, #tpu.memory_space<vmem>>, vector<16xi32>,
    %get3A_1207 = arith.constant 48 : index
    %get3A_1208 = tpu.vector_load %arg6[%get3A_1207] {strides = array<i32>} : memref<256xi32, #tpu.memory_space<vmem>>, vector<16xi32>,
    %get3A_1209 = arith.constant 64 : index
    %get3A_1210 = tpu.vector_load %arg6[%get3A_1209] {strides = array<i32>} : memref<256xi32, #tpu.memory_space<vmem>>, vector<16xi32>,
    %get3A_1211 = arith.constant 80 : index
    %get3A_1212 = tpu.vector_load %arg6[%get3A_1211] {strides = array<i32>} : memref<256xi32, #tpu.memory_space<vmem>>, vector<16xi32>,
    %get3A_1213 = arith.constant 96 : index
    %get3A_1214 = tpu.vector_load %arg6[%get3A_1213] {strides = array<i32>} : memref<256xi32, #tpu.memory_space<vmem>>, vector<16xi32>,
    %get3A_1215 = arith.constant 112 : index
    %get3A_1216 = tpu.vector_load %arg6[%get3A_1215] {strides = array<i32>} : memref<256xi32, #tpu.memory_space<vmem>>, vector<16xi32>,
    %get3A_1217 = arith.constant 128 : index
    %get3A_1218 = tpu.vector_load %arg6[%get3A_1217] {strides = array<i32>} : memref<256xi32, #tpu.memory_space<vmem>>, vector<16xi32>,
    %get3A_1219 = arith.constant 144 : index
    %get3A_1220 = tpu.vector_load %arg6[%get3A_1219] {strides = array<i32>} : memref<256xi32, #tpu.memory_space<vmem>>, vector<16xi32>,
    %get3A_1221 = arith.constant 160 : index
    %get3A_1222 = tpu.vector_load %arg6[%get3A_1221] {strides = array<i32>} : memref<256xi32, #tpu.memory_space<vmem>>, vector<16xi32>,
    %get3A_1223 = arith.constant 176 : index
    %get3A_1224 = tpu.vector_load %arg6[%get3A_1223] {strides = array<i32>} : memref<256xi32, #tpu.memory_space<vmem>>, vector<16xi32>,
    %get3A_1225 = arith.constant 192 : index
    %get3A_1226 = tpu.vector_load %arg6[%get3A_1225] {strides = array<i32>} : memref<256xi32, #tpu.memory_space<vmem>>, vector<16xi32>,
    %get3A_1227 = arith.constant 208 : index
    %get3A_1228 = tpu.vector_load %arg6[%get3A_1227] {strides = array<i32>} : memref<256xi32, #tpu.memory_space<vmem>>, vector<16xi32>,
    %get3A_1229 = arith.constant 224 : index
    %get3A_1230 = tpu.vector_load %arg6[%get3A_1229] {strides = array<i32>} : memref<256xi32, #tpu.memory_space<vmem>>, vector<16xi32>,
    %get3A_1231 = arith.constant 240 : index
    %get3A_1232 = tpu.vector_load %arg6[%get3A_1231] {strides = array<i32>} : memref<256xi32, #tpu.memory_space<vmem>>, vector<16xi32>,
    %reduce_sum3A_1233 = arith.constant true
    %reduce_sum3A_1234 = vector.broadcast %reduce_sum3A_1233 : i1 to vector<16xi1>
    %reduce_sum3A_1235 = tpu.scan <sum>, %get3A_1202 masked %reduce_sum3A_1234 : vector<16xi32>, vector<16xi1> -> vector<16xi32>
    %reduce_sum3A_1236 = vector.extract %reduce_sum3A_1235[15] : i32 from vector<16xi32>
    %reduce_sum3A_1237 = arith.constant true
    %reduce_sum3A_1238 = vector.broadcast %reduce_sum3A_1237 : i1 to vector<16xi1>
    %reduce_sum3A_1239 = tpu.scan <sum>, %get3A_1204 masked %reduce_sum3A_1238 : vector<16xi32>, vector<16xi1> -> vector<16xi32>
    %reduce_sum3A_1240 = vector.extract %reduce_sum3A_1239[15] : i32 from vector<16xi32>
    %reduce_sum3A_1241 = arith.constant true
    %reduce_sum3A_1242 = vector.broadcast %reduce_sum3A_1241 : i1 to vector<16xi1>
    %reduce_sum3A_1243 = tpu.scan <sum>, %get3A_1206 masked %reduce_sum3A_1242 : vector<16xi32>, vector<16xi1> -> vector<16xi32>
    %reduce_sum3A_1244 = vector.extract %reduce_sum3A_1243[15] : i32 from vector<16xi32>
    %reduce_sum3A_1245 = arith.constant true
    %reduce_sum3A_1246 = vector.broadcast %reduce_sum3A_1245 : i1 to vector<16xi1>
    %reduce_sum3A_1247 = tpu.scan <sum>, %get3A_1208 masked %reduce_sum3A_1246 : vector<16xi32>, vector<16xi1> -> vector<16xi32>
    %reduce_sum3A_1248 = vector.extract %reduce_sum3A_1247[15] : i32 from vector<16xi32>
    %reduce_sum3A_1249 = arith.constant true
    %reduce_sum3A_1250 = vector.broadcast %reduce_sum3A_1249 : i1 to vector<16xi1>
    %reduce_sum3A_1251 = tpu.scan <sum>, %get3A_1210 masked %reduce_sum3A_1250 : vector<16xi32>, vector<16xi1> -> vector<16xi32>
    %reduce_sum3A_1252 = vector.extract %reduce_sum3A_1251[15] : i32 from vector<16xi32>
    %reduce_sum3A_1253 = arith.constant true
    %reduce_sum3A_1254 = vector.broadcast %reduce_sum3A_1253 : i1 to vector<16xi1>
    %reduce_sum3A_1255 = tpu.scan <sum>, %get3A_1212 masked %reduce_sum3A_1254 : vector<16xi32>, vector<16xi1> -> vector<16xi32>
    %reduce_sum3A_1256 = vector.extract %reduce_sum3A_1255[15] : i32 from vector<16xi32>
    %reduce_sum3A_1257 = arith.constant true
    %reduce_sum3A_1258 = vector.broadcast %reduce_sum3A_1257 : i1 to vector<16xi1>
    %reduce_sum3A_1259 = tpu.scan <sum>, %get3A_1214 masked %reduce_sum3A_1258 : vector<16xi32>, vector<16xi1> -> vector<16xi32>
    %reduce_sum3A_1260 = vector.extract %reduce_sum3A_1259[15] : i32 from vector<16xi32>
    %reduce_sum3A_1261 = arith.constant true
    %reduce_sum3A_1262 = vector.broadcast %reduce_sum3A_1261 : i1 to vector<16xi1>
    %reduce_sum3A_1263 = tpu.scan <sum>, %get3A_1216 masked %reduce_sum3A_1262 : vector<16xi32>, vector<16xi1> -> vector<16xi32>
    %reduce_sum3A_1264 = vector.extract %reduce_sum3A_1263[15] : i32 from vector<16xi32>
    %reduce_sum3A_1265 = arith.constant true
    %reduce_sum3A_1266 = vector.broadcast %reduce_sum3A_1265 : i1 to vector<16xi1>
    %reduce_sum3A_1267 = tpu.scan <sum>, %get3A_1218 masked %reduce_sum3A_1266 : vector<16xi32>, vector<16xi1> -> vector<16xi32>
    %reduce_sum3A_1268 = vector.extract %reduce_sum3A_1267[15] : i32 from vector<16xi32>
    %reduce_sum3A_1269 = arith.constant true
    %reduce_sum3A_1270 = vector.broadcast %reduce_sum3A_1269 : i1 to vector<16xi1>
    %reduce_sum3A_1271 = tpu.scan <sum>, %get3A_1220 masked %reduce_sum3A_1270 : vector<16xi32>, vector<16xi1> -> vector<16xi32>
    %reduce_sum3A_1272 = vector.extract %reduce_sum3A_1271[15] : i32 from vector<16xi32>
    %reduce_sum3A_1273 = arith.constant true
    %reduce_sum3A_1274 = vector.broadcast %reduce_sum3A_1273 : i1 to vector<16xi1>
    %reduce_sum3A_1275 = tpu.scan <sum>, %get3A_1222 masked %reduce_sum3A_1274 : vector<16xi32>, vector<16xi1> -> vector<16xi32>
    %reduce_sum3A_1276 = vector.extract %reduce_sum3A_1275[15] : i32 from vector<16xi32>
    %reduce_sum3A_1277 = arith.constant true
    %reduce_sum3A_1278 = vector.broadcast %reduce_sum3A_1277 : i1 to vector<16xi1>
    %reduce_sum3A_1279 = tpu.scan <sum>, %get3A_1224 masked %reduce_sum3A_1278 : vector<16xi32>, vector<16xi1> -> vector<16xi32>
    %reduce_sum3A_1280 = vector.extract %reduce_sum3A_1279[15] : i32 from vector<16xi32>
    %reduce_sum3A_1281 = arith.constant true
    %reduce_sum3A_1282 = vector.broadcast %reduce_sum3A_1281 : i1 to vector<16xi1>
    %reduce_sum3A_1283 = tpu.scan <sum>, %get3A_1226 masked %reduce_sum3A_1282 : vector<16xi32>, vector<16xi1> -> vector<16xi32>
    %reduce_sum3A_1284 = vector.extract %reduce_sum3A_1283[15] : i32 from vector<16xi32>
    %reduce_sum3A_1285 = arith.constant true
    %reduce_sum3A_1286 = vector.broadcast %reduce_sum3A_1285 : i1 to vector<16xi1>
    %reduce_sum3A_1287 = tpu.scan <sum>, %get3A_1228 masked %reduce_sum3A_1286 : vector<16xi32>, vector<16xi1> -> vector<16xi32>
    %reduce_sum3A_1288 = vector.extract %reduce_sum3A_1287[15] : i32 from vector<16xi32>
    %reduce_sum3A_1289 = arith.constant true
    %reduce_sum3A_1290 = vector.broadcast %reduce_sum3A_1289 : i1 to vector<16xi1>
    %reduce_sum3A_1291 = tpu.scan <sum>, %get3A_1230 masked %reduce_sum3A_1290 : vector<16xi32>, vector<16xi1> -> vector<16xi32>
    %reduce_sum3A_1292 = vector.extract %reduce_sum3A_1291[15] : i32 from vector<16xi32>
    %reduce_sum3A_1293 = arith.constant true
    %reduce_sum3A_1294 = vector.broadcast %reduce_sum3A_1293 : i1 to vector<16xi1>
    %reduce_sum3A_1295 = tpu.scan <sum>, %get3A_1232 masked %reduce_sum3A_1294 : vector<16xi32>, vector<16xi1> -> vector<16xi32>
    %reduce_sum3A_1296 = vector.extract %reduce_sum3A_1295[15] : i32 from vector<16xi32>
    %add3A_1297 = arith.constant 0 : i32
    %add3A_1298 = arith.addi %add3A_1297, %reduce_sum3A_1296 : i32
    %add3A_1299 = arith.addi %add3A_1298, %reduce_sum3A_1292 : i32
    %add3A_1300 = arith.addi %add3A_1299, %reduce_sum3A_1288 : i32
    %add3A_1301 = arith.addi %add3A_1300, %reduce_sum3A_1284 : i32
    %add3A_1302 = arith.addi %add3A_1301, %reduce_sum3A_1280 : i32
    %add3A_1303 = arith.addi %add3A_1302, %reduce_sum3A_1276 : i32
    %add3A_1304 = arith.addi %add3A_1303, %reduce_sum3A_1272 : i32
    %add3A_1305 = arith.addi %add3A_1304, %reduce_sum3A_1268 : i32
    %add3A_1306 = arith.addi %add3A_1305, %reduce_sum3A_1264 : i32
    %add3A_1307 = arith.addi %add3A_1306, %reduce_sum3A_1260 : i32
    %add3A_1308 = arith.addi %add3A_1307, %reduce_sum3A_1256 : i32
    %add3A_1309 = arith.addi %add3A_1308, %reduce_sum3A_1252 : i32
    %add3A_1310 = arith.addi %add3A_1309, %reduce_sum3A_1248 : i32
    %add3A_1311 = arith.addi %add3A_1310, %reduce_sum3A_1244 : i32
    %add3A_1312 = arith.addi %add3A_1311, %reduce_sum3A_1240 : i32
    %add3A_1313 = arith.addi %add3A_1312, %reduce_sum3A_1236 : i32
    %ge3A_1314 = arith.cmpi sge, %add3A_1313, %sub3A_1151 : i32
    %jit3A_1315 = arith.constant 1 : i32
    %jit3A_1316 = arith.constant 0 : i32
    %select_n3A_1317 = arith.select %ge3A_1314, %jit3A_1315, %jit3A_1316 : i32
    %add3A_1318 = arith.constant 0 : i32
    %add3A_1319 = arith.addi %add3A_1318, %select_n3A_1317 : i32
    %ge3A_1320 = arith.cmpi sge, %add3A_1312, %sub3A_1151 : i32
    %jit3A_1321 = arith.constant 1 : i32
    %jit3A_1322 = arith.constant 0 : i32
    %select_n3A_1323 = arith.select %ge3A_1320, %jit3A_1321, %jit3A_1322 : i32
    %add3A_1324 = arith.addi %add3A_1319, %select_n3A_1323 : i32
    %ge3A_1325 = arith.cmpi sge, %add3A_1311, %sub3A_1151 : i32
    %jit3A_1326 = arith.constant 1 : i32
    %jit3A_1327 = arith.constant 0 : i32
    %select_n3A_1328 = arith.select %ge3A_1325, %jit3A_1326, %jit3A_1327 : i32
    %add3A_1329 = arith.addi %add3A_1324, %select_n3A_1328 : i32
    %ge3A_1330 = arith.cmpi sge, %add3A_1310, %sub3A_1151 : i32
    %jit3A_1331 = arith.constant 1 : i32
    %jit3A_1332 = arith.constant 0 : i32
    %select_n3A_1333 = arith.select %ge3A_1330, %jit3A_1331, %jit3A_1332 : i32
    %add3A_1334 = arith.addi %add3A_1329, %select_n3A_1333 : i32
    %ge3A_1335 = arith.cmpi sge, %add3A_1309, %sub3A_1151 : i32
    %jit3A_1336 = arith.constant 1 : i32
    %jit3A_1337 = arith.constant 0 : i32
    %select_n3A_1338 = arith.select %ge3A_1335, %jit3A_1336, %jit3A_1337 : i32
    %add3A_1339 = arith.addi %add3A_1334, %select_n3A_1338 : i32
    %ge3A_1340 = arith.cmpi sge, %add3A_1308, %sub3A_1151 : i32
    %jit3A_1341 = arith.constant 1 : i32
    %jit3A_1342 = arith.constant 0 : i32
    %select_n3A_1343 = arith.select %ge3A_1340, %jit3A_1341, %jit3A_1342 : i32
    %add3A_1344 = arith.addi %add3A_1339, %select_n3A_1343 : i32
    %ge3A_1345 = arith.cmpi sge, %add3A_1307, %sub3A_1151 : i32
    %jit3A_1346 = arith.constant 1 : i32
    %jit3A_1347 = arith.constant 0 : i32
    %select_n3A_1348 = arith.select %ge3A_1345, %jit3A_1346, %jit3A_1347 : i32
    %add3A_1349 = arith.addi %add3A_1344, %select_n3A_1348 : i32
    %ge3A_1350 = arith.cmpi sge, %add3A_1306, %sub3A_1151 : i32
    %jit3A_1351 = arith.constant 1 : i32
    %jit3A_1352 = arith.constant 0 : i32
    %select_n3A_1353 = arith.select %ge3A_1350, %jit3A_1351, %jit3A_1352 : i32
    %add3A_1354 = arith.addi %add3A_1349, %select_n3A_1353 : i32
    %ge3A_1355 = arith.cmpi sge, %add3A_1305, %sub3A_1151 : i32
    %jit3A_1356 = arith.constant 1 : i32
    %jit3A_1357 = arith.constant 0 : i32
    %select_n3A_1358 = arith.select %ge3A_1355, %jit3A_1356, %jit3A_1357 : i32
    %add3A_1359 = arith.addi %add3A_1354, %select_n3A_1358 : i32
    %ge3A_1360 = arith.cmpi sge, %add3A_1304, %sub3A_1151 : i32
    %jit3A_1361 = arith.constant 1 : i32
    %jit3A_1362 = arith.constant 0 : i32
    %select_n3A_1363 = arith.select %ge3A_1360, %jit3A_1361, %jit3A_1362 : i32
    %add3A_1364 = arith.addi %add3A_1359, %select_n3A_1363 : i32
    %ge3A_1365 = arith.cmpi sge, %add3A_1303, %sub3A_1151 : i32
    %jit3A_1366 = arith.constant 1 : i32
    %jit3A_1367 = arith.constant 0 : i32
    %select_n3A_1368 = arith.select %ge3A_1365, %jit3A_1366, %jit3A_1367 : i32
    %add3A_1369 = arith.addi %add3A_1364, %select_n3A_1368 : i32
    %ge3A_1370 = arith.cmpi sge, %add3A_1302, %sub3A_1151 : i32
    %jit3A_1371 = arith.constant 1 : i32
    %jit3A_1372 = arith.constant 0 : i32
    %select_n3A_1373 = arith.select %ge3A_1370, %jit3A_1371, %jit3A_1372 : i32
    %add3A_1374 = arith.addi %add3A_1369, %select_n3A_1373 : i32
    %ge3A_1375 = arith.cmpi sge, %add3A_1301, %sub3A_1151 : i32
    %jit3A_1376 = arith.constant 1 : i32
    %jit3A_1377 = arith.constant 0 : i32
    %select_n3A_1378 = arith.select %ge3A_1375, %jit3A_1376, %jit3A_1377 : i32
    %add3A_1379 = arith.addi %add3A_1374, %select_n3A_1378 : i32
    %ge3A_1380 = arith.cmpi sge, %add3A_1300, %sub3A_1151 : i32
    %jit3A_1381 = arith.constant 1 : i32
    %jit3A_1382 = arith.constant 0 : i32
    %select_n3A_1383 = arith.select %ge3A_1380, %jit3A_1381, %jit3A_1382 : i32
    %add3A_1384 = arith.addi %add3A_1379, %select_n3A_1383 : i32
    %ge3A_1385 = arith.cmpi sge, %add3A_1299, %sub3A_1151 : i32
    %jit3A_1386 = arith.constant 1 : i32
    %jit3A_1387 = arith.constant 0 : i32
    %select_n3A_1388 = arith.select %ge3A_1385, %jit3A_1386, %jit3A_1387 : i32
    %add3A_1389 = arith.addi %add3A_1384, %select_n3A_1388 : i32
    %ge3A_1390 = arith.cmpi sge, %add3A_1298, %sub3A_1151 : i32
    %jit3A_1391 = arith.constant 1 : i32
    %jit3A_1392 = arith.constant 0 : i32
    %select_n3A_1393 = arith.select %ge3A_1390, %jit3A_1391, %jit3A_1392 : i32
    %add3A_1394 = arith.addi %add3A_1389, %select_n3A_1393 : i32
    %sub3A_1395 = arith.constant 1 : i32
    %sub3A_1396 = arith.subi %add3A_1394, %sub3A_1395 : i32
    %eq3A_1397 = arith.constant 0 : i32
    %eq3A_1398 = arith.cmpi eq, %sub3A_1396, %eq3A_1397 : i32
    %select_n3A_1399 = arith.select %eq3A_1398, %get3A_1202, %broadcast_in_dim3A_14 : vector<16xi32>
    %jit3A_1400 = arith.constant 0 : i32
    %select_n3A_1401 = arith.select %eq3A_1398, %add3A_1313, %jit3A_1400 : i32
    %jit3A_1402 = arith.constant 0 : i32
    %select_n3A_1403 = arith.select %eq3A_1398, %reduce_sum3A_1236, %jit3A_1402 : i32
    %eq3A_1404 = arith.constant 1 : i32
    %eq3A_1405 = arith.cmpi eq, %sub3A_1396, %eq3A_1404 : i32
    %select_n3A_1406 = arith.select %eq3A_1405, %get3A_1204, %select_n3A_1399 : vector<16xi32>
    %select_n3A_1407 = arith.select %eq3A_1405, %add3A_1312, %select_n3A_1401 : i32
    %select_n3A_1408 = arith.select %eq3A_1405, %reduce_sum3A_1240, %select_n3A_1403 : i32
    %eq3A_1409 = arith.constant 2 : i32
    %eq3A_1410 = arith.cmpi eq, %sub3A_1396, %eq3A_1409 : i32
    %select_n3A_1411 = arith.select %eq3A_1410, %get3A_1206, %select_n3A_1406 : vector<16xi32>
    %select_n3A_1412 = arith.select %eq3A_1410, %add3A_1311, %select_n3A_1407 : i32
    %select_n3A_1413 = arith.select %eq3A_1410, %reduce_sum3A_1244, %select_n3A_1408 : i32
    %eq3A_1414 = arith.constant 3 : i32
    %eq3A_1415 = arith.cmpi eq, %sub3A_1396, %eq3A_1414 : i32
    %select_n3A_1416 = arith.select %eq3A_1415, %get3A_1208, %select_n3A_1411 : vector<16xi32>
    %select_n3A_1417 = arith.select %eq3A_1415, %add3A_1310, %select_n3A_1412 : i32
    %select_n3A_1418 = arith.select %eq3A_1415, %reduce_sum3A_1248, %select_n3A_1413 : i32
    %eq3A_1419 = arith.constant 4 : i32
    %eq3A_1420 = arith.cmpi eq, %sub3A_1396, %eq3A_1419 : i32
    %select_n3A_1421 = arith.select %eq3A_1420, %get3A_1210, %select_n3A_1416 : vector<16xi32>
    %select_n3A_1422 = arith.select %eq3A_1420, %add3A_1309, %select_n3A_1417 : i32
    %select_n3A_1423 = arith.select %eq3A_1420, %reduce_sum3A_1252, %select_n3A_1418 : i32
    %eq3A_1424 = arith.constant 5 : i32
    %eq3A_1425 = arith.cmpi eq, %sub3A_1396, %eq3A_1424 : i32
    %select_n3A_1426 = arith.select %eq3A_1425, %get3A_1212, %select_n3A_1421 : vector<16xi32>
    %select_n3A_1427 = arith.select %eq3A_1425, %add3A_1308, %select_n3A_1422 : i32
    %select_n3A_1428 = arith.select %eq3A_1425, %reduce_sum3A_1256, %select_n3A_1423 : i32
    %eq3A_1429 = arith.constant 6 : i32
    %eq3A_1430 = arith.cmpi eq, %sub3A_1396, %eq3A_1429 : i32
    %select_n3A_1431 = arith.select %eq3A_1430, %get3A_1214, %select_n3A_1426 : vector<16xi32>
    %select_n3A_1432 = arith.select %eq3A_1430, %add3A_1307, %select_n3A_1427 : i32
    %select_n3A_1433 = arith.select %eq3A_1430, %reduce_sum3A_1260, %select_n3A_1428 : i32
    %eq3A_1434 = arith.constant 7 : i32
    %eq3A_1435 = arith.cmpi eq, %sub3A_1396, %eq3A_1434 : i32
    %select_n3A_1436 = arith.select %eq3A_1435, %get3A_1216, %select_n3A_1431 : vector<16xi32>
    %select_n3A_1437 = arith.select %eq3A_1435, %add3A_1306, %select_n3A_1432 : i32
    %select_n3A_1438 = arith.select %eq3A_1435, %reduce_sum3A_1264, %select_n3A_1433 : i32
    %eq3A_1439 = arith.constant 8 : i32
    %eq3A_1440 = arith.cmpi eq, %sub3A_1396, %eq3A_1439 : i32
    %select_n3A_1441 = arith.select %eq3A_1440, %get3A_1218, %select_n3A_1436 : vector<16xi32>
    %select_n3A_1442 = arith.select %eq3A_1440, %add3A_1305, %select_n3A_1437 : i32
    %select_n3A_1443 = arith.select %eq3A_1440, %reduce_sum3A_1268, %select_n3A_1438 : i32
    %eq3A_1444 = arith.constant 9 : i32
    %eq3A_1445 = arith.cmpi eq, %sub3A_1396, %eq3A_1444 : i32
    %select_n3A_1446 = arith.select %eq3A_1445, %get3A_1220, %select_n3A_1441 : vector<16xi32>
    %select_n3A_1447 = arith.select %eq3A_1445, %add3A_1304, %select_n3A_1442 : i32
    %select_n3A_1448 = arith.select %eq3A_1445, %reduce_sum3A_1272, %select_n3A_1443 : i32
    %eq3A_1449 = arith.constant 10 : i32
    %eq3A_1450 = arith.cmpi eq, %sub3A_1396, %eq3A_1449 : i32
    %select_n3A_1451 = arith.select %eq3A_1450, %get3A_1222, %select_n3A_1446 : vector<16xi32>
    %select_n3A_1452 = arith.select %eq3A_1450, %add3A_1303, %select_n3A_1447 : i32
    %select_n3A_1453 = arith.select %eq3A_1450, %reduce_sum3A_1276, %select_n3A_1448 : i32
    %eq3A_1454 = arith.constant 11 : i32
    %eq3A_1455 = arith.cmpi eq, %sub3A_1396, %eq3A_1454 : i32
    %select_n3A_1456 = arith.select %eq3A_1455, %get3A_1224, %select_n3A_1451 : vector<16xi32>
    %select_n3A_1457 = arith.select %eq3A_1455, %add3A_1302, %select_n3A_1452 : i32
    %select_n3A_1458 = arith.select %eq3A_1455, %reduce_sum3A_1280, %select_n3A_1453 : i32
    %eq3A_1459 = arith.constant 12 : i32
    %eq3A_1460 = arith.cmpi eq, %sub3A_1396, %eq3A_1459 : i32
    %select_n3A_1461 = arith.select %eq3A_1460, %get3A_1226, %select_n3A_1456 : vector<16xi32>
    %select_n3A_1462 = arith.select %eq3A_1460, %add3A_1301, %select_n3A_1457 : i32
    %select_n3A_1463 = arith.select %eq3A_1460, %reduce_sum3A_1284, %select_n3A_1458 : i32
    %eq3A_1464 = arith.constant 13 : i32
    %eq3A_1465 = arith.cmpi eq, %sub3A_1396, %eq3A_1464 : i32
    %select_n3A_1466 = arith.select %eq3A_1465, %get3A_1228, %select_n3A_1461 : vector<16xi32>
    %select_n3A_1467 = arith.select %eq3A_1465, %add3A_1300, %select_n3A_1462 : i32
    %select_n3A_1468 = arith.select %eq3A_1465, %reduce_sum3A_1288, %select_n3A_1463 : i32
    %eq3A_1469 = arith.constant 14 : i32
    %eq3A_1470 = arith.cmpi eq, %sub3A_1396, %eq3A_1469 : i32
    %select_n3A_1471 = arith.select %eq3A_1470, %get3A_1230, %select_n3A_1466 : vector<16xi32>
    %select_n3A_1472 = arith.select %eq3A_1470, %add3A_1299, %select_n3A_1467 : i32
    %select_n3A_1473 = arith.select %eq3A_1470, %reduce_sum3A_1292, %select_n3A_1468 : i32
    %eq3A_1474 = arith.constant 15 : i32
    %eq3A_1475 = arith.cmpi eq, %sub3A_1396, %eq3A_1474 : i32
    %select_n3A_1476 = arith.select %eq3A_1475, %get3A_1232, %select_n3A_1471 : vector<16xi32>
    %select_n3A_1477 = arith.select %eq3A_1475, %add3A_1298, %select_n3A_1472 : i32
    %select_n3A_1478 = arith.select %eq3A_1475, %reduce_sum3A_1296, %select_n3A_1473 : i32
    %sub3A_1479 = arith.subi %select_n3A_1477, %select_n3A_1478 : i32
    %rev3A_1480 = arith.constant 15 : i32
    %rev3A_1481 = vector.broadcast %rev3A_1480 : i32 to vector<16xi32>
    %rev3A_1482 = tpu.iota {dimensions = array<i32: 0>} : vector<16xi32>
    %rev3A_1483 = arith.subi %rev3A_1481, %rev3A_1482 : vector<16xi32>
    %rev3A_1484 = tpu.dynamic_gather %select_n3A_1476[%rev3A_1483] in [0] : vector<16xi32>, vector<16xi32> -> vector<16xi32>
    %broadcast_in_dim3A_1485 = arith.constant true
    %broadcast_in_dim3A_1486 = vector.broadcast %broadcast_in_dim3A_1485 : i1 to vector<16xi1>
    %masked_cumsum3A_1487 = tpu.scan <sum>, %rev3A_1484 masked %broadcast_in_dim3A_1486 : vector<16xi32>, vector<16xi1> -> vector<16xi32>
    %rev3A_1488 = arith.constant 15 : i32
    %rev3A_1489 = vector.broadcast %rev3A_1488 : i32 to vector<16xi32>
    %rev3A_1490 = tpu.iota {dimensions = array<i32: 0>} : vector<16xi32>
    %rev3A_1491 = arith.subi %rev3A_1489, %rev3A_1490 : vector<16xi32>
    %rev3A_1492 = tpu.dynamic_gather %masked_cumsum3A_1487[%rev3A_1491] in [0] : vector<16xi32>, vector<16xi32> -> vector<16xi32>
    %add3A_1493 = vector.broadcast %sub3A_1479 : i32 to vector<16xi32>
    %add3A_1494 = arith.addi %rev3A_1492, %add3A_1493 : vector<16xi32>
    %ge3A_1495 = vector.broadcast %sub3A_1151 : i32 to vector<16xi32>
    %ge3A_1496 = arith.cmpi sge, %add3A_1494, %ge3A_1495 : vector<16xi32>
    %jit3A_1497 = arith.constant 1 : i32
    %jit3A_1498 = arith.constant 0 : i32
    %broadcast_in_dim3A_1499 = vector.broadcast %jit3A_1497 : i32 to vector<16xi32>
    %broadcast_in_dim3A_1500 = vector.broadcast %jit3A_1498 : i32 to vector<16xi32>
    %select_n3A_1501 = arith.select %ge3A_1496, %broadcast_in_dim3A_1499, %broadcast_in_dim3A_1500 : vector<16xi1>, vector<16xi32>
    %reduce_sum3A_1502 = arith.constant true
    %reduce_sum3A_1503 = vector.broadcast %reduce_sum3A_1502 : i1 to vector<16xi1>
    %reduce_sum3A_1504 = tpu.scan <sum>, %select_n3A_1501 masked %reduce_sum3A_1503 : vector<16xi32>, vector<16xi1> -> vector<16xi32>
    %reduce_sum3A_1505 = vector.extract %reduce_sum3A_1504[15] : i32 from vector<16xi32>
    %sub3A_1506 = arith.constant 1 : i32
    %sub3A_1507 = arith.subi %reduce_sum3A_1505, %sub3A_1506 : i32
    %eq3A_1508 = vector.broadcast %sub3A_1507 : i32 to vector<16xi32>
    %eq3A_1509 = arith.cmpi eq, %iota3A, %eq3A_1508 : vector<16xi32>
    %jit3A_1510 = arith.constant 0 : i32
    %broadcast_in_dim3A_1511 = vector.broadcast %jit3A_1510 : i32 to vector<16xi32>
    %select_n3A_1512 = arith.select %eq3A_1509, %rev3A_1492, %broadcast_in_dim3A_1511 : vector<16xi1>, vector<16xi32>
    %reduce_sum3A_1513 = arith.constant true
    %reduce_sum3A_1514 = vector.broadcast %reduce_sum3A_1513 : i1 to vector<16xi1>
    %reduce_sum3A_1515 = tpu.scan <sum>, %select_n3A_1512 masked %reduce_sum3A_1514 : vector<16xi32>, vector<16xi1> -> vector<16xi32>
    %reduce_sum3A_1516 = vector.extract %reduce_sum3A_1515[15] : i32 from vector<16xi32>
    %jit3A_1517 = arith.constant 0 : i32
    %broadcast_in_dim3A_1518 = vector.broadcast %jit3A_1517 : i32 to vector<16xi32>
    %select_n3A_1519 = arith.select %eq3A_1509, %select_n3A_1476, %broadcast_in_dim3A_1518 : vector<16xi1>, vector<16xi32>
    %reduce_sum3A_1520 = arith.constant true
    %reduce_sum3A_1521 = vector.broadcast %reduce_sum3A_1520 : i1 to vector<16xi1>
    %reduce_sum3A_1522 = tpu.scan <sum>, %select_n3A_1519 masked %reduce_sum3A_1521 : vector<16xi32>, vector<16xi1> -> vector<16xi32>
    %reduce_sum3A_1523 = vector.extract %reduce_sum3A_1522[15] : i32 from vector<16xi32>
    %add3A_1524 = arith.addi %sub3A_1479, %reduce_sum3A_1516 : i32
    %sub3A_1525 = arith.subi %add3A_1524, %reduce_sum3A_1523 : i32
    %sub3A_1526 = arith.subi %sub3A_1151, %sub3A_1525 : i32
    %mul3A_1527 = arith.constant 16 : i32
    %mul3A_1528 = arith.muli %sub3A_1396, %mul3A_1527 : i32
    %add3A_1529 = arith.addi %mul3A_1528, %sub3A_1507 : i32
    %broadcast_in_dim3A_1530 = vector.broadcast %add3A_1529 : i32 to vector<16xi32>
    %broadcast_in_dim3A_1531 = arith.constant 8 : i32
    %broadcast_in_dim3A_1532 = vector.broadcast %broadcast_in_dim3A_1531 : i32 to vector<16xi32>
    %shift_left3A_1533 = arith.shli %or3A_1159, %broadcast_in_dim3A_1532 : vector<16xi32>
    %or3A_1534 = arith.ori %shift_left3A_1533, %broadcast_in_dim3A_1530 : vector<16xi32>
    %and3A = arith.andi %or3A_1534, %broadcast_in_dim3A_18 : vector<16xi32>
    %broadcast_in_dim3A_1535 = arith.constant 0 : i32
    %broadcast_in_dim3A_1536 = vector.broadcast %broadcast_in_dim3A_1535 : i32 to vector<16xi32>
    %gt3A = arith.cmpi ugt, %and3A, %broadcast_in_dim3A_1536 : vector<16xi32>
    %xor3A = arith.xori %or3A_1534, %broadcast_in_dim3A_18 : vector<16xi32>
    %not3A = arith.constant dense<-1> : vector<16xi32>
    %not3A_1537 = arith.xori %or3A_1534, %not3A : vector<16xi32>
    %select_n3A_1538 = arith.select %gt3A, %xor3A, %not3A_1537 : vector<16xi1>, vector<16xi32>
    %bitcast_convert_type3A = tpu.bitcast %select_n3A_1538 : vector<16xi32> -> vector<16xf32>
    %parallel_loop3A_1539 = arith.constant 0 : i32
    %parallel_loop3A_1540 = arith.constant 512 : i32
    %parallel_loop3A_1541 = arith.constant 1 : i32
    scf.for %parallel_loop3A_1564 = %parallel_loop3A_1539 to %parallel_loop3A_1540 step %parallel_loop3A_1541  : i32 {
      %parallel_loop3A_1565 = arith.constant 16 : i32
      %parallel_loop3A_1566 = arith.muli %parallel_loop3A_1564, %parallel_loop3A_1565 : i32
      %parallel_loop3A_1567 = arith.constant 0 : i32
      %parallel_loop3A_1568 = tpu.memref_slice %arg4[%parallel_loop3A_1567] : memref<8192xf32, #tpu.memory_space<vmem>> -> memref<8192xf32, #tpu.memory_space<vmem>>
      %parallel_loop3A_1569 = arith.index_cast %parallel_loop3A_1566 : i32 to index
      %parallel_loop3A_1570 = tpu.vector_load %parallel_loop3A_1568[%parallel_loop3A_1569] {strides = array<i32>} : memref<8192xf32, #tpu.memory_space<vmem>>, vector<16xf32>,
      %parallel_loop3A_1571 = arith.cmpf oge, %parallel_loop3A_1570, %bitcast_convert_type3A : vector<16xf32>
      %parallel_loop3A_1572 = arith.constant 0.000000e+00 : f32
      %parallel_loop3A_1573 = vector.broadcast %parallel_loop3A_1572 : f32 to vector<16xf32>
      %parallel_loop3A_1574 = arith.select %parallel_loop3A_1571, %parallel_loop3A_1570, %parallel_loop3A_1573 : vector<16xi1>, vector<16xf32>
      %parallel_loop3A_1575 = arith.constant 16 : i32
      %parallel_loop3A_1576 = arith.muli %parallel_loop3A_1564, %parallel_loop3A_1575 : i32
      %parallel_loop3A_1577 = arith.constant 0 : i32
      %parallel_loop3A_1578 = tpu.memref_slice %arg4[%parallel_loop3A_1577] : memref<8192xf32, #tpu.memory_space<vmem>> -> memref<8192xf32, #tpu.memory_space<vmem>>
      %parallel_loop3A_1579 = arith.index_cast %parallel_loop3A_1576 : i32 to index
      %parallel_loop3A_1580 = tpu.vector_load %parallel_loop3A_1578[%parallel_loop3A_1579] {strides = array<i32>} : memref<8192xf32, #tpu.memory_space<vmem>>, vector<16xf32>,
      tpu.vector_store %parallel_loop3A_1578[%parallel_loop3A_1579], %parallel_loop3A_1574 {strides = array<i32>} : memref<8192xf32, #tpu.memory_space<vmem>>, vector<16xf32>,
    } {sc.loop_unroll_factor = 8 : i64, sc.parallel_access}
    %add3A_1542 = arith.constant 0 : i32
    %add3A_1543 = arith.addi %mul3A_2, %add3A_1542 : i32
    %dma_start3A_1544 = arith.constant 0 : i32
    %dma_start3A_1545 = tpu.memref_slice %arg4[%dma_start3A_1544] : memref<8192xf32, #tpu.memory_space<vmem>> -> memref<8192xf32, #tpu.memory_space<vmem>>
    %dma_start3A_1546 = arith.constant 0 : i32
    %dma_start3A_1547 = tpu.memref_slice %arg3[%add3A_1543, %dma_start3A_1546] : memref<32x8192xf32, #tpu.memory_space<hbm>> -> memref<1x8192xf32, #tpu.memory_space<hbm>>
    %dma_start3A_1548 = tpu.memref_squeeze %dma_start3A_1547 : memref<1x8192xf32, #tpu.memory_space<hbm>> -> memref<8192xf32, #tpu.memory_space<hbm>>
    %dma_start3A_1549 = arith.constant 0 : i32
    %dma_start3A_1550 = tpu.memref_slice %arg3[%add3A_1543, %dma_start3A_1549] : memref<32x8192xf32, #tpu.memory_space<hbm>> -> memref<1x8192xf32, #tpu.memory_space<hbm>>
    %dma_start3A_1551 = tpu.memref_squeeze %dma_start3A_1550 : memref<1x8192xf32, #tpu.memory_space<hbm>> -> memref<8192xf32, #tpu.memory_space<hbm>>
    %dma_start3A_1552 = arith.constant 0 : i32
    %dma_start3A_1553 = tpu.memref_slice %arg4[%dma_start3A_1552] : memref<8192xf32, #tpu.memory_space<vmem>> -> memref<8192xf32, #tpu.memory_space<vmem>>
    tpu.enqueue_dma source(%dma_start3A_1553 : memref<8192xf32, #tpu.memory_space<vmem>>) target(%dma_start3A_1551 : memref<8192xf32, #tpu.memory_space<hbm>>) target_semaphore(%arg8 : memref<!tpu.dma_semaphore, #tpu.memory_space<semaphore_mem>>)
    %dma_wait3A_1554 = arith.constant 0 : i32
    %dma_wait3A_1555 = tpu.memref_slice %arg4[%dma_wait3A_1554] : memref<8192xf32, #tpu.memory_space<vmem>> -> memref<8192xf32, #tpu.memory_space<vmem>>
    %dma_wait3A_1556 = arith.constant 0 : i32
    %dma_wait3A_1557 = tpu.memref_slice %arg3[%add3A_1543, %dma_wait3A_1556] : memref<32x8192xf32, #tpu.memory_space<hbm>> -> memref<1x8192xf32, #tpu.memory_space<hbm>>
    %dma_wait3A_1558 = tpu.memref_squeeze %dma_wait3A_1557 : memref<1x8192xf32, #tpu.memory_space<hbm>> -> memref<8192xf32, #tpu.memory_space<hbm>>
    %dma_wait3A_1559 = arith.constant 0 : i32
    %dma_wait3A_1560 = tpu.memref_slice %arg3[%add3A_1543, %dma_wait3A_1559] : memref<32x8192xf32, #tpu.memory_space<hbm>> -> memref<1x8192xf32, #tpu.memory_space<hbm>>
    %dma_wait3A_1561 = tpu.memref_squeeze %dma_wait3A_1560 : memref<1x8192xf32, #tpu.memory_space<hbm>> -> memref<8192xf32, #tpu.memory_space<hbm>>
    %dma_wait3A_1562 = arith.constant 0 : i32
    %dma_wait3A_1563 = tpu.memref_slice %arg4[%dma_wait3A_1562] : memref<8192xf32, #tpu.memory_space<vmem>> -> memref<8192xf32, #tpu.memory_space<vmem>>
    tpu.wait_dma2 semaphore(%arg8 : memref<!tpu.dma_semaphore, #tpu.memory_space<semaphore_mem>>) src(%dma_wait3A_1563 : memref<8192xf32, #tpu.memory_space<vmem>>) dst(%dma_wait3A_1561 : memref<8192xf32, #tpu.memory_space<hbm>>)
    return
  }
}

module attributes {stable_mosaic.version = 14 : i64} {
  func.func @_tc_kernel_body(%arg0: i32, %arg1: memref<32x8192xf32, #tpu.memory_space<vmem>>, %arg2: memref<32x8192xf32, #tpu.memory_space<vmem>>) attributes {dimension_semantics = [#tpu.dimension_semantics<arbitrary>], iteration_bounds = array<i64: 1>, scalar_prefetch = 0 : i64, scratch_operands = 0 : i64, tpu.core_type = #tpu.core_type<tc>, window_params = [{transform_indices = @transform_0, window_bounds = array<i64: 32, 8192>}, {pipeline_mode = #tpu.pipeline_mode<synchronous>, transform_indices = @transform_1, window_bounds = array<i64: 32, 8192>}]} {
    %get3A = arith.constant 0 : index
    %get3A_0 = arith.constant 0 : index
    %get3A_1 = vector.load %arg1[%get3A, %get3A_0] : memref<32x8192xf32, #tpu.memory_space<vmem>>, vector<32x8192xf32>
    %bitcast_convert_type3A = tpu.bitcast %get3A_1 : vector<32x8192xf32> -> vector<32x8192xi32>
    %shift_right_arithmetic3A = arith.constant 31 : i32
    %shift_right_arithmetic3A_2 = vector.broadcast %shift_right_arithmetic3A : i32 to vector<32x8192xi32>
    %shift_right_arithmetic3A_3 = arith.shrsi %bitcast_convert_type3A, %shift_right_arithmetic3A_2 : vector<32x8192xi32>
    %and3A = arith.constant 2147483647 : i32
    %and3A_4 = vector.broadcast %and3A : i32 to vector<32x8192xi32>
    %and3A_5 = arith.andi %shift_right_arithmetic3A_3, %and3A_4 : vector<32x8192xi32>
    %xor3A = arith.xori %bitcast_convert_type3A, %and3A_5 : vector<32x8192xi32>
    %slice3A = vector.extract_strided_slice %xor3A {offsets = [0, 0], sizes = [16, 8192], strides = [1, 1]} : vector<32x8192xi32> to vector<16x8192xi32>
    %ge3A = arith.constant 0 : i32
    %ge3A_6 = vector.broadcast %ge3A : i32 to vector<16x8192xi32>
    %ge3A_7 = arith.cmpi sge, %slice3A, %ge3A_6 : vector<16x8192xi32>
    %convert_element_type3A = arith.extui %ge3A_7 : vector<16x8192xi1> to vector<16x8192xi32>
    %reduce_sum3A = arith.constant dense<0> : vector<16xi32>
    %reduce_sum3A_8 = vector.multi_reduction <add>, %convert_element_type3A, %reduce_sum3A [1] : vector<16x8192xi32> to vector<16xi32>
    %broadcast_in_dim3A = vector.shape_cast %reduce_sum3A_8 : vector<16xi32> to vector<16x1xi32>
    %ge3A_9 = arith.constant 256 : i32
    %ge3A_10 = vector.broadcast %ge3A_9 : i32 to vector<16x1xi32>
    %ge3A_11 = arith.cmpi sge, %broadcast_in_dim3A, %ge3A_10 : vector<16x1xi32>
    %jit3A = arith.constant 0 : i32
    %jit3A_12 = arith.constant -2147483648 : i32
    %broadcast_in_dim3A_13 = vector.broadcast %jit3A : i32 to vector<16x1xi32>
    %broadcast_in_dim3A_14 = vector.broadcast %jit3A_12 : i32 to vector<16x1xi32>
    %select_n3A = arith.select %ge3A_11, %broadcast_in_dim3A_13, %broadcast_in_dim3A_14 : vector<16x1xi1>, vector<16x1xi32>
    %shift_left3A = arith.constant 1 : i32
    %shift_left3A_15 = arith.constant 30 : i32
    %shift_left3A_16 = arith.shli %shift_left3A, %shift_left3A_15 : i32
    %or3A = vector.broadcast %shift_left3A_16 : i32 to vector<16x1xi32>
    %or3A_17 = arith.ori %select_n3A, %or3A : vector<16x1xi32>
    %ge3A_18 = vector.broadcast %or3A_17 : vector<16x1xi32> to vector<16x8192xi32>
    %ge3A_19 = arith.cmpi sge, %slice3A, %ge3A_18 : vector<16x8192xi32>
    %convert_element_type3A_20 = arith.extui %ge3A_19 : vector<16x8192xi1> to vector<16x8192xi32>
    %reduce_sum3A_21 = arith.constant dense<0> : vector<16xi32>
    %reduce_sum3A_22 = vector.multi_reduction <add>, %convert_element_type3A_20, %reduce_sum3A_21 [1] : vector<16x8192xi32> to vector<16xi32>
    %broadcast_in_dim3A_23 = vector.shape_cast %reduce_sum3A_22 : vector<16xi32> to vector<16x1xi32>
    %ge3A_24 = arith.constant 256 : i32
    %ge3A_25 = vector.broadcast %ge3A_24 : i32 to vector<16x1xi32>
    %ge3A_26 = arith.cmpi sge, %broadcast_in_dim3A_23, %ge3A_25 : vector<16x1xi32>
    %select_n3A_27 = arith.select %ge3A_26, %or3A_17, %select_n3A : vector<16x1xi1>, vector<16x1xi32>
    %shift_left3A_28 = arith.constant 1 : i32
    %shift_left3A_29 = arith.constant 29 : i32
    %shift_left3A_30 = arith.shli %shift_left3A_28, %shift_left3A_29 : i32
    %or3A_31 = vector.broadcast %shift_left3A_30 : i32 to vector<16x1xi32>
    %or3A_32 = arith.ori %select_n3A_27, %or3A_31 : vector<16x1xi32>
    %ge3A_33 = vector.broadcast %or3A_32 : vector<16x1xi32> to vector<16x8192xi32>
    %ge3A_34 = arith.cmpi sge, %slice3A, %ge3A_33 : vector<16x8192xi32>
    %convert_element_type3A_35 = arith.extui %ge3A_34 : vector<16x8192xi1> to vector<16x8192xi32>
    %reduce_sum3A_36 = arith.constant dense<0> : vector<16xi32>
    %reduce_sum3A_37 = vector.multi_reduction <add>, %convert_element_type3A_35, %reduce_sum3A_36 [1] : vector<16x8192xi32> to vector<16xi32>
    %broadcast_in_dim3A_38 = vector.shape_cast %reduce_sum3A_37 : vector<16xi32> to vector<16x1xi32>
    %ge3A_39 = arith.constant 256 : i32
    %ge3A_40 = vector.broadcast %ge3A_39 : i32 to vector<16x1xi32>
    %ge3A_41 = arith.cmpi sge, %broadcast_in_dim3A_38, %ge3A_40 : vector<16x1xi32>
    %select_n3A_42 = arith.select %ge3A_41, %or3A_32, %select_n3A_27 : vector<16x1xi1>, vector<16x1xi32>
    %shift_left3A_43 = arith.constant 1 : i32
    %shift_left3A_44 = arith.constant 28 : i32
    %shift_left3A_45 = arith.shli %shift_left3A_43, %shift_left3A_44 : i32
    %or3A_46 = vector.broadcast %shift_left3A_45 : i32 to vector<16x1xi32>
    %or3A_47 = arith.ori %select_n3A_42, %or3A_46 : vector<16x1xi32>
    %ge3A_48 = vector.broadcast %or3A_47 : vector<16x1xi32> to vector<16x8192xi32>
    %ge3A_49 = arith.cmpi sge, %slice3A, %ge3A_48 : vector<16x8192xi32>
    %convert_element_type3A_50 = arith.extui %ge3A_49 : vector<16x8192xi1> to vector<16x8192xi32>
    %reduce_sum3A_51 = arith.constant dense<0> : vector<16xi32>
    %reduce_sum3A_52 = vector.multi_reduction <add>, %convert_element_type3A_50, %reduce_sum3A_51 [1] : vector<16x8192xi32> to vector<16xi32>
    %broadcast_in_dim3A_53 = vector.shape_cast %reduce_sum3A_52 : vector<16xi32> to vector<16x1xi32>
    %ge3A_54 = arith.constant 256 : i32
    %ge3A_55 = vector.broadcast %ge3A_54 : i32 to vector<16x1xi32>
    %ge3A_56 = arith.cmpi sge, %broadcast_in_dim3A_53, %ge3A_55 : vector<16x1xi32>
    %select_n3A_57 = arith.select %ge3A_56, %or3A_47, %select_n3A_42 : vector<16x1xi1>, vector<16x1xi32>
    %shift_left3A_58 = arith.constant 1 : i32
    %shift_left3A_59 = arith.constant 27 : i32
    %shift_left3A_60 = arith.shli %shift_left3A_58, %shift_left3A_59 : i32
    %or3A_61 = vector.broadcast %shift_left3A_60 : i32 to vector<16x1xi32>
    %or3A_62 = arith.ori %select_n3A_57, %or3A_61 : vector<16x1xi32>
    %ge3A_63 = vector.broadcast %or3A_62 : vector<16x1xi32> to vector<16x8192xi32>
    %ge3A_64 = arith.cmpi sge, %slice3A, %ge3A_63 : vector<16x8192xi32>
    %convert_element_type3A_65 = arith.extui %ge3A_64 : vector<16x8192xi1> to vector<16x8192xi32>
    %reduce_sum3A_66 = arith.constant dense<0> : vector<16xi32>
    %reduce_sum3A_67 = vector.multi_reduction <add>, %convert_element_type3A_65, %reduce_sum3A_66 [1] : vector<16x8192xi32> to vector<16xi32>
    %broadcast_in_dim3A_68 = vector.shape_cast %reduce_sum3A_67 : vector<16xi32> to vector<16x1xi32>
    %ge3A_69 = arith.constant 256 : i32
    %ge3A_70 = vector.broadcast %ge3A_69 : i32 to vector<16x1xi32>
    %ge3A_71 = arith.cmpi sge, %broadcast_in_dim3A_68, %ge3A_70 : vector<16x1xi32>
    %select_n3A_72 = arith.select %ge3A_71, %or3A_62, %select_n3A_57 : vector<16x1xi1>, vector<16x1xi32>
    %shift_left3A_73 = arith.constant 1 : i32
    %shift_left3A_74 = arith.constant 26 : i32
    %shift_left3A_75 = arith.shli %shift_left3A_73, %shift_left3A_74 : i32
    %or3A_76 = vector.broadcast %shift_left3A_75 : i32 to vector<16x1xi32>
    %or3A_77 = arith.ori %select_n3A_72, %or3A_76 : vector<16x1xi32>
    %ge3A_78 = vector.broadcast %or3A_77 : vector<16x1xi32> to vector<16x8192xi32>
    %ge3A_79 = arith.cmpi sge, %slice3A, %ge3A_78 : vector<16x8192xi32>
    %convert_element_type3A_80 = arith.extui %ge3A_79 : vector<16x8192xi1> to vector<16x8192xi32>
    %reduce_sum3A_81 = arith.constant dense<0> : vector<16xi32>
    %reduce_sum3A_82 = vector.multi_reduction <add>, %convert_element_type3A_80, %reduce_sum3A_81 [1] : vector<16x8192xi32> to vector<16xi32>
    %broadcast_in_dim3A_83 = vector.shape_cast %reduce_sum3A_82 : vector<16xi32> to vector<16x1xi32>
    %ge3A_84 = arith.constant 256 : i32
    %ge3A_85 = vector.broadcast %ge3A_84 : i32 to vector<16x1xi32>
    %ge3A_86 = arith.cmpi sge, %broadcast_in_dim3A_83, %ge3A_85 : vector<16x1xi32>
    %select_n3A_87 = arith.select %ge3A_86, %or3A_77, %select_n3A_72 : vector<16x1xi1>, vector<16x1xi32>
    %shift_left3A_88 = arith.constant 1 : i32
    %shift_left3A_89 = arith.constant 25 : i32
    %shift_left3A_90 = arith.shli %shift_left3A_88, %shift_left3A_89 : i32
    %or3A_91 = vector.broadcast %shift_left3A_90 : i32 to vector<16x1xi32>
    %or3A_92 = arith.ori %select_n3A_87, %or3A_91 : vector<16x1xi32>
    %ge3A_93 = vector.broadcast %or3A_92 : vector<16x1xi32> to vector<16x8192xi32>
    %ge3A_94 = arith.cmpi sge, %slice3A, %ge3A_93 : vector<16x8192xi32>
    %convert_element_type3A_95 = arith.extui %ge3A_94 : vector<16x8192xi1> to vector<16x8192xi32>
    %reduce_sum3A_96 = arith.constant dense<0> : vector<16xi32>
    %reduce_sum3A_97 = vector.multi_reduction <add>, %convert_element_type3A_95, %reduce_sum3A_96 [1] : vector<16x8192xi32> to vector<16xi32>
    %broadcast_in_dim3A_98 = vector.shape_cast %reduce_sum3A_97 : vector<16xi32> to vector<16x1xi32>
    %ge3A_99 = arith.constant 256 : i32
    %ge3A_100 = vector.broadcast %ge3A_99 : i32 to vector<16x1xi32>
    %ge3A_101 = arith.cmpi sge, %broadcast_in_dim3A_98, %ge3A_100 : vector<16x1xi32>
    %select_n3A_102 = arith.select %ge3A_101, %or3A_92, %select_n3A_87 : vector<16x1xi1>, vector<16x1xi32>
    %shift_left3A_103 = arith.constant 1 : i32
    %shift_left3A_104 = arith.constant 24 : i32
    %shift_left3A_105 = arith.shli %shift_left3A_103, %shift_left3A_104 : i32
    %or3A_106 = vector.broadcast %shift_left3A_105 : i32 to vector<16x1xi32>
    %or3A_107 = arith.ori %select_n3A_102, %or3A_106 : vector<16x1xi32>
    %ge3A_108 = vector.broadcast %or3A_107 : vector<16x1xi32> to vector<16x8192xi32>
    %ge3A_109 = arith.cmpi sge, %slice3A, %ge3A_108 : vector<16x8192xi32>
    %convert_element_type3A_110 = arith.extui %ge3A_109 : vector<16x8192xi1> to vector<16x8192xi32>
    %reduce_sum3A_111 = arith.constant dense<0> : vector<16xi32>
    %reduce_sum3A_112 = vector.multi_reduction <add>, %convert_element_type3A_110, %reduce_sum3A_111 [1] : vector<16x8192xi32> to vector<16xi32>
    %broadcast_in_dim3A_113 = vector.shape_cast %reduce_sum3A_112 : vector<16xi32> to vector<16x1xi32>
    %ge3A_114 = arith.constant 256 : i32
    %ge3A_115 = vector.broadcast %ge3A_114 : i32 to vector<16x1xi32>
    %ge3A_116 = arith.cmpi sge, %broadcast_in_dim3A_113, %ge3A_115 : vector<16x1xi32>
    %select_n3A_117 = arith.select %ge3A_116, %or3A_107, %select_n3A_102 : vector<16x1xi1>, vector<16x1xi32>
    %shift_left3A_118 = arith.constant 1 : i32
    %shift_left3A_119 = arith.constant 23 : i32
    %shift_left3A_120 = arith.shli %shift_left3A_118, %shift_left3A_119 : i32
    %or3A_121 = vector.broadcast %shift_left3A_120 : i32 to vector<16x1xi32>
    %or3A_122 = arith.ori %select_n3A_117, %or3A_121 : vector<16x1xi32>
    %ge3A_123 = vector.broadcast %or3A_122 : vector<16x1xi32> to vector<16x8192xi32>
    %ge3A_124 = arith.cmpi sge, %slice3A, %ge3A_123 : vector<16x8192xi32>
    %convert_element_type3A_125 = arith.extui %ge3A_124 : vector<16x8192xi1> to vector<16x8192xi32>
    %reduce_sum3A_126 = arith.constant dense<0> : vector<16xi32>
    %reduce_sum3A_127 = vector.multi_reduction <add>, %convert_element_type3A_125, %reduce_sum3A_126 [1] : vector<16x8192xi32> to vector<16xi32>
    %broadcast_in_dim3A_128 = vector.shape_cast %reduce_sum3A_127 : vector<16xi32> to vector<16x1xi32>
    %ge3A_129 = arith.constant 256 : i32
    %ge3A_130 = vector.broadcast %ge3A_129 : i32 to vector<16x1xi32>
    %ge3A_131 = arith.cmpi sge, %broadcast_in_dim3A_128, %ge3A_130 : vector<16x1xi32>
    %select_n3A_132 = arith.select %ge3A_131, %or3A_122, %select_n3A_117 : vector<16x1xi1>, vector<16x1xi32>
    %shift_left3A_133 = arith.constant 1 : i32
    %shift_left3A_134 = arith.constant 22 : i32
    %shift_left3A_135 = arith.shli %shift_left3A_133, %shift_left3A_134 : i32
    %or3A_136 = vector.broadcast %shift_left3A_135 : i32 to vector<16x1xi32>
    %or3A_137 = arith.ori %select_n3A_132, %or3A_136 : vector<16x1xi32>
    %ge3A_138 = vector.broadcast %or3A_137 : vector<16x1xi32> to vector<16x8192xi32>
    %ge3A_139 = arith.cmpi sge, %slice3A, %ge3A_138 : vector<16x8192xi32>
    %convert_element_type3A_140 = arith.extui %ge3A_139 : vector<16x8192xi1> to vector<16x8192xi32>
    %reduce_sum3A_141 = arith.constant dense<0> : vector<16xi32>
    %reduce_sum3A_142 = vector.multi_reduction <add>, %convert_element_type3A_140, %reduce_sum3A_141 [1] : vector<16x8192xi32> to vector<16xi32>
    %broadcast_in_dim3A_143 = vector.shape_cast %reduce_sum3A_142 : vector<16xi32> to vector<16x1xi32>
    %ge3A_144 = arith.constant 256 : i32
    %ge3A_145 = vector.broadcast %ge3A_144 : i32 to vector<16x1xi32>
    %ge3A_146 = arith.cmpi sge, %broadcast_in_dim3A_143, %ge3A_145 : vector<16x1xi32>
    %select_n3A_147 = arith.select %ge3A_146, %or3A_137, %select_n3A_132 : vector<16x1xi1>, vector<16x1xi32>
    %shift_left3A_148 = arith.constant 1 : i32
    %shift_left3A_149 = arith.constant 21 : i32
    %shift_left3A_150 = arith.shli %shift_left3A_148, %shift_left3A_149 : i32
    %or3A_151 = vector.broadcast %shift_left3A_150 : i32 to vector<16x1xi32>
    %or3A_152 = arith.ori %select_n3A_147, %or3A_151 : vector<16x1xi32>
    %ge3A_153 = vector.broadcast %or3A_152 : vector<16x1xi32> to vector<16x8192xi32>
    %ge3A_154 = arith.cmpi sge, %slice3A, %ge3A_153 : vector<16x8192xi32>
    %convert_element_type3A_155 = arith.extui %ge3A_154 : vector<16x8192xi1> to vector<16x8192xi32>
    %reduce_sum3A_156 = arith.constant dense<0> : vector<16xi32>
    %reduce_sum3A_157 = vector.multi_reduction <add>, %convert_element_type3A_155, %reduce_sum3A_156 [1] : vector<16x8192xi32> to vector<16xi32>
    %broadcast_in_dim3A_158 = vector.shape_cast %reduce_sum3A_157 : vector<16xi32> to vector<16x1xi32>
    %ge3A_159 = arith.constant 256 : i32
    %ge3A_160 = vector.broadcast %ge3A_159 : i32 to vector<16x1xi32>
    %ge3A_161 = arith.cmpi sge, %broadcast_in_dim3A_158, %ge3A_160 : vector<16x1xi32>
    %select_n3A_162 = arith.select %ge3A_161, %or3A_152, %select_n3A_147 : vector<16x1xi1>, vector<16x1xi32>
    %shift_left3A_163 = arith.constant 1 : i32
    %shift_left3A_164 = arith.constant 20 : i32
    %shift_left3A_165 = arith.shli %shift_left3A_163, %shift_left3A_164 : i32
    %or3A_166 = vector.broadcast %shift_left3A_165 : i32 to vector<16x1xi32>
    %or3A_167 = arith.ori %select_n3A_162, %or3A_166 : vector<16x1xi32>
    %ge3A_168 = vector.broadcast %or3A_167 : vector<16x1xi32> to vector<16x8192xi32>
    %ge3A_169 = arith.cmpi sge, %slice3A, %ge3A_168 : vector<16x8192xi32>
    %convert_element_type3A_170 = arith.extui %ge3A_169 : vector<16x8192xi1> to vector<16x8192xi32>
    %reduce_sum3A_171 = arith.constant dense<0> : vector<16xi32>
    %reduce_sum3A_172 = vector.multi_reduction <add>, %convert_element_type3A_170, %reduce_sum3A_171 [1] : vector<16x8192xi32> to vector<16xi32>
    %broadcast_in_dim3A_173 = vector.shape_cast %reduce_sum3A_172 : vector<16xi32> to vector<16x1xi32>
    %ge3A_174 = arith.constant 256 : i32
    %ge3A_175 = vector.broadcast %ge3A_174 : i32 to vector<16x1xi32>
    %ge3A_176 = arith.cmpi sge, %broadcast_in_dim3A_173, %ge3A_175 : vector<16x1xi32>
    %select_n3A_177 = arith.select %ge3A_176, %or3A_167, %select_n3A_162 : vector<16x1xi1>, vector<16x1xi32>
    %shift_left3A_178 = arith.constant 1 : i32
    %shift_left3A_179 = arith.constant 19 : i32
    %shift_left3A_180 = arith.shli %shift_left3A_178, %shift_left3A_179 : i32
    %or3A_181 = vector.broadcast %shift_left3A_180 : i32 to vector<16x1xi32>
    %or3A_182 = arith.ori %select_n3A_177, %or3A_181 : vector<16x1xi32>
    %ge3A_183 = vector.broadcast %or3A_182 : vector<16x1xi32> to vector<16x8192xi32>
    %ge3A_184 = arith.cmpi sge, %slice3A, %ge3A_183 : vector<16x8192xi32>
    %convert_element_type3A_185 = arith.extui %ge3A_184 : vector<16x8192xi1> to vector<16x8192xi32>
    %reduce_sum3A_186 = arith.constant dense<0> : vector<16xi32>
    %reduce_sum3A_187 = vector.multi_reduction <add>, %convert_element_type3A_185, %reduce_sum3A_186 [1] : vector<16x8192xi32> to vector<16xi32>
    %broadcast_in_dim3A_188 = vector.shape_cast %reduce_sum3A_187 : vector<16xi32> to vector<16x1xi32>
    %ge3A_189 = arith.constant 256 : i32
    %ge3A_190 = vector.broadcast %ge3A_189 : i32 to vector<16x1xi32>
    %ge3A_191 = arith.cmpi sge, %broadcast_in_dim3A_188, %ge3A_190 : vector<16x1xi32>
    %select_n3A_192 = arith.select %ge3A_191, %or3A_182, %select_n3A_177 : vector<16x1xi1>, vector<16x1xi32>
    %shift_left3A_193 = arith.constant 1 : i32
    %shift_left3A_194 = arith.constant 18 : i32
    %shift_left3A_195 = arith.shli %shift_left3A_193, %shift_left3A_194 : i32
    %or3A_196 = vector.broadcast %shift_left3A_195 : i32 to vector<16x1xi32>
    %or3A_197 = arith.ori %select_n3A_192, %or3A_196 : vector<16x1xi32>
    %ge3A_198 = vector.broadcast %or3A_197 : vector<16x1xi32> to vector<16x8192xi32>
    %ge3A_199 = arith.cmpi sge, %slice3A, %ge3A_198 : vector<16x8192xi32>
    %convert_element_type3A_200 = arith.extui %ge3A_199 : vector<16x8192xi1> to vector<16x8192xi32>
    %reduce_sum3A_201 = arith.constant dense<0> : vector<16xi32>
    %reduce_sum3A_202 = vector.multi_reduction <add>, %convert_element_type3A_200, %reduce_sum3A_201 [1] : vector<16x8192xi32> to vector<16xi32>
    %broadcast_in_dim3A_203 = vector.shape_cast %reduce_sum3A_202 : vector<16xi32> to vector<16x1xi32>
    %ge3A_204 = arith.constant 256 : i32
    %ge3A_205 = vector.broadcast %ge3A_204 : i32 to vector<16x1xi32>
    %ge3A_206 = arith.cmpi sge, %broadcast_in_dim3A_203, %ge3A_205 : vector<16x1xi32>
    %select_n3A_207 = arith.select %ge3A_206, %or3A_197, %select_n3A_192 : vector<16x1xi1>, vector<16x1xi32>
    %shift_left3A_208 = arith.constant 1 : i32
    %shift_left3A_209 = arith.constant 17 : i32
    %shift_left3A_210 = arith.shli %shift_left3A_208, %shift_left3A_209 : i32
    %or3A_211 = vector.broadcast %shift_left3A_210 : i32 to vector<16x1xi32>
    %or3A_212 = arith.ori %select_n3A_207, %or3A_211 : vector<16x1xi32>
    %ge3A_213 = vector.broadcast %or3A_212 : vector<16x1xi32> to vector<16x8192xi32>
    %ge3A_214 = arith.cmpi sge, %slice3A, %ge3A_213 : vector<16x8192xi32>
    %convert_element_type3A_215 = arith.extui %ge3A_214 : vector<16x8192xi1> to vector<16x8192xi32>
    %reduce_sum3A_216 = arith.constant dense<0> : vector<16xi32>
    %reduce_sum3A_217 = vector.multi_reduction <add>, %convert_element_type3A_215, %reduce_sum3A_216 [1] : vector<16x8192xi32> to vector<16xi32>
    %broadcast_in_dim3A_218 = vector.shape_cast %reduce_sum3A_217 : vector<16xi32> to vector<16x1xi32>
    %ge3A_219 = arith.constant 256 : i32
    %ge3A_220 = vector.broadcast %ge3A_219 : i32 to vector<16x1xi32>
    %ge3A_221 = arith.cmpi sge, %broadcast_in_dim3A_218, %ge3A_220 : vector<16x1xi32>
    %select_n3A_222 = arith.select %ge3A_221, %or3A_212, %select_n3A_207 : vector<16x1xi1>, vector<16x1xi32>
    %shift_left3A_223 = arith.constant 1 : i32
    %shift_left3A_224 = arith.constant 16 : i32
    %shift_left3A_225 = arith.shli %shift_left3A_223, %shift_left3A_224 : i32
    %or3A_226 = vector.broadcast %shift_left3A_225 : i32 to vector<16x1xi32>
    %or3A_227 = arith.ori %select_n3A_222, %or3A_226 : vector<16x1xi32>
    %ge3A_228 = vector.broadcast %or3A_227 : vector<16x1xi32> to vector<16x8192xi32>
    %ge3A_229 = arith.cmpi sge, %slice3A, %ge3A_228 : vector<16x8192xi32>
    %convert_element_type3A_230 = arith.extui %ge3A_229 : vector<16x8192xi1> to vector<16x8192xi32>
    %reduce_sum3A_231 = arith.constant dense<0> : vector<16xi32>
    %reduce_sum3A_232 = vector.multi_reduction <add>, %convert_element_type3A_230, %reduce_sum3A_231 [1] : vector<16x8192xi32> to vector<16xi32>
    %broadcast_in_dim3A_233 = vector.shape_cast %reduce_sum3A_232 : vector<16xi32> to vector<16x1xi32>
    %ge3A_234 = arith.constant 256 : i32
    %ge3A_235 = vector.broadcast %ge3A_234 : i32 to vector<16x1xi32>
    %ge3A_236 = arith.cmpi sge, %broadcast_in_dim3A_233, %ge3A_235 : vector<16x1xi32>
    %select_n3A_237 = arith.select %ge3A_236, %or3A_227, %select_n3A_222 : vector<16x1xi1>, vector<16x1xi32>
    %shift_left3A_238 = arith.constant 1 : i32
    %shift_left3A_239 = arith.constant 15 : i32
    %shift_left3A_240 = arith.shli %shift_left3A_238, %shift_left3A_239 : i32
    %or3A_241 = vector.broadcast %shift_left3A_240 : i32 to vector<16x1xi32>
    %or3A_242 = arith.ori %select_n3A_237, %or3A_241 : vector<16x1xi32>
    %ge3A_243 = vector.broadcast %or3A_242 : vector<16x1xi32> to vector<16x8192xi32>
    %ge3A_244 = arith.cmpi sge, %slice3A, %ge3A_243 : vector<16x8192xi32>
    %convert_element_type3A_245 = arith.extui %ge3A_244 : vector<16x8192xi1> to vector<16x8192xi32>
    %reduce_sum3A_246 = arith.constant dense<0> : vector<16xi32>
    %reduce_sum3A_247 = vector.multi_reduction <add>, %convert_element_type3A_245, %reduce_sum3A_246 [1] : vector<16x8192xi32> to vector<16xi32>
    %broadcast_in_dim3A_248 = vector.shape_cast %reduce_sum3A_247 : vector<16xi32> to vector<16x1xi32>
    %ge3A_249 = arith.constant 256 : i32
    %ge3A_250 = vector.broadcast %ge3A_249 : i32 to vector<16x1xi32>
    %ge3A_251 = arith.cmpi sge, %broadcast_in_dim3A_248, %ge3A_250 : vector<16x1xi32>
    %select_n3A_252 = arith.select %ge3A_251, %or3A_242, %select_n3A_237 : vector<16x1xi1>, vector<16x1xi32>
    %shift_left3A_253 = arith.constant 1 : i32
    %shift_left3A_254 = arith.constant 14 : i32
    %shift_left3A_255 = arith.shli %shift_left3A_253, %shift_left3A_254 : i32
    %or3A_256 = vector.broadcast %shift_left3A_255 : i32 to vector<16x1xi32>
    %or3A_257 = arith.ori %select_n3A_252, %or3A_256 : vector<16x1xi32>
    %ge3A_258 = vector.broadcast %or3A_257 : vector<16x1xi32> to vector<16x8192xi32>
    %ge3A_259 = arith.cmpi sge, %slice3A, %ge3A_258 : vector<16x8192xi32>
    %convert_element_type3A_260 = arith.extui %ge3A_259 : vector<16x8192xi1> to vector<16x8192xi32>
    %reduce_sum3A_261 = arith.constant dense<0> : vector<16xi32>
    %reduce_sum3A_262 = vector.multi_reduction <add>, %convert_element_type3A_260, %reduce_sum3A_261 [1] : vector<16x8192xi32> to vector<16xi32>
    %broadcast_in_dim3A_263 = vector.shape_cast %reduce_sum3A_262 : vector<16xi32> to vector<16x1xi32>
    %ge3A_264 = arith.constant 256 : i32
    %ge3A_265 = vector.broadcast %ge3A_264 : i32 to vector<16x1xi32>
    %ge3A_266 = arith.cmpi sge, %broadcast_in_dim3A_263, %ge3A_265 : vector<16x1xi32>
    %select_n3A_267 = arith.select %ge3A_266, %or3A_257, %select_n3A_252 : vector<16x1xi1>, vector<16x1xi32>
    %shift_left3A_268 = arith.constant 1 : i32
    %shift_left3A_269 = arith.constant 13 : i32
    %shift_left3A_270 = arith.shli %shift_left3A_268, %shift_left3A_269 : i32
    %or3A_271 = vector.broadcast %shift_left3A_270 : i32 to vector<16x1xi32>
    %or3A_272 = arith.ori %select_n3A_267, %or3A_271 : vector<16x1xi32>
    %ge3A_273 = vector.broadcast %or3A_272 : vector<16x1xi32> to vector<16x8192xi32>
    %ge3A_274 = arith.cmpi sge, %slice3A, %ge3A_273 : vector<16x8192xi32>
    %convert_element_type3A_275 = arith.extui %ge3A_274 : vector<16x8192xi1> to vector<16x8192xi32>
    %reduce_sum3A_276 = arith.constant dense<0> : vector<16xi32>
    %reduce_sum3A_277 = vector.multi_reduction <add>, %convert_element_type3A_275, %reduce_sum3A_276 [1] : vector<16x8192xi32> to vector<16xi32>
    %broadcast_in_dim3A_278 = vector.shape_cast %reduce_sum3A_277 : vector<16xi32> to vector<16x1xi32>
    %ge3A_279 = arith.constant 256 : i32
    %ge3A_280 = vector.broadcast %ge3A_279 : i32 to vector<16x1xi32>
    %ge3A_281 = arith.cmpi sge, %broadcast_in_dim3A_278, %ge3A_280 : vector<16x1xi32>
    %select_n3A_282 = arith.select %ge3A_281, %or3A_272, %select_n3A_267 : vector<16x1xi1>, vector<16x1xi32>
    %shift_left3A_283 = arith.constant 1 : i32
    %shift_left3A_284 = arith.constant 12 : i32
    %shift_left3A_285 = arith.shli %shift_left3A_283, %shift_left3A_284 : i32
    %or3A_286 = vector.broadcast %shift_left3A_285 : i32 to vector<16x1xi32>
    %or3A_287 = arith.ori %select_n3A_282, %or3A_286 : vector<16x1xi32>
    %ge3A_288 = vector.broadcast %or3A_287 : vector<16x1xi32> to vector<16x8192xi32>
    %ge3A_289 = arith.cmpi sge, %slice3A, %ge3A_288 : vector<16x8192xi32>
    %convert_element_type3A_290 = arith.extui %ge3A_289 : vector<16x8192xi1> to vector<16x8192xi32>
    %reduce_sum3A_291 = arith.constant dense<0> : vector<16xi32>
    %reduce_sum3A_292 = vector.multi_reduction <add>, %convert_element_type3A_290, %reduce_sum3A_291 [1] : vector<16x8192xi32> to vector<16xi32>
    %broadcast_in_dim3A_293 = vector.shape_cast %reduce_sum3A_292 : vector<16xi32> to vector<16x1xi32>
    %ge3A_294 = arith.constant 256 : i32
    %ge3A_295 = vector.broadcast %ge3A_294 : i32 to vector<16x1xi32>
    %ge3A_296 = arith.cmpi sge, %broadcast_in_dim3A_293, %ge3A_295 : vector<16x1xi32>
    %select_n3A_297 = arith.select %ge3A_296, %or3A_287, %select_n3A_282 : vector<16x1xi1>, vector<16x1xi32>
    %shift_left3A_298 = arith.constant 1 : i32
    %shift_left3A_299 = arith.constant 11 : i32
    %shift_left3A_300 = arith.shli %shift_left3A_298, %shift_left3A_299 : i32
    %or3A_301 = vector.broadcast %shift_left3A_300 : i32 to vector<16x1xi32>
    %or3A_302 = arith.ori %select_n3A_297, %or3A_301 : vector<16x1xi32>
    %ge3A_303 = vector.broadcast %or3A_302 : vector<16x1xi32> to vector<16x8192xi32>
    %ge3A_304 = arith.cmpi sge, %slice3A, %ge3A_303 : vector<16x8192xi32>
    %convert_element_type3A_305 = arith.extui %ge3A_304 : vector<16x8192xi1> to vector<16x8192xi32>
    %reduce_sum3A_306 = arith.constant dense<0> : vector<16xi32>
    %reduce_sum3A_307 = vector.multi_reduction <add>, %convert_element_type3A_305, %reduce_sum3A_306 [1] : vector<16x8192xi32> to vector<16xi32>
    %broadcast_in_dim3A_308 = vector.shape_cast %reduce_sum3A_307 : vector<16xi32> to vector<16x1xi32>
    %ge3A_309 = arith.constant 256 : i32
    %ge3A_310 = vector.broadcast %ge3A_309 : i32 to vector<16x1xi32>
    %ge3A_311 = arith.cmpi sge, %broadcast_in_dim3A_308, %ge3A_310 : vector<16x1xi32>
    %select_n3A_312 = arith.select %ge3A_311, %or3A_302, %select_n3A_297 : vector<16x1xi1>, vector<16x1xi32>
    %shift_left3A_313 = arith.constant 1 : i32
    %shift_left3A_314 = arith.constant 10 : i32
    %shift_left3A_315 = arith.shli %shift_left3A_313, %shift_left3A_314 : i32
    %or3A_316 = vector.broadcast %shift_left3A_315 : i32 to vector<16x1xi32>
    %or3A_317 = arith.ori %select_n3A_312, %or3A_316 : vector<16x1xi32>
    %ge3A_318 = vector.broadcast %or3A_317 : vector<16x1xi32> to vector<16x8192xi32>
    %ge3A_319 = arith.cmpi sge, %slice3A, %ge3A_318 : vector<16x8192xi32>
    %convert_element_type3A_320 = arith.extui %ge3A_319 : vector<16x8192xi1> to vector<16x8192xi32>
    %reduce_sum3A_321 = arith.constant dense<0> : vector<16xi32>
    %reduce_sum3A_322 = vector.multi_reduction <add>, %convert_element_type3A_320, %reduce_sum3A_321 [1] : vector<16x8192xi32> to vector<16xi32>
    %broadcast_in_dim3A_323 = vector.shape_cast %reduce_sum3A_322 : vector<16xi32> to vector<16x1xi32>
    %ge3A_324 = arith.constant 256 : i32
    %ge3A_325 = vector.broadcast %ge3A_324 : i32 to vector<16x1xi32>
    %ge3A_326 = arith.cmpi sge, %broadcast_in_dim3A_323, %ge3A_325 : vector<16x1xi32>
    %select_n3A_327 = arith.select %ge3A_326, %or3A_317, %select_n3A_312 : vector<16x1xi1>, vector<16x1xi32>
    %shift_left3A_328 = arith.constant 1 : i32
    %shift_left3A_329 = arith.constant 9 : i32
    %shift_left3A_330 = arith.shli %shift_left3A_328, %shift_left3A_329 : i32
    %or3A_331 = vector.broadcast %shift_left3A_330 : i32 to vector<16x1xi32>
    %or3A_332 = arith.ori %select_n3A_327, %or3A_331 : vector<16x1xi32>
    %ge3A_333 = vector.broadcast %or3A_332 : vector<16x1xi32> to vector<16x8192xi32>
    %ge3A_334 = arith.cmpi sge, %slice3A, %ge3A_333 : vector<16x8192xi32>
    %convert_element_type3A_335 = arith.extui %ge3A_334 : vector<16x8192xi1> to vector<16x8192xi32>
    %reduce_sum3A_336 = arith.constant dense<0> : vector<16xi32>
    %reduce_sum3A_337 = vector.multi_reduction <add>, %convert_element_type3A_335, %reduce_sum3A_336 [1] : vector<16x8192xi32> to vector<16xi32>
    %broadcast_in_dim3A_338 = vector.shape_cast %reduce_sum3A_337 : vector<16xi32> to vector<16x1xi32>
    %ge3A_339 = arith.constant 256 : i32
    %ge3A_340 = vector.broadcast %ge3A_339 : i32 to vector<16x1xi32>
    %ge3A_341 = arith.cmpi sge, %broadcast_in_dim3A_338, %ge3A_340 : vector<16x1xi32>
    %select_n3A_342 = arith.select %ge3A_341, %or3A_332, %select_n3A_327 : vector<16x1xi1>, vector<16x1xi32>
    %shift_left3A_343 = arith.constant 1 : i32
    %shift_left3A_344 = arith.constant 8 : i32
    %shift_left3A_345 = arith.shli %shift_left3A_343, %shift_left3A_344 : i32
    %or3A_346 = vector.broadcast %shift_left3A_345 : i32 to vector<16x1xi32>
    %or3A_347 = arith.ori %select_n3A_342, %or3A_346 : vector<16x1xi32>
    %ge3A_348 = vector.broadcast %or3A_347 : vector<16x1xi32> to vector<16x8192xi32>
    %ge3A_349 = arith.cmpi sge, %slice3A, %ge3A_348 : vector<16x8192xi32>
    %convert_element_type3A_350 = arith.extui %ge3A_349 : vector<16x8192xi1> to vector<16x8192xi32>
    %reduce_sum3A_351 = arith.constant dense<0> : vector<16xi32>
    %reduce_sum3A_352 = vector.multi_reduction <add>, %convert_element_type3A_350, %reduce_sum3A_351 [1] : vector<16x8192xi32> to vector<16xi32>
    %broadcast_in_dim3A_353 = vector.shape_cast %reduce_sum3A_352 : vector<16xi32> to vector<16x1xi32>
    %ge3A_354 = arith.constant 256 : i32
    %ge3A_355 = vector.broadcast %ge3A_354 : i32 to vector<16x1xi32>
    %ge3A_356 = arith.cmpi sge, %broadcast_in_dim3A_353, %ge3A_355 : vector<16x1xi32>
    %select_n3A_357 = arith.select %ge3A_356, %or3A_347, %select_n3A_342 : vector<16x1xi1>, vector<16x1xi32>
    %shift_left3A_358 = arith.constant 1 : i32
    %shift_left3A_359 = arith.constant 7 : i32
    %shift_left3A_360 = arith.shli %shift_left3A_358, %shift_left3A_359 : i32
    %or3A_361 = vector.broadcast %shift_left3A_360 : i32 to vector<16x1xi32>
    %or3A_362 = arith.ori %select_n3A_357, %or3A_361 : vector<16x1xi32>
    %ge3A_363 = vector.broadcast %or3A_362 : vector<16x1xi32> to vector<16x8192xi32>
    %ge3A_364 = arith.cmpi sge, %slice3A, %ge3A_363 : vector<16x8192xi32>
    %convert_element_type3A_365 = arith.extui %ge3A_364 : vector<16x8192xi1> to vector<16x8192xi32>
    %reduce_sum3A_366 = arith.constant dense<0> : vector<16xi32>
    %reduce_sum3A_367 = vector.multi_reduction <add>, %convert_element_type3A_365, %reduce_sum3A_366 [1] : vector<16x8192xi32> to vector<16xi32>
    %broadcast_in_dim3A_368 = vector.shape_cast %reduce_sum3A_367 : vector<16xi32> to vector<16x1xi32>
    %ge3A_369 = arith.constant 256 : i32
    %ge3A_370 = vector.broadcast %ge3A_369 : i32 to vector<16x1xi32>
    %ge3A_371 = arith.cmpi sge, %broadcast_in_dim3A_368, %ge3A_370 : vector<16x1xi32>
    %select_n3A_372 = arith.select %ge3A_371, %or3A_362, %select_n3A_357 : vector<16x1xi1>, vector<16x1xi32>
    %shift_left3A_373 = arith.constant 1 : i32
    %shift_left3A_374 = arith.constant 6 : i32
    %shift_left3A_375 = arith.shli %shift_left3A_373, %shift_left3A_374 : i32
    %or3A_376 = vector.broadcast %shift_left3A_375 : i32 to vector<16x1xi32>
    %or3A_377 = arith.ori %select_n3A_372, %or3A_376 : vector<16x1xi32>
    %ge3A_378 = vector.broadcast %or3A_377 : vector<16x1xi32> to vector<16x8192xi32>
    %ge3A_379 = arith.cmpi sge, %slice3A, %ge3A_378 : vector<16x8192xi32>
    %convert_element_type3A_380 = arith.extui %ge3A_379 : vector<16x8192xi1> to vector<16x8192xi32>
    %reduce_sum3A_381 = arith.constant dense<0> : vector<16xi32>
    %reduce_sum3A_382 = vector.multi_reduction <add>, %convert_element_type3A_380, %reduce_sum3A_381 [1] : vector<16x8192xi32> to vector<16xi32>
    %broadcast_in_dim3A_383 = vector.shape_cast %reduce_sum3A_382 : vector<16xi32> to vector<16x1xi32>
    %ge3A_384 = arith.constant 256 : i32
    %ge3A_385 = vector.broadcast %ge3A_384 : i32 to vector<16x1xi32>
    %ge3A_386 = arith.cmpi sge, %broadcast_in_dim3A_383, %ge3A_385 : vector<16x1xi32>
    %select_n3A_387 = arith.select %ge3A_386, %or3A_377, %select_n3A_372 : vector<16x1xi1>, vector<16x1xi32>
    %shift_left3A_388 = arith.constant 1 : i32
    %shift_left3A_389 = arith.constant 5 : i32
    %shift_left3A_390 = arith.shli %shift_left3A_388, %shift_left3A_389 : i32
    %or3A_391 = vector.broadcast %shift_left3A_390 : i32 to vector<16x1xi32>
    %or3A_392 = arith.ori %select_n3A_387, %or3A_391 : vector<16x1xi32>
    %ge3A_393 = vector.broadcast %or3A_392 : vector<16x1xi32> to vector<16x8192xi32>
    %ge3A_394 = arith.cmpi sge, %slice3A, %ge3A_393 : vector<16x8192xi32>
    %convert_element_type3A_395 = arith.extui %ge3A_394 : vector<16x8192xi1> to vector<16x8192xi32>
    %reduce_sum3A_396 = arith.constant dense<0> : vector<16xi32>
    %reduce_sum3A_397 = vector.multi_reduction <add>, %convert_element_type3A_395, %reduce_sum3A_396 [1] : vector<16x8192xi32> to vector<16xi32>
    %broadcast_in_dim3A_398 = vector.shape_cast %reduce_sum3A_397 : vector<16xi32> to vector<16x1xi32>
    %ge3A_399 = arith.constant 256 : i32
    %ge3A_400 = vector.broadcast %ge3A_399 : i32 to vector<16x1xi32>
    %ge3A_401 = arith.cmpi sge, %broadcast_in_dim3A_398, %ge3A_400 : vector<16x1xi32>
    %select_n3A_402 = arith.select %ge3A_401, %or3A_392, %select_n3A_387 : vector<16x1xi1>, vector<16x1xi32>
    %shift_left3A_403 = arith.constant 1 : i32
    %shift_left3A_404 = arith.constant 4 : i32
    %shift_left3A_405 = arith.shli %shift_left3A_403, %shift_left3A_404 : i32
    %or3A_406 = vector.broadcast %shift_left3A_405 : i32 to vector<16x1xi32>
    %or3A_407 = arith.ori %select_n3A_402, %or3A_406 : vector<16x1xi32>
    %ge3A_408 = vector.broadcast %or3A_407 : vector<16x1xi32> to vector<16x8192xi32>
    %ge3A_409 = arith.cmpi sge, %slice3A, %ge3A_408 : vector<16x8192xi32>
    %convert_element_type3A_410 = arith.extui %ge3A_409 : vector<16x8192xi1> to vector<16x8192xi32>
    %reduce_sum3A_411 = arith.constant dense<0> : vector<16xi32>
    %reduce_sum3A_412 = vector.multi_reduction <add>, %convert_element_type3A_410, %reduce_sum3A_411 [1] : vector<16x8192xi32> to vector<16xi32>
    %broadcast_in_dim3A_413 = vector.shape_cast %reduce_sum3A_412 : vector<16xi32> to vector<16x1xi32>
    %ge3A_414 = arith.constant 256 : i32
    %ge3A_415 = vector.broadcast %ge3A_414 : i32 to vector<16x1xi32>
    %ge3A_416 = arith.cmpi sge, %broadcast_in_dim3A_413, %ge3A_415 : vector<16x1xi32>
    %select_n3A_417 = arith.select %ge3A_416, %or3A_407, %select_n3A_402 : vector<16x1xi1>, vector<16x1xi32>
    %shift_left3A_418 = arith.constant 1 : i32
    %shift_left3A_419 = arith.constant 3 : i32
    %shift_left3A_420 = arith.shli %shift_left3A_418, %shift_left3A_419 : i32
    %or3A_421 = vector.broadcast %shift_left3A_420 : i32 to vector<16x1xi32>
    %or3A_422 = arith.ori %select_n3A_417, %or3A_421 : vector<16x1xi32>
    %ge3A_423 = vector.broadcast %or3A_422 : vector<16x1xi32> to vector<16x8192xi32>
    %ge3A_424 = arith.cmpi sge, %slice3A, %ge3A_423 : vector<16x8192xi32>
    %convert_element_type3A_425 = arith.extui %ge3A_424 : vector<16x8192xi1> to vector<16x8192xi32>
    %reduce_sum3A_426 = arith.constant dense<0> : vector<16xi32>
    %reduce_sum3A_427 = vector.multi_reduction <add>, %convert_element_type3A_425, %reduce_sum3A_426 [1] : vector<16x8192xi32> to vector<16xi32>
    %broadcast_in_dim3A_428 = vector.shape_cast %reduce_sum3A_427 : vector<16xi32> to vector<16x1xi32>
    %ge3A_429 = arith.constant 256 : i32
    %ge3A_430 = vector.broadcast %ge3A_429 : i32 to vector<16x1xi32>
    %ge3A_431 = arith.cmpi sge, %broadcast_in_dim3A_428, %ge3A_430 : vector<16x1xi32>
    %select_n3A_432 = arith.select %ge3A_431, %or3A_422, %select_n3A_417 : vector<16x1xi1>, vector<16x1xi32>
    %shift_left3A_433 = arith.constant 1 : i32
    %shift_left3A_434 = arith.constant 2 : i32
    %shift_left3A_435 = arith.shli %shift_left3A_433, %shift_left3A_434 : i32
    %or3A_436 = vector.broadcast %shift_left3A_435 : i32 to vector<16x1xi32>
    %or3A_437 = arith.ori %select_n3A_432, %or3A_436 : vector<16x1xi32>
    %ge3A_438 = vector.broadcast %or3A_437 : vector<16x1xi32> to vector<16x8192xi32>
    %ge3A_439 = arith.cmpi sge, %slice3A, %ge3A_438 : vector<16x8192xi32>
    %convert_element_type3A_440 = arith.extui %ge3A_439 : vector<16x8192xi1> to vector<16x8192xi32>
    %reduce_sum3A_441 = arith.constant dense<0> : vector<16xi32>
    %reduce_sum3A_442 = vector.multi_reduction <add>, %convert_element_type3A_440, %reduce_sum3A_441 [1] : vector<16x8192xi32> to vector<16xi32>
    %broadcast_in_dim3A_443 = vector.shape_cast %reduce_sum3A_442 : vector<16xi32> to vector<16x1xi32>
    %ge3A_444 = arith.constant 256 : i32
    %ge3A_445 = vector.broadcast %ge3A_444 : i32 to vector<16x1xi32>
    %ge3A_446 = arith.cmpi sge, %broadcast_in_dim3A_443, %ge3A_445 : vector<16x1xi32>
    %select_n3A_447 = arith.select %ge3A_446, %or3A_437, %select_n3A_432 : vector<16x1xi1>, vector<16x1xi32>
    %shift_left3A_448 = arith.constant 1 : i32
    %shift_left3A_449 = arith.constant 1 : i32
    %shift_left3A_450 = arith.shli %shift_left3A_448, %shift_left3A_449 : i32
    %or3A_451 = vector.broadcast %shift_left3A_450 : i32 to vector<16x1xi32>
    %or3A_452 = arith.ori %select_n3A_447, %or3A_451 : vector<16x1xi32>
    %ge3A_453 = vector.broadcast %or3A_452 : vector<16x1xi32> to vector<16x8192xi32>
    %ge3A_454 = arith.cmpi sge, %slice3A, %ge3A_453 : vector<16x8192xi32>
    %convert_element_type3A_455 = arith.extui %ge3A_454 : vector<16x8192xi1> to vector<16x8192xi32>
    %reduce_sum3A_456 = arith.constant dense<0> : vector<16xi32>
    %reduce_sum3A_457 = vector.multi_reduction <add>, %convert_element_type3A_455, %reduce_sum3A_456 [1] : vector<16x8192xi32> to vector<16xi32>
    %broadcast_in_dim3A_458 = vector.shape_cast %reduce_sum3A_457 : vector<16xi32> to vector<16x1xi32>
    %ge3A_459 = arith.constant 256 : i32
    %ge3A_460 = vector.broadcast %ge3A_459 : i32 to vector<16x1xi32>
    %ge3A_461 = arith.cmpi sge, %broadcast_in_dim3A_458, %ge3A_460 : vector<16x1xi32>
    %select_n3A_462 = arith.select %ge3A_461, %or3A_452, %select_n3A_447 : vector<16x1xi1>, vector<16x1xi32>
    %shift_left3A_463 = arith.constant 1 : i32
    %shift_left3A_464 = arith.constant 0 : i32
    %shift_left3A_465 = arith.shli %shift_left3A_463, %shift_left3A_464 : i32
    %or3A_466 = vector.broadcast %shift_left3A_465 : i32 to vector<16x1xi32>
    %or3A_467 = arith.ori %select_n3A_462, %or3A_466 : vector<16x1xi32>
    %ge3A_468 = vector.broadcast %or3A_467 : vector<16x1xi32> to vector<16x8192xi32>
    %ge3A_469 = arith.cmpi sge, %slice3A, %ge3A_468 : vector<16x8192xi32>
    %convert_element_type3A_470 = arith.extui %ge3A_469 : vector<16x8192xi1> to vector<16x8192xi32>
    %reduce_sum3A_471 = arith.constant dense<0> : vector<16xi32>
    %reduce_sum3A_472 = vector.multi_reduction <add>, %convert_element_type3A_470, %reduce_sum3A_471 [1] : vector<16x8192xi32> to vector<16xi32>
    %broadcast_in_dim3A_473 = vector.shape_cast %reduce_sum3A_472 : vector<16xi32> to vector<16x1xi32>
    %ge3A_474 = arith.constant 256 : i32
    %ge3A_475 = vector.broadcast %ge3A_474 : i32 to vector<16x1xi32>
    %ge3A_476 = arith.cmpi sge, %broadcast_in_dim3A_473, %ge3A_475 : vector<16x1xi32>
    %select_n3A_477 = arith.select %ge3A_476, %or3A_467, %select_n3A_462 : vector<16x1xi1>, vector<16x1xi32>
    %slice3A_478 = vector.extract_strided_slice %xor3A {offsets = [16, 0], sizes = [16, 8192], strides = [1, 1]} : vector<32x8192xi32> to vector<16x8192xi32>
    %ge3A_479 = arith.constant 0 : i32
    %ge3A_480 = vector.broadcast %ge3A_479 : i32 to vector<16x8192xi32>
    %ge3A_481 = arith.cmpi sge, %slice3A_478, %ge3A_480 : vector<16x8192xi32>
    %convert_element_type3A_482 = arith.extui %ge3A_481 : vector<16x8192xi1> to vector<16x8192xi32>
    %reduce_sum3A_483 = arith.constant dense<0> : vector<16xi32>
    %reduce_sum3A_484 = vector.multi_reduction <add>, %convert_element_type3A_482, %reduce_sum3A_483 [1] : vector<16x8192xi32> to vector<16xi32>
    %broadcast_in_dim3A_485 = vector.shape_cast %reduce_sum3A_484 : vector<16xi32> to vector<16x1xi32>
    %ge3A_486 = arith.constant 256 : i32
    %ge3A_487 = vector.broadcast %ge3A_486 : i32 to vector<16x1xi32>
    %ge3A_488 = arith.cmpi sge, %broadcast_in_dim3A_485, %ge3A_487 : vector<16x1xi32>
    %jit3A_489 = arith.constant 0 : i32
    %jit3A_490 = arith.constant -2147483648 : i32
    %broadcast_in_dim3A_491 = vector.broadcast %jit3A_489 : i32 to vector<16x1xi32>
    %broadcast_in_dim3A_492 = vector.broadcast %jit3A_490 : i32 to vector<16x1xi32>
    %select_n3A_493 = arith.select %ge3A_488, %broadcast_in_dim3A_491, %broadcast_in_dim3A_492 : vector<16x1xi1>, vector<16x1xi32>
    %shift_left3A_494 = arith.constant 1 : i32
    %shift_left3A_495 = arith.constant 30 : i32
    %shift_left3A_496 = arith.shli %shift_left3A_494, %shift_left3A_495 : i32
    %or3A_497 = vector.broadcast %shift_left3A_496 : i32 to vector<16x1xi32>
    %or3A_498 = arith.ori %select_n3A_493, %or3A_497 : vector<16x1xi32>
    %ge3A_499 = vector.broadcast %or3A_498 : vector<16x1xi32> to vector<16x8192xi32>
    %ge3A_500 = arith.cmpi sge, %slice3A_478, %ge3A_499 : vector<16x8192xi32>
    %convert_element_type3A_501 = arith.extui %ge3A_500 : vector<16x8192xi1> to vector<16x8192xi32>
    %reduce_sum3A_502 = arith.constant dense<0> : vector<16xi32>
    %reduce_sum3A_503 = vector.multi_reduction <add>, %convert_element_type3A_501, %reduce_sum3A_502 [1] : vector<16x8192xi32> to vector<16xi32>
    %broadcast_in_dim3A_504 = vector.shape_cast %reduce_sum3A_503 : vector<16xi32> to vector<16x1xi32>
    %ge3A_505 = arith.constant 256 : i32
    %ge3A_506 = vector.broadcast %ge3A_505 : i32 to vector<16x1xi32>
    %ge3A_507 = arith.cmpi sge, %broadcast_in_dim3A_504, %ge3A_506 : vector<16x1xi32>
    %select_n3A_508 = arith.select %ge3A_507, %or3A_498, %select_n3A_493 : vector<16x1xi1>, vector<16x1xi32>
    %shift_left3A_509 = arith.constant 1 : i32
    %shift_left3A_510 = arith.constant 29 : i32
    %shift_left3A_511 = arith.shli %shift_left3A_509, %shift_left3A_510 : i32
    %or3A_512 = vector.broadcast %shift_left3A_511 : i32 to vector<16x1xi32>
    %or3A_513 = arith.ori %select_n3A_508, %or3A_512 : vector<16x1xi32>
    %ge3A_514 = vector.broadcast %or3A_513 : vector<16x1xi32> to vector<16x8192xi32>
    %ge3A_515 = arith.cmpi sge, %slice3A_478, %ge3A_514 : vector<16x8192xi32>
    %convert_element_type3A_516 = arith.extui %ge3A_515 : vector<16x8192xi1> to vector<16x8192xi32>
    %reduce_sum3A_517 = arith.constant dense<0> : vector<16xi32>
    %reduce_sum3A_518 = vector.multi_reduction <add>, %convert_element_type3A_516, %reduce_sum3A_517 [1] : vector<16x8192xi32> to vector<16xi32>
    %broadcast_in_dim3A_519 = vector.shape_cast %reduce_sum3A_518 : vector<16xi32> to vector<16x1xi32>
    %ge3A_520 = arith.constant 256 : i32
    %ge3A_521 = vector.broadcast %ge3A_520 : i32 to vector<16x1xi32>
    %ge3A_522 = arith.cmpi sge, %broadcast_in_dim3A_519, %ge3A_521 : vector<16x1xi32>
    %select_n3A_523 = arith.select %ge3A_522, %or3A_513, %select_n3A_508 : vector<16x1xi1>, vector<16x1xi32>
    %shift_left3A_524 = arith.constant 1 : i32
    %shift_left3A_525 = arith.constant 28 : i32
    %shift_left3A_526 = arith.shli %shift_left3A_524, %shift_left3A_525 : i32
    %or3A_527 = vector.broadcast %shift_left3A_526 : i32 to vector<16x1xi32>
    %or3A_528 = arith.ori %select_n3A_523, %or3A_527 : vector<16x1xi32>
    %ge3A_529 = vector.broadcast %or3A_528 : vector<16x1xi32> to vector<16x8192xi32>
    %ge3A_530 = arith.cmpi sge, %slice3A_478, %ge3A_529 : vector<16x8192xi32>
    %convert_element_type3A_531 = arith.extui %ge3A_530 : vector<16x8192xi1> to vector<16x8192xi32>
    %reduce_sum3A_532 = arith.constant dense<0> : vector<16xi32>
    %reduce_sum3A_533 = vector.multi_reduction <add>, %convert_element_type3A_531, %reduce_sum3A_532 [1] : vector<16x8192xi32> to vector<16xi32>
    %broadcast_in_dim3A_534 = vector.shape_cast %reduce_sum3A_533 : vector<16xi32> to vector<16x1xi32>
    %ge3A_535 = arith.constant 256 : i32
    %ge3A_536 = vector.broadcast %ge3A_535 : i32 to vector<16x1xi32>
    %ge3A_537 = arith.cmpi sge, %broadcast_in_dim3A_534, %ge3A_536 : vector<16x1xi32>
    %select_n3A_538 = arith.select %ge3A_537, %or3A_528, %select_n3A_523 : vector<16x1xi1>, vector<16x1xi32>
    %shift_left3A_539 = arith.constant 1 : i32
    %shift_left3A_540 = arith.constant 27 : i32
    %shift_left3A_541 = arith.shli %shift_left3A_539, %shift_left3A_540 : i32
    %or3A_542 = vector.broadcast %shift_left3A_541 : i32 to vector<16x1xi32>
    %or3A_543 = arith.ori %select_n3A_538, %or3A_542 : vector<16x1xi32>
    %ge3A_544 = vector.broadcast %or3A_543 : vector<16x1xi32> to vector<16x8192xi32>
    %ge3A_545 = arith.cmpi sge, %slice3A_478, %ge3A_544 : vector<16x8192xi32>
    %convert_element_type3A_546 = arith.extui %ge3A_545 : vector<16x8192xi1> to vector<16x8192xi32>
    %reduce_sum3A_547 = arith.constant dense<0> : vector<16xi32>
    %reduce_sum3A_548 = vector.multi_reduction <add>, %convert_element_type3A_546, %reduce_sum3A_547 [1] : vector<16x8192xi32> to vector<16xi32>
    %broadcast_in_dim3A_549 = vector.shape_cast %reduce_sum3A_548 : vector<16xi32> to vector<16x1xi32>
    %ge3A_550 = arith.constant 256 : i32
    %ge3A_551 = vector.broadcast %ge3A_550 : i32 to vector<16x1xi32>
    %ge3A_552 = arith.cmpi sge, %broadcast_in_dim3A_549, %ge3A_551 : vector<16x1xi32>
    %select_n3A_553 = arith.select %ge3A_552, %or3A_543, %select_n3A_538 : vector<16x1xi1>, vector<16x1xi32>
    %shift_left3A_554 = arith.constant 1 : i32
    %shift_left3A_555 = arith.constant 26 : i32
    %shift_left3A_556 = arith.shli %shift_left3A_554, %shift_left3A_555 : i32
    %or3A_557 = vector.broadcast %shift_left3A_556 : i32 to vector<16x1xi32>
    %or3A_558 = arith.ori %select_n3A_553, %or3A_557 : vector<16x1xi32>
    %ge3A_559 = vector.broadcast %or3A_558 : vector<16x1xi32> to vector<16x8192xi32>
    %ge3A_560 = arith.cmpi sge, %slice3A_478, %ge3A_559 : vector<16x8192xi32>
    %convert_element_type3A_561 = arith.extui %ge3A_560 : vector<16x8192xi1> to vector<16x8192xi32>
    %reduce_sum3A_562 = arith.constant dense<0> : vector<16xi32>
    %reduce_sum3A_563 = vector.multi_reduction <add>, %convert_element_type3A_561, %reduce_sum3A_562 [1] : vector<16x8192xi32> to vector<16xi32>
    %broadcast_in_dim3A_564 = vector.shape_cast %reduce_sum3A_563 : vector<16xi32> to vector<16x1xi32>
    %ge3A_565 = arith.constant 256 : i32
    %ge3A_566 = vector.broadcast %ge3A_565 : i32 to vector<16x1xi32>
    %ge3A_567 = arith.cmpi sge, %broadcast_in_dim3A_564, %ge3A_566 : vector<16x1xi32>
    %select_n3A_568 = arith.select %ge3A_567, %or3A_558, %select_n3A_553 : vector<16x1xi1>, vector<16x1xi32>
    %shift_left3A_569 = arith.constant 1 : i32
    %shift_left3A_570 = arith.constant 25 : i32
    %shift_left3A_571 = arith.shli %shift_left3A_569, %shift_left3A_570 : i32
    %or3A_572 = vector.broadcast %shift_left3A_571 : i32 to vector<16x1xi32>
    %or3A_573 = arith.ori %select_n3A_568, %or3A_572 : vector<16x1xi32>
    %ge3A_574 = vector.broadcast %or3A_573 : vector<16x1xi32> to vector<16x8192xi32>
    %ge3A_575 = arith.cmpi sge, %slice3A_478, %ge3A_574 : vector<16x8192xi32>
    %convert_element_type3A_576 = arith.extui %ge3A_575 : vector<16x8192xi1> to vector<16x8192xi32>
    %reduce_sum3A_577 = arith.constant dense<0> : vector<16xi32>
    %reduce_sum3A_578 = vector.multi_reduction <add>, %convert_element_type3A_576, %reduce_sum3A_577 [1] : vector<16x8192xi32> to vector<16xi32>
    %broadcast_in_dim3A_579 = vector.shape_cast %reduce_sum3A_578 : vector<16xi32> to vector<16x1xi32>
    %ge3A_580 = arith.constant 256 : i32
    %ge3A_581 = vector.broadcast %ge3A_580 : i32 to vector<16x1xi32>
    %ge3A_582 = arith.cmpi sge, %broadcast_in_dim3A_579, %ge3A_581 : vector<16x1xi32>
    %select_n3A_583 = arith.select %ge3A_582, %or3A_573, %select_n3A_568 : vector<16x1xi1>, vector<16x1xi32>
    %shift_left3A_584 = arith.constant 1 : i32
    %shift_left3A_585 = arith.constant 24 : i32
    %shift_left3A_586 = arith.shli %shift_left3A_584, %shift_left3A_585 : i32
    %or3A_587 = vector.broadcast %shift_left3A_586 : i32 to vector<16x1xi32>
    %or3A_588 = arith.ori %select_n3A_583, %or3A_587 : vector<16x1xi32>
    %ge3A_589 = vector.broadcast %or3A_588 : vector<16x1xi32> to vector<16x8192xi32>
    %ge3A_590 = arith.cmpi sge, %slice3A_478, %ge3A_589 : vector<16x8192xi32>
    %convert_element_type3A_591 = arith.extui %ge3A_590 : vector<16x8192xi1> to vector<16x8192xi32>
    %reduce_sum3A_592 = arith.constant dense<0> : vector<16xi32>
    %reduce_sum3A_593 = vector.multi_reduction <add>, %convert_element_type3A_591, %reduce_sum3A_592 [1] : vector<16x8192xi32> to vector<16xi32>
    %broadcast_in_dim3A_594 = vector.shape_cast %reduce_sum3A_593 : vector<16xi32> to vector<16x1xi32>
    %ge3A_595 = arith.constant 256 : i32
    %ge3A_596 = vector.broadcast %ge3A_595 : i32 to vector<16x1xi32>
    %ge3A_597 = arith.cmpi sge, %broadcast_in_dim3A_594, %ge3A_596 : vector<16x1xi32>
    %select_n3A_598 = arith.select %ge3A_597, %or3A_588, %select_n3A_583 : vector<16x1xi1>, vector<16x1xi32>
    %shift_left3A_599 = arith.constant 1 : i32
    %shift_left3A_600 = arith.constant 23 : i32
    %shift_left3A_601 = arith.shli %shift_left3A_599, %shift_left3A_600 : i32
    %or3A_602 = vector.broadcast %shift_left3A_601 : i32 to vector<16x1xi32>
    %or3A_603 = arith.ori %select_n3A_598, %or3A_602 : vector<16x1xi32>
    %ge3A_604 = vector.broadcast %or3A_603 : vector<16x1xi32> to vector<16x8192xi32>
    %ge3A_605 = arith.cmpi sge, %slice3A_478, %ge3A_604 : vector<16x8192xi32>
    %convert_element_type3A_606 = arith.extui %ge3A_605 : vector<16x8192xi1> to vector<16x8192xi32>
    %reduce_sum3A_607 = arith.constant dense<0> : vector<16xi32>
    %reduce_sum3A_608 = vector.multi_reduction <add>, %convert_element_type3A_606, %reduce_sum3A_607 [1] : vector<16x8192xi32> to vector<16xi32>
    %broadcast_in_dim3A_609 = vector.shape_cast %reduce_sum3A_608 : vector<16xi32> to vector<16x1xi32>
    %ge3A_610 = arith.constant 256 : i32
    %ge3A_611 = vector.broadcast %ge3A_610 : i32 to vector<16x1xi32>
    %ge3A_612 = arith.cmpi sge, %broadcast_in_dim3A_609, %ge3A_611 : vector<16x1xi32>
    %select_n3A_613 = arith.select %ge3A_612, %or3A_603, %select_n3A_598 : vector<16x1xi1>, vector<16x1xi32>
    %shift_left3A_614 = arith.constant 1 : i32
    %shift_left3A_615 = arith.constant 22 : i32
    %shift_left3A_616 = arith.shli %shift_left3A_614, %shift_left3A_615 : i32
    %or3A_617 = vector.broadcast %shift_left3A_616 : i32 to vector<16x1xi32>
    %or3A_618 = arith.ori %select_n3A_613, %or3A_617 : vector<16x1xi32>
    %ge3A_619 = vector.broadcast %or3A_618 : vector<16x1xi32> to vector<16x8192xi32>
    %ge3A_620 = arith.cmpi sge, %slice3A_478, %ge3A_619 : vector<16x8192xi32>
    %convert_element_type3A_621 = arith.extui %ge3A_620 : vector<16x8192xi1> to vector<16x8192xi32>
    %reduce_sum3A_622 = arith.constant dense<0> : vector<16xi32>
    %reduce_sum3A_623 = vector.multi_reduction <add>, %convert_element_type3A_621, %reduce_sum3A_622 [1] : vector<16x8192xi32> to vector<16xi32>
    %broadcast_in_dim3A_624 = vector.shape_cast %reduce_sum3A_623 : vector<16xi32> to vector<16x1xi32>
    %ge3A_625 = arith.constant 256 : i32
    %ge3A_626 = vector.broadcast %ge3A_625 : i32 to vector<16x1xi32>
    %ge3A_627 = arith.cmpi sge, %broadcast_in_dim3A_624, %ge3A_626 : vector<16x1xi32>
    %select_n3A_628 = arith.select %ge3A_627, %or3A_618, %select_n3A_613 : vector<16x1xi1>, vector<16x1xi32>
    %shift_left3A_629 = arith.constant 1 : i32
    %shift_left3A_630 = arith.constant 21 : i32
    %shift_left3A_631 = arith.shli %shift_left3A_629, %shift_left3A_630 : i32
    %or3A_632 = vector.broadcast %shift_left3A_631 : i32 to vector<16x1xi32>
    %or3A_633 = arith.ori %select_n3A_628, %or3A_632 : vector<16x1xi32>
    %ge3A_634 = vector.broadcast %or3A_633 : vector<16x1xi32> to vector<16x8192xi32>
    %ge3A_635 = arith.cmpi sge, %slice3A_478, %ge3A_634 : vector<16x8192xi32>
    %convert_element_type3A_636 = arith.extui %ge3A_635 : vector<16x8192xi1> to vector<16x8192xi32>
    %reduce_sum3A_637 = arith.constant dense<0> : vector<16xi32>
    %reduce_sum3A_638 = vector.multi_reduction <add>, %convert_element_type3A_636, %reduce_sum3A_637 [1] : vector<16x8192xi32> to vector<16xi32>
    %broadcast_in_dim3A_639 = vector.shape_cast %reduce_sum3A_638 : vector<16xi32> to vector<16x1xi32>
    %ge3A_640 = arith.constant 256 : i32
    %ge3A_641 = vector.broadcast %ge3A_640 : i32 to vector<16x1xi32>
    %ge3A_642 = arith.cmpi sge, %broadcast_in_dim3A_639, %ge3A_641 : vector<16x1xi32>
    %select_n3A_643 = arith.select %ge3A_642, %or3A_633, %select_n3A_628 : vector<16x1xi1>, vector<16x1xi32>
    %shift_left3A_644 = arith.constant 1 : i32
    %shift_left3A_645 = arith.constant 20 : i32
    %shift_left3A_646 = arith.shli %shift_left3A_644, %shift_left3A_645 : i32
    %or3A_647 = vector.broadcast %shift_left3A_646 : i32 to vector<16x1xi32>
    %or3A_648 = arith.ori %select_n3A_643, %or3A_647 : vector<16x1xi32>
    %ge3A_649 = vector.broadcast %or3A_648 : vector<16x1xi32> to vector<16x8192xi32>
    %ge3A_650 = arith.cmpi sge, %slice3A_478, %ge3A_649 : vector<16x8192xi32>
    %convert_element_type3A_651 = arith.extui %ge3A_650 : vector<16x8192xi1> to vector<16x8192xi32>
    %reduce_sum3A_652 = arith.constant dense<0> : vector<16xi32>
    %reduce_sum3A_653 = vector.multi_reduction <add>, %convert_element_type3A_651, %reduce_sum3A_652 [1] : vector<16x8192xi32> to vector<16xi32>
    %broadcast_in_dim3A_654 = vector.shape_cast %reduce_sum3A_653 : vector<16xi32> to vector<16x1xi32>
    %ge3A_655 = arith.constant 256 : i32
    %ge3A_656 = vector.broadcast %ge3A_655 : i32 to vector<16x1xi32>
    %ge3A_657 = arith.cmpi sge, %broadcast_in_dim3A_654, %ge3A_656 : vector<16x1xi32>
    %select_n3A_658 = arith.select %ge3A_657, %or3A_648, %select_n3A_643 : vector<16x1xi1>, vector<16x1xi32>
    %shift_left3A_659 = arith.constant 1 : i32
    %shift_left3A_660 = arith.constant 19 : i32
    %shift_left3A_661 = arith.shli %shift_left3A_659, %shift_left3A_660 : i32
    %or3A_662 = vector.broadcast %shift_left3A_661 : i32 to vector<16x1xi32>
    %or3A_663 = arith.ori %select_n3A_658, %or3A_662 : vector<16x1xi32>
    %ge3A_664 = vector.broadcast %or3A_663 : vector<16x1xi32> to vector<16x8192xi32>
    %ge3A_665 = arith.cmpi sge, %slice3A_478, %ge3A_664 : vector<16x8192xi32>
    %convert_element_type3A_666 = arith.extui %ge3A_665 : vector<16x8192xi1> to vector<16x8192xi32>
    %reduce_sum3A_667 = arith.constant dense<0> : vector<16xi32>
    %reduce_sum3A_668 = vector.multi_reduction <add>, %convert_element_type3A_666, %reduce_sum3A_667 [1] : vector<16x8192xi32> to vector<16xi32>
    %broadcast_in_dim3A_669 = vector.shape_cast %reduce_sum3A_668 : vector<16xi32> to vector<16x1xi32>
    %ge3A_670 = arith.constant 256 : i32
    %ge3A_671 = vector.broadcast %ge3A_670 : i32 to vector<16x1xi32>
    %ge3A_672 = arith.cmpi sge, %broadcast_in_dim3A_669, %ge3A_671 : vector<16x1xi32>
    %select_n3A_673 = arith.select %ge3A_672, %or3A_663, %select_n3A_658 : vector<16x1xi1>, vector<16x1xi32>
    %shift_left3A_674 = arith.constant 1 : i32
    %shift_left3A_675 = arith.constant 18 : i32
    %shift_left3A_676 = arith.shli %shift_left3A_674, %shift_left3A_675 : i32
    %or3A_677 = vector.broadcast %shift_left3A_676 : i32 to vector<16x1xi32>
    %or3A_678 = arith.ori %select_n3A_673, %or3A_677 : vector<16x1xi32>
    %ge3A_679 = vector.broadcast %or3A_678 : vector<16x1xi32> to vector<16x8192xi32>
    %ge3A_680 = arith.cmpi sge, %slice3A_478, %ge3A_679 : vector<16x8192xi32>
    %convert_element_type3A_681 = arith.extui %ge3A_680 : vector<16x8192xi1> to vector<16x8192xi32>
    %reduce_sum3A_682 = arith.constant dense<0> : vector<16xi32>
    %reduce_sum3A_683 = vector.multi_reduction <add>, %convert_element_type3A_681, %reduce_sum3A_682 [1] : vector<16x8192xi32> to vector<16xi32>
    %broadcast_in_dim3A_684 = vector.shape_cast %reduce_sum3A_683 : vector<16xi32> to vector<16x1xi32>
    %ge3A_685 = arith.constant 256 : i32
    %ge3A_686 = vector.broadcast %ge3A_685 : i32 to vector<16x1xi32>
    %ge3A_687 = arith.cmpi sge, %broadcast_in_dim3A_684, %ge3A_686 : vector<16x1xi32>
    %select_n3A_688 = arith.select %ge3A_687, %or3A_678, %select_n3A_673 : vector<16x1xi1>, vector<16x1xi32>
    %shift_left3A_689 = arith.constant 1 : i32
    %shift_left3A_690 = arith.constant 17 : i32
    %shift_left3A_691 = arith.shli %shift_left3A_689, %shift_left3A_690 : i32
    %or3A_692 = vector.broadcast %shift_left3A_691 : i32 to vector<16x1xi32>
    %or3A_693 = arith.ori %select_n3A_688, %or3A_692 : vector<16x1xi32>
    %ge3A_694 = vector.broadcast %or3A_693 : vector<16x1xi32> to vector<16x8192xi32>
    %ge3A_695 = arith.cmpi sge, %slice3A_478, %ge3A_694 : vector<16x8192xi32>
    %convert_element_type3A_696 = arith.extui %ge3A_695 : vector<16x8192xi1> to vector<16x8192xi32>
    %reduce_sum3A_697 = arith.constant dense<0> : vector<16xi32>
    %reduce_sum3A_698 = vector.multi_reduction <add>, %convert_element_type3A_696, %reduce_sum3A_697 [1] : vector<16x8192xi32> to vector<16xi32>
    %broadcast_in_dim3A_699 = vector.shape_cast %reduce_sum3A_698 : vector<16xi32> to vector<16x1xi32>
    %ge3A_700 = arith.constant 256 : i32
    %ge3A_701 = vector.broadcast %ge3A_700 : i32 to vector<16x1xi32>
    %ge3A_702 = arith.cmpi sge, %broadcast_in_dim3A_699, %ge3A_701 : vector<16x1xi32>
    %select_n3A_703 = arith.select %ge3A_702, %or3A_693, %select_n3A_688 : vector<16x1xi1>, vector<16x1xi32>
    %shift_left3A_704 = arith.constant 1 : i32
    %shift_left3A_705 = arith.constant 16 : i32
    %shift_left3A_706 = arith.shli %shift_left3A_704, %shift_left3A_705 : i32
    %or3A_707 = vector.broadcast %shift_left3A_706 : i32 to vector<16x1xi32>
    %or3A_708 = arith.ori %select_n3A_703, %or3A_707 : vector<16x1xi32>
    %ge3A_709 = vector.broadcast %or3A_708 : vector<16x1xi32> to vector<16x8192xi32>
    %ge3A_710 = arith.cmpi sge, %slice3A_478, %ge3A_709 : vector<16x8192xi32>
    %convert_element_type3A_711 = arith.extui %ge3A_710 : vector<16x8192xi1> to vector<16x8192xi32>
    %reduce_sum3A_712 = arith.constant dense<0> : vector<16xi32>
    %reduce_sum3A_713 = vector.multi_reduction <add>, %convert_element_type3A_711, %reduce_sum3A_712 [1] : vector<16x8192xi32> to vector<16xi32>
    %broadcast_in_dim3A_714 = vector.shape_cast %reduce_sum3A_713 : vector<16xi32> to vector<16x1xi32>
    %ge3A_715 = arith.constant 256 : i32
    %ge3A_716 = vector.broadcast %ge3A_715 : i32 to vector<16x1xi32>
    %ge3A_717 = arith.cmpi sge, %broadcast_in_dim3A_714, %ge3A_716 : vector<16x1xi32>
    %select_n3A_718 = arith.select %ge3A_717, %or3A_708, %select_n3A_703 : vector<16x1xi1>, vector<16x1xi32>
    %shift_left3A_719 = arith.constant 1 : i32
    %shift_left3A_720 = arith.constant 15 : i32
    %shift_left3A_721 = arith.shli %shift_left3A_719, %shift_left3A_720 : i32
    %or3A_722 = vector.broadcast %shift_left3A_721 : i32 to vector<16x1xi32>
    %or3A_723 = arith.ori %select_n3A_718, %or3A_722 : vector<16x1xi32>
    %ge3A_724 = vector.broadcast %or3A_723 : vector<16x1xi32> to vector<16x8192xi32>
    %ge3A_725 = arith.cmpi sge, %slice3A_478, %ge3A_724 : vector<16x8192xi32>
    %convert_element_type3A_726 = arith.extui %ge3A_725 : vector<16x8192xi1> to vector<16x8192xi32>
    %reduce_sum3A_727 = arith.constant dense<0> : vector<16xi32>
    %reduce_sum3A_728 = vector.multi_reduction <add>, %convert_element_type3A_726, %reduce_sum3A_727 [1] : vector<16x8192xi32> to vector<16xi32>
    %broadcast_in_dim3A_729 = vector.shape_cast %reduce_sum3A_728 : vector<16xi32> to vector<16x1xi32>
    %ge3A_730 = arith.constant 256 : i32
    %ge3A_731 = vector.broadcast %ge3A_730 : i32 to vector<16x1xi32>
    %ge3A_732 = arith.cmpi sge, %broadcast_in_dim3A_729, %ge3A_731 : vector<16x1xi32>
    %select_n3A_733 = arith.select %ge3A_732, %or3A_723, %select_n3A_718 : vector<16x1xi1>, vector<16x1xi32>
    %shift_left3A_734 = arith.constant 1 : i32
    %shift_left3A_735 = arith.constant 14 : i32
    %shift_left3A_736 = arith.shli %shift_left3A_734, %shift_left3A_735 : i32
    %or3A_737 = vector.broadcast %shift_left3A_736 : i32 to vector<16x1xi32>
    %or3A_738 = arith.ori %select_n3A_733, %or3A_737 : vector<16x1xi32>
    %ge3A_739 = vector.broadcast %or3A_738 : vector<16x1xi32> to vector<16x8192xi32>
    %ge3A_740 = arith.cmpi sge, %slice3A_478, %ge3A_739 : vector<16x8192xi32>
    %convert_element_type3A_741 = arith.extui %ge3A_740 : vector<16x8192xi1> to vector<16x8192xi32>
    %reduce_sum3A_742 = arith.constant dense<0> : vector<16xi32>
    %reduce_sum3A_743 = vector.multi_reduction <add>, %convert_element_type3A_741, %reduce_sum3A_742 [1] : vector<16x8192xi32> to vector<16xi32>
    %broadcast_in_dim3A_744 = vector.shape_cast %reduce_sum3A_743 : vector<16xi32> to vector<16x1xi32>
    %ge3A_745 = arith.constant 256 : i32
    %ge3A_746 = vector.broadcast %ge3A_745 : i32 to vector<16x1xi32>
    %ge3A_747 = arith.cmpi sge, %broadcast_in_dim3A_744, %ge3A_746 : vector<16x1xi32>
    %select_n3A_748 = arith.select %ge3A_747, %or3A_738, %select_n3A_733 : vector<16x1xi1>, vector<16x1xi32>
    %shift_left3A_749 = arith.constant 1 : i32
    %shift_left3A_750 = arith.constant 13 : i32
    %shift_left3A_751 = arith.shli %shift_left3A_749, %shift_left3A_750 : i32
    %or3A_752 = vector.broadcast %shift_left3A_751 : i32 to vector<16x1xi32>
    %or3A_753 = arith.ori %select_n3A_748, %or3A_752 : vector<16x1xi32>
    %ge3A_754 = vector.broadcast %or3A_753 : vector<16x1xi32> to vector<16x8192xi32>
    %ge3A_755 = arith.cmpi sge, %slice3A_478, %ge3A_754 : vector<16x8192xi32>
    %convert_element_type3A_756 = arith.extui %ge3A_755 : vector<16x8192xi1> to vector<16x8192xi32>
    %reduce_sum3A_757 = arith.constant dense<0> : vector<16xi32>
    %reduce_sum3A_758 = vector.multi_reduction <add>, %convert_element_type3A_756, %reduce_sum3A_757 [1] : vector<16x8192xi32> to vector<16xi32>
    %broadcast_in_dim3A_759 = vector.shape_cast %reduce_sum3A_758 : vector<16xi32> to vector<16x1xi32>
    %ge3A_760 = arith.constant 256 : i32
    %ge3A_761 = vector.broadcast %ge3A_760 : i32 to vector<16x1xi32>
    %ge3A_762 = arith.cmpi sge, %broadcast_in_dim3A_759, %ge3A_761 : vector<16x1xi32>
    %select_n3A_763 = arith.select %ge3A_762, %or3A_753, %select_n3A_748 : vector<16x1xi1>, vector<16x1xi32>
    %shift_left3A_764 = arith.constant 1 : i32
    %shift_left3A_765 = arith.constant 12 : i32
    %shift_left3A_766 = arith.shli %shift_left3A_764, %shift_left3A_765 : i32
    %or3A_767 = vector.broadcast %shift_left3A_766 : i32 to vector<16x1xi32>
    %or3A_768 = arith.ori %select_n3A_763, %or3A_767 : vector<16x1xi32>
    %ge3A_769 = vector.broadcast %or3A_768 : vector<16x1xi32> to vector<16x8192xi32>
    %ge3A_770 = arith.cmpi sge, %slice3A_478, %ge3A_769 : vector<16x8192xi32>
    %convert_element_type3A_771 = arith.extui %ge3A_770 : vector<16x8192xi1> to vector<16x8192xi32>
    %reduce_sum3A_772 = arith.constant dense<0> : vector<16xi32>
    %reduce_sum3A_773 = vector.multi_reduction <add>, %convert_element_type3A_771, %reduce_sum3A_772 [1] : vector<16x8192xi32> to vector<16xi32>
    %broadcast_in_dim3A_774 = vector.shape_cast %reduce_sum3A_773 : vector<16xi32> to vector<16x1xi32>
    %ge3A_775 = arith.constant 256 : i32
    %ge3A_776 = vector.broadcast %ge3A_775 : i32 to vector<16x1xi32>
    %ge3A_777 = arith.cmpi sge, %broadcast_in_dim3A_774, %ge3A_776 : vector<16x1xi32>
    %select_n3A_778 = arith.select %ge3A_777, %or3A_768, %select_n3A_763 : vector<16x1xi1>, vector<16x1xi32>
    %shift_left3A_779 = arith.constant 1 : i32
    %shift_left3A_780 = arith.constant 11 : i32
    %shift_left3A_781 = arith.shli %shift_left3A_779, %shift_left3A_780 : i32
    %or3A_782 = vector.broadcast %shift_left3A_781 : i32 to vector<16x1xi32>
    %or3A_783 = arith.ori %select_n3A_778, %or3A_782 : vector<16x1xi32>
    %ge3A_784 = vector.broadcast %or3A_783 : vector<16x1xi32> to vector<16x8192xi32>
    %ge3A_785 = arith.cmpi sge, %slice3A_478, %ge3A_784 : vector<16x8192xi32>
    %convert_element_type3A_786 = arith.extui %ge3A_785 : vector<16x8192xi1> to vector<16x8192xi32>
    %reduce_sum3A_787 = arith.constant dense<0> : vector<16xi32>
    %reduce_sum3A_788 = vector.multi_reduction <add>, %convert_element_type3A_786, %reduce_sum3A_787 [1] : vector<16x8192xi32> to vector<16xi32>
    %broadcast_in_dim3A_789 = vector.shape_cast %reduce_sum3A_788 : vector<16xi32> to vector<16x1xi32>
    %ge3A_790 = arith.constant 256 : i32
    %ge3A_791 = vector.broadcast %ge3A_790 : i32 to vector<16x1xi32>
    %ge3A_792 = arith.cmpi sge, %broadcast_in_dim3A_789, %ge3A_791 : vector<16x1xi32>
    %select_n3A_793 = arith.select %ge3A_792, %or3A_783, %select_n3A_778 : vector<16x1xi1>, vector<16x1xi32>
    %shift_left3A_794 = arith.constant 1 : i32
    %shift_left3A_795 = arith.constant 10 : i32
    %shift_left3A_796 = arith.shli %shift_left3A_794, %shift_left3A_795 : i32
    %or3A_797 = vector.broadcast %shift_left3A_796 : i32 to vector<16x1xi32>
    %or3A_798 = arith.ori %select_n3A_793, %or3A_797 : vector<16x1xi32>
    %ge3A_799 = vector.broadcast %or3A_798 : vector<16x1xi32> to vector<16x8192xi32>
    %ge3A_800 = arith.cmpi sge, %slice3A_478, %ge3A_799 : vector<16x8192xi32>
    %convert_element_type3A_801 = arith.extui %ge3A_800 : vector<16x8192xi1> to vector<16x8192xi32>
    %reduce_sum3A_802 = arith.constant dense<0> : vector<16xi32>
    %reduce_sum3A_803 = vector.multi_reduction <add>, %convert_element_type3A_801, %reduce_sum3A_802 [1] : vector<16x8192xi32> to vector<16xi32>
    %broadcast_in_dim3A_804 = vector.shape_cast %reduce_sum3A_803 : vector<16xi32> to vector<16x1xi32>
    %ge3A_805 = arith.constant 256 : i32
    %ge3A_806 = vector.broadcast %ge3A_805 : i32 to vector<16x1xi32>
    %ge3A_807 = arith.cmpi sge, %broadcast_in_dim3A_804, %ge3A_806 : vector<16x1xi32>
    %select_n3A_808 = arith.select %ge3A_807, %or3A_798, %select_n3A_793 : vector<16x1xi1>, vector<16x1xi32>
    %shift_left3A_809 = arith.constant 1 : i32
    %shift_left3A_810 = arith.constant 9 : i32
    %shift_left3A_811 = arith.shli %shift_left3A_809, %shift_left3A_810 : i32
    %or3A_812 = vector.broadcast %shift_left3A_811 : i32 to vector<16x1xi32>
    %or3A_813 = arith.ori %select_n3A_808, %or3A_812 : vector<16x1xi32>
    %ge3A_814 = vector.broadcast %or3A_813 : vector<16x1xi32> to vector<16x8192xi32>
    %ge3A_815 = arith.cmpi sge, %slice3A_478, %ge3A_814 : vector<16x8192xi32>
    %convert_element_type3A_816 = arith.extui %ge3A_815 : vector<16x8192xi1> to vector<16x8192xi32>
    %reduce_sum3A_817 = arith.constant dense<0> : vector<16xi32>
    %reduce_sum3A_818 = vector.multi_reduction <add>, %convert_element_type3A_816, %reduce_sum3A_817 [1] : vector<16x8192xi32> to vector<16xi32>
    %broadcast_in_dim3A_819 = vector.shape_cast %reduce_sum3A_818 : vector<16xi32> to vector<16x1xi32>
    %ge3A_820 = arith.constant 256 : i32
    %ge3A_821 = vector.broadcast %ge3A_820 : i32 to vector<16x1xi32>
    %ge3A_822 = arith.cmpi sge, %broadcast_in_dim3A_819, %ge3A_821 : vector<16x1xi32>
    %select_n3A_823 = arith.select %ge3A_822, %or3A_813, %select_n3A_808 : vector<16x1xi1>, vector<16x1xi32>
    %shift_left3A_824 = arith.constant 1 : i32
    %shift_left3A_825 = arith.constant 8 : i32
    %shift_left3A_826 = arith.shli %shift_left3A_824, %shift_left3A_825 : i32
    %or3A_827 = vector.broadcast %shift_left3A_826 : i32 to vector<16x1xi32>
    %or3A_828 = arith.ori %select_n3A_823, %or3A_827 : vector<16x1xi32>
    %ge3A_829 = vector.broadcast %or3A_828 : vector<16x1xi32> to vector<16x8192xi32>
    %ge3A_830 = arith.cmpi sge, %slice3A_478, %ge3A_829 : vector<16x8192xi32>
    %convert_element_type3A_831 = arith.extui %ge3A_830 : vector<16x8192xi1> to vector<16x8192xi32>
    %reduce_sum3A_832 = arith.constant dense<0> : vector<16xi32>
    %reduce_sum3A_833 = vector.multi_reduction <add>, %convert_element_type3A_831, %reduce_sum3A_832 [1] : vector<16x8192xi32> to vector<16xi32>
    %broadcast_in_dim3A_834 = vector.shape_cast %reduce_sum3A_833 : vector<16xi32> to vector<16x1xi32>
    %ge3A_835 = arith.constant 256 : i32
    %ge3A_836 = vector.broadcast %ge3A_835 : i32 to vector<16x1xi32>
    %ge3A_837 = arith.cmpi sge, %broadcast_in_dim3A_834, %ge3A_836 : vector<16x1xi32>
    %select_n3A_838 = arith.select %ge3A_837, %or3A_828, %select_n3A_823 : vector<16x1xi1>, vector<16x1xi32>
    %shift_left3A_839 = arith.constant 1 : i32
    %shift_left3A_840 = arith.constant 7 : i32
    %shift_left3A_841 = arith.shli %shift_left3A_839, %shift_left3A_840 : i32
    %or3A_842 = vector.broadcast %shift_left3A_841 : i32 to vector<16x1xi32>
    %or3A_843 = arith.ori %select_n3A_838, %or3A_842 : vector<16x1xi32>
    %ge3A_844 = vector.broadcast %or3A_843 : vector<16x1xi32> to vector<16x8192xi32>
    %ge3A_845 = arith.cmpi sge, %slice3A_478, %ge3A_844 : vector<16x8192xi32>
    %convert_element_type3A_846 = arith.extui %ge3A_845 : vector<16x8192xi1> to vector<16x8192xi32>
    %reduce_sum3A_847 = arith.constant dense<0> : vector<16xi32>
    %reduce_sum3A_848 = vector.multi_reduction <add>, %convert_element_type3A_846, %reduce_sum3A_847 [1] : vector<16x8192xi32> to vector<16xi32>
    %broadcast_in_dim3A_849 = vector.shape_cast %reduce_sum3A_848 : vector<16xi32> to vector<16x1xi32>
    %ge3A_850 = arith.constant 256 : i32
    %ge3A_851 = vector.broadcast %ge3A_850 : i32 to vector<16x1xi32>
    %ge3A_852 = arith.cmpi sge, %broadcast_in_dim3A_849, %ge3A_851 : vector<16x1xi32>
    %select_n3A_853 = arith.select %ge3A_852, %or3A_843, %select_n3A_838 : vector<16x1xi1>, vector<16x1xi32>
    %shift_left3A_854 = arith.constant 1 : i32
    %shift_left3A_855 = arith.constant 6 : i32
    %shift_left3A_856 = arith.shli %shift_left3A_854, %shift_left3A_855 : i32
    %or3A_857 = vector.broadcast %shift_left3A_856 : i32 to vector<16x1xi32>
    %or3A_858 = arith.ori %select_n3A_853, %or3A_857 : vector<16x1xi32>
    %ge3A_859 = vector.broadcast %or3A_858 : vector<16x1xi32> to vector<16x8192xi32>
    %ge3A_860 = arith.cmpi sge, %slice3A_478, %ge3A_859 : vector<16x8192xi32>
    %convert_element_type3A_861 = arith.extui %ge3A_860 : vector<16x8192xi1> to vector<16x8192xi32>
    %reduce_sum3A_862 = arith.constant dense<0> : vector<16xi32>
    %reduce_sum3A_863 = vector.multi_reduction <add>, %convert_element_type3A_861, %reduce_sum3A_862 [1] : vector<16x8192xi32> to vector<16xi32>
    %broadcast_in_dim3A_864 = vector.shape_cast %reduce_sum3A_863 : vector<16xi32> to vector<16x1xi32>
    %ge3A_865 = arith.constant 256 : i32
    %ge3A_866 = vector.broadcast %ge3A_865 : i32 to vector<16x1xi32>
    %ge3A_867 = arith.cmpi sge, %broadcast_in_dim3A_864, %ge3A_866 : vector<16x1xi32>
    %select_n3A_868 = arith.select %ge3A_867, %or3A_858, %select_n3A_853 : vector<16x1xi1>, vector<16x1xi32>
    %shift_left3A_869 = arith.constant 1 : i32
    %shift_left3A_870 = arith.constant 5 : i32
    %shift_left3A_871 = arith.shli %shift_left3A_869, %shift_left3A_870 : i32
    %or3A_872 = vector.broadcast %shift_left3A_871 : i32 to vector<16x1xi32>
    %or3A_873 = arith.ori %select_n3A_868, %or3A_872 : vector<16x1xi32>
    %ge3A_874 = vector.broadcast %or3A_873 : vector<16x1xi32> to vector<16x8192xi32>
    %ge3A_875 = arith.cmpi sge, %slice3A_478, %ge3A_874 : vector<16x8192xi32>
    %convert_element_type3A_876 = arith.extui %ge3A_875 : vector<16x8192xi1> to vector<16x8192xi32>
    %reduce_sum3A_877 = arith.constant dense<0> : vector<16xi32>
    %reduce_sum3A_878 = vector.multi_reduction <add>, %convert_element_type3A_876, %reduce_sum3A_877 [1] : vector<16x8192xi32> to vector<16xi32>
    %broadcast_in_dim3A_879 = vector.shape_cast %reduce_sum3A_878 : vector<16xi32> to vector<16x1xi32>
    %ge3A_880 = arith.constant 256 : i32
    %ge3A_881 = vector.broadcast %ge3A_880 : i32 to vector<16x1xi32>
    %ge3A_882 = arith.cmpi sge, %broadcast_in_dim3A_879, %ge3A_881 : vector<16x1xi32>
    %select_n3A_883 = arith.select %ge3A_882, %or3A_873, %select_n3A_868 : vector<16x1xi1>, vector<16x1xi32>
    %shift_left3A_884 = arith.constant 1 : i32
    %shift_left3A_885 = arith.constant 4 : i32
    %shift_left3A_886 = arith.shli %shift_left3A_884, %shift_left3A_885 : i32
    %or3A_887 = vector.broadcast %shift_left3A_886 : i32 to vector<16x1xi32>
    %or3A_888 = arith.ori %select_n3A_883, %or3A_887 : vector<16x1xi32>
    %ge3A_889 = vector.broadcast %or3A_888 : vector<16x1xi32> to vector<16x8192xi32>
    %ge3A_890 = arith.cmpi sge, %slice3A_478, %ge3A_889 : vector<16x8192xi32>
    %convert_element_type3A_891 = arith.extui %ge3A_890 : vector<16x8192xi1> to vector<16x8192xi32>
    %reduce_sum3A_892 = arith.constant dense<0> : vector<16xi32>
    %reduce_sum3A_893 = vector.multi_reduction <add>, %convert_element_type3A_891, %reduce_sum3A_892 [1] : vector<16x8192xi32> to vector<16xi32>
    %broadcast_in_dim3A_894 = vector.shape_cast %reduce_sum3A_893 : vector<16xi32> to vector<16x1xi32>
    %ge3A_895 = arith.constant 256 : i32
    %ge3A_896 = vector.broadcast %ge3A_895 : i32 to vector<16x1xi32>
    %ge3A_897 = arith.cmpi sge, %broadcast_in_dim3A_894, %ge3A_896 : vector<16x1xi32>
    %select_n3A_898 = arith.select %ge3A_897, %or3A_888, %select_n3A_883 : vector<16x1xi1>, vector<16x1xi32>
    %shift_left3A_899 = arith.constant 1 : i32
    %shift_left3A_900 = arith.constant 3 : i32
    %shift_left3A_901 = arith.shli %shift_left3A_899, %shift_left3A_900 : i32
    %or3A_902 = vector.broadcast %shift_left3A_901 : i32 to vector<16x1xi32>
    %or3A_903 = arith.ori %select_n3A_898, %or3A_902 : vector<16x1xi32>
    %ge3A_904 = vector.broadcast %or3A_903 : vector<16x1xi32> to vector<16x8192xi32>
    %ge3A_905 = arith.cmpi sge, %slice3A_478, %ge3A_904 : vector<16x8192xi32>
    %convert_element_type3A_906 = arith.extui %ge3A_905 : vector<16x8192xi1> to vector<16x8192xi32>
    %reduce_sum3A_907 = arith.constant dense<0> : vector<16xi32>
    %reduce_sum3A_908 = vector.multi_reduction <add>, %convert_element_type3A_906, %reduce_sum3A_907 [1] : vector<16x8192xi32> to vector<16xi32>
    %broadcast_in_dim3A_909 = vector.shape_cast %reduce_sum3A_908 : vector<16xi32> to vector<16x1xi32>
    %ge3A_910 = arith.constant 256 : i32
    %ge3A_911 = vector.broadcast %ge3A_910 : i32 to vector<16x1xi32>
    %ge3A_912 = arith.cmpi sge, %broadcast_in_dim3A_909, %ge3A_911 : vector<16x1xi32>
    %select_n3A_913 = arith.select %ge3A_912, %or3A_903, %select_n3A_898 : vector<16x1xi1>, vector<16x1xi32>
    %shift_left3A_914 = arith.constant 1 : i32
    %shift_left3A_915 = arith.constant 2 : i32
    %shift_left3A_916 = arith.shli %shift_left3A_914, %shift_left3A_915 : i32
    %or3A_917 = vector.broadcast %shift_left3A_916 : i32 to vector<16x1xi32>
    %or3A_918 = arith.ori %select_n3A_913, %or3A_917 : vector<16x1xi32>
    %ge3A_919 = vector.broadcast %or3A_918 : vector<16x1xi32> to vector<16x8192xi32>
    %ge3A_920 = arith.cmpi sge, %slice3A_478, %ge3A_919 : vector<16x8192xi32>
    %convert_element_type3A_921 = arith.extui %ge3A_920 : vector<16x8192xi1> to vector<16x8192xi32>
    %reduce_sum3A_922 = arith.constant dense<0> : vector<16xi32>
    %reduce_sum3A_923 = vector.multi_reduction <add>, %convert_element_type3A_921, %reduce_sum3A_922 [1] : vector<16x8192xi32> to vector<16xi32>
    %broadcast_in_dim3A_924 = vector.shape_cast %reduce_sum3A_923 : vector<16xi32> to vector<16x1xi32>
    %ge3A_925 = arith.constant 256 : i32
    %ge3A_926 = vector.broadcast %ge3A_925 : i32 to vector<16x1xi32>
    %ge3A_927 = arith.cmpi sge, %broadcast_in_dim3A_924, %ge3A_926 : vector<16x1xi32>
    %select_n3A_928 = arith.select %ge3A_927, %or3A_918, %select_n3A_913 : vector<16x1xi1>, vector<16x1xi32>
    %shift_left3A_929 = arith.constant 1 : i32
    %shift_left3A_930 = arith.constant 1 : i32
    %shift_left3A_931 = arith.shli %shift_left3A_929, %shift_left3A_930 : i32
    %or3A_932 = vector.broadcast %shift_left3A_931 : i32 to vector<16x1xi32>
    %or3A_933 = arith.ori %select_n3A_928, %or3A_932 : vector<16x1xi32>
    %ge3A_934 = vector.broadcast %or3A_933 : vector<16x1xi32> to vector<16x8192xi32>
    %ge3A_935 = arith.cmpi sge, %slice3A_478, %ge3A_934 : vector<16x8192xi32>
    %convert_element_type3A_936 = arith.extui %ge3A_935 : vector<16x8192xi1> to vector<16x8192xi32>
    %reduce_sum3A_937 = arith.constant dense<0> : vector<16xi32>
    %reduce_sum3A_938 = vector.multi_reduction <add>, %convert_element_type3A_936, %reduce_sum3A_937 [1] : vector<16x8192xi32> to vector<16xi32>
    %broadcast_in_dim3A_939 = vector.shape_cast %reduce_sum3A_938 : vector<16xi32> to vector<16x1xi32>
    %ge3A_940 = arith.constant 256 : i32
    %ge3A_941 = vector.broadcast %ge3A_940 : i32 to vector<16x1xi32>
    %ge3A_942 = arith.cmpi sge, %broadcast_in_dim3A_939, %ge3A_941 : vector<16x1xi32>
    %select_n3A_943 = arith.select %ge3A_942, %or3A_933, %select_n3A_928 : vector<16x1xi1>, vector<16x1xi32>
    %shift_left3A_944 = arith.constant 1 : i32
    %shift_left3A_945 = arith.constant 0 : i32
    %shift_left3A_946 = arith.shli %shift_left3A_944, %shift_left3A_945 : i32
    %or3A_947 = vector.broadcast %shift_left3A_946 : i32 to vector<16x1xi32>
    %or3A_948 = arith.ori %select_n3A_943, %or3A_947 : vector<16x1xi32>
    %ge3A_949 = vector.broadcast %or3A_948 : vector<16x1xi32> to vector<16x8192xi32>
    %ge3A_950 = arith.cmpi sge, %slice3A_478, %ge3A_949 : vector<16x8192xi32>
    %convert_element_type3A_951 = arith.extui %ge3A_950 : vector<16x8192xi1> to vector<16x8192xi32>
    %reduce_sum3A_952 = arith.constant dense<0> : vector<16xi32>
    %reduce_sum3A_953 = vector.multi_reduction <add>, %convert_element_type3A_951, %reduce_sum3A_952 [1] : vector<16x8192xi32> to vector<16xi32>
    %broadcast_in_dim3A_954 = vector.shape_cast %reduce_sum3A_953 : vector<16xi32> to vector<16x1xi32>
    %ge3A_955 = arith.constant 256 : i32
    %ge3A_956 = vector.broadcast %ge3A_955 : i32 to vector<16x1xi32>
    %ge3A_957 = arith.cmpi sge, %broadcast_in_dim3A_954, %ge3A_956 : vector<16x1xi32>
    %select_n3A_958 = arith.select %ge3A_957, %or3A_948, %select_n3A_943 : vector<16x1xi1>, vector<16x1xi32>
    %concatenate3A = tpu.concatenate %select_n3A_477, %select_n3A_958 in 0 : vector<16x1xi32>, vector<16x1xi32> -> vector<32x1xi32>
    %shift_right_arithmetic3A_959 = arith.constant 31 : i32
    %shift_right_arithmetic3A_960 = vector.broadcast %shift_right_arithmetic3A_959 : i32 to vector<32x1xi32>
    %shift_right_arithmetic3A_961 = arith.shrsi %concatenate3A, %shift_right_arithmetic3A_960 : vector<32x1xi32>
    %and3A_962 = arith.constant 2147483647 : i32
    %and3A_963 = vector.broadcast %and3A_962 : i32 to vector<32x1xi32>
    %and3A_964 = arith.andi %shift_right_arithmetic3A_961, %and3A_963 : vector<32x1xi32>
    %xor3A_965 = arith.xori %concatenate3A, %and3A_964 : vector<32x1xi32>
    %bitcast_convert_type3A_966 = tpu.bitcast %xor3A_965 : vector<32x1xi32> -> vector<32x1xf32>
    %ge3A_967 = vector.broadcast %bitcast_convert_type3A_966 : vector<32x1xf32> to vector<32x8192xf32>
    %ge3A_968 = arith.cmpf oge, %get3A_1, %ge3A_967 : vector<32x8192xf32>
    %broadcast_in_dim3A_969 = arith.constant 0.000000e+00 : f32
    %broadcast_in_dim3A_970 = vector.broadcast %broadcast_in_dim3A_969 : f32 to vector<32x8192xf32>
    %select_n3A_971 = arith.select %ge3A_968, %get3A_1, %broadcast_in_dim3A_970 : vector<32x8192xi1>, vector<32x8192xf32>
    %swap3A = arith.constant 0 : index
    %swap3A_972 = arith.constant 0 : index
    %swap3A_973 = vector.load %arg2[%swap3A, %swap3A_972] : memref<32x8192xf32, #tpu.memory_space<vmem>>, vector<32x8192xf32>
    tpu.vector_store %arg2[%swap3A, %swap3A_972], %select_n3A_971 {strides = array<i32>} : memref<32x8192xf32, #tpu.memory_space<vmem>>, vector<32x8192xf32>,
    return
  }
  func.func @transform_0(%arg0: i32) -> (i32, i32) {
    %c1_i32 = arith.constant 1 : i32
    %c0_i32 = arith.constant 0 : i32
    %c0_i32_0 = arith.constant 0 : i32
    return %c1_i32, %c0_i32 : i32, i32
  }
  func.func @transform_1(%arg0: i32) -> (i32, i32) {
    %c0_i32 = arith.constant 0 : i32
    %c0_i32_0 = arith.constant 0 : i32
    %c0_i32_1 = arith.constant 0 : i32
    return %c0_i32, %c0_i32_0 : i32, i32
  }
}

</mosaic_0001>

<sc_bundles>
// kernel: kernel.4.cloned.1.call-start
scs
__scs_entry_jumppad:
0x0: {  	(pc) =	sbr.rel $0x88, $3  }
0x1: {  	(tag) =	ssettag $0x0;
	lr =	simm.s32 $0x1  }
0x2: {  	[smem:$0x3FA0] =	sst lr;
	_ =	strace $0xD0000000  }
0x3: {  	_ = 	snop  }
0x4: {  	_ = 	snop  }
0x5: {  	_ = 	snop  }
0x6: {  	_ = 	snop  }
0x7: {  	_ = 	snop  }
__scs_overlays_trampoline_lowered:
0x8: {  	[smem:$0x3FAF] =	sst s0  }
0x9: {  	[smem:$0x3FB0] =	sst s1  }
0xa: {  	[smem:$0x3FB1] =	sst s2  }
0xb: {  	[smem:$0x3FB2] =	sst s3  }
0xc: {  	[smem:$0x3FB3] =	sst s4  }
0xd: {  	[smem:$0x3FB4] =	sst s5  }
0xe: {  	[smem:$0x3FB5] =	sst s6  }
0xf: {  	[smem:$0x3FB6] =	sst s7  }
0x10: {  	[smem:$0x3FB7] =	sst s8  }
0x11: {  	[smem:$0x3FB8] =	sst s9;
	s0 =	simm.s32 @!p0 $0x0  }
0x12: {  	s1 =	sld [smem:$0x3F9E];
	s0 =	simm.s32 @p0 $0x1  }
0x13: {  	[smem:$0x3FB9] =	sst s0;
	s0 =	simm.s32 @!p1 $0x0  }
0x14: {  	s2 =	sld [smem:$0x3F9D];
	s0 =	simm.s32 @p1 $0x1  }
0x15: {  	[smem:$0x3FBA] =	sst s0;
	s0 =	simm.s32 @!p2 $0x0  }
0x16: {  	s3 =	sld [smem:$0x3FDB];
	s0 =	simm.s32 @p2 $0x1  }
0x17: {  	s4 =	simm.s32 $0x1BF5;
	[smem:$0x3FBC] =	sst s0  }
0x18: {  	s0 =	sld [smem:$0x3F9F];
	_ =	swait.ge [sflag:s4], $0x0  }
0x19: {  	s7 =	sld [smem:$0x3FA0]  }
0x1a: {  	s8 =	sadd.s32 $0xFFFFE003, lr  }
0x1b: {  	s9 =	sadd.s32 $0xFFFFFEF7, lr;
	s5 =	simm.s32 $0xFFFFFFFF;
	p2 =	slt.u32 s8, $0xFFFFF086  }
0x1c: {  	p1 =	slt.u32 s9, $0xF7A;
	s5 =	simm.s32 @!p2 $0x0  }
0x1d: {  	s5 =	simm.s32 @p1 $0x1;
	p0 =	seq.s32 s7, s2  }
0x1e: {  	s7 =	smul.u32 @!p0 $0xF7A, s2;
	p2 =	seq.s32 @!p0 s5, $0x0  }
0x1f: {  	s9 =	smul.u32 $0xF7A, s1;
	s8 =	simm.s32 @!p0 $0x1BF5;
	p2 =	por !p2, p0  }
0x20: {  	[sflag:s8] =	ssyncset.s32 @!p0 $0xFFFFF086;
	s6 =	sadd.s32 @!p0 s3, s7;
	s7 =	simm.s32 @!p0 $0x108  }
0x21: {  	s3 =	sadd.s32 s3, s9;
	s6 =	sadd.s32 @!p0 $0x88, s6;
	s7 =	simm.s32 @p2 $0x1082  }
0x22: {  	[simem:s7], [sflag:s8] =	dma.local @!p0 [hbm:s6], $0xF7A  }
0x23: {  	s9 =	sor.u32 $0xD0000000, s2;
	s6 =	simm.s32 $0x108;
	_ =	swait.ge @!p0 [sflag:s8], $0x0  }
0x24: {  	s3 =	sadd.s32 $0x88, s3;
	s6 =	simm.s32 @!p1 $0x1082;
	[sflag:s4] =	ssyncset.s32 $0xFFFFF086  }
0x25: {  	[simem:s6], [sflag:s4] =	dma.local [hbm:s3], $0xF7A  }
0x26: {  	[smem:$0x3FA0] =	sst s1;
	(tag) =	ssettag s2;
	_ =	strace s9  }
0x27: {  	s1 =	sld [smem:$0x3FB0]  }
0x28: {  	s2 =	sld [smem:$0x3FB1]  }
0x29: {  	s4 =	sld [smem:$0x3FB3]  }
0x2a: {  	p0 =	seq.s32 s5, $0x0;
	s5 =	sld [smem:$0x3FB4]  }
0x2b: {  	s6 =	sld [smem:$0x3FB5]  }
0x2c: {  	s7 =	sld [smem:$0x3FB6]  }
0x2d: {  	s3 =	simm.s32 $0x108;
	s8 =	sld [smem:$0x3FB7]  }
0x2e: {  	s3 =	simm.s32 @!p0 $0x1082;
	s9 =	sld [smem:$0x3FB8]  }
0x2f: {  	lr =	sadd.s32 s0, s3;
	s0 =	sld [smem:$0x3FAF]  }
0x30: {  	s3 =	sld [smem:$0x3FB2]  }
0x31: {  	[smem:$0x3FBB] =	sst s10  }
0x32: {  	s10 =	sld [smem:$0x3FB9];
	_ =	sdelay $0x3  }
0x33: {  	p0 =	seq.s32 s10, $0x1;
	s10 =	sld [smem:$0x3FBB];
	_ =	sdelay $0x3  }
0x34: {  	[smem:$0x3FBB] =	sst s10  }
0x35: {  	s10 =	sld [smem:$0x3FBA];
	_ =	sdelay $0x3  }
0x36: {  	p1 =	seq.s32 s10, $0x1;
	s10 =	sld [smem:$0x3FBB];
	_ =	sdelay $0x3  }
0x37: {  	[smem:$0x3FBB] =	sst s10  }
0x38: {  	s10 =	sld [smem:$0x3FBC]  }
0x39: {  	_ = 	snop;
	(pc) =	sbr.ind lr, $3  }
0x3a: {  	_ = 	snop  }
0x3b: {  	_ = 	snop  }
0x3c: {  	p2 =	seq.s32 s10, $0x1;
	s10 =	sld [smem:$0x3FBB]  }
0x3d: {  	_ =	shalt  }
0x3e: {  	_ =	shalt  }
0x3f: {  	_ =	shalt  }
0x40: {  	_ =	shalt  }
0x41: {  	_ =	shalt  }
0x42: {  	_ =	shalt  }
0x43: {  	_ =	shalt  }
0x44: {  	_ =	shalt  }
0x45: {  	_ =	shalt  }
0x46: {  	_ =	shalt  }
0x47: {  	_ =	shalt  }
0x48: {  	_ =	shalt  }
0x49: {  	_ =	shalt  }
0x4a: {  	_ =	shalt  }
0x4b: {  	_ =	shalt  }
0x4c: {  	_ =	shalt  }
0x4d: {  	_ =	shalt  }
0x4e: {  	_ =	shalt  }
0x4f: {  	_ =	shalt  }
0x50: {  	_ =	shalt  }
0x51: {  	_ =	shalt  }
0x52: {  	_ =	shalt  }
0x53: {  	_ =	shalt  }
0x54: {  	_ =	shalt  }
0x55: {  	_ =	shalt  }
0x56: {  	_ =	shalt  }
0x57: {  	_ =	shalt  }
0x58: {  	_ =	shalt  }
0x59: {  	_ =	shalt  }
0x5a: {  	_ =	shalt  }
0x5b: {  	_ =	shalt  }
0x5c: {  	_ =	shalt  }
0x5d: {  	_ =	shalt  }
0x5e: {  	_ =	shalt  }
0x5f: {  	_ =	shalt  }
0x60: {  	_ =	shalt  }
0x61: {  	_ =	shalt  }
0x62: {  	_ =	shalt  }
0x63: {  	_ =	shalt  }
0x64: {  	_ =	shalt  }
0x65: {  	_ =	shalt  }
0x66: {  	_ =	shalt  }
0x67: {  	_ =	shalt  }
0x68: {  	_ =	shalt  }
0x69: {  	_ =	shalt  }
0x6a: {  	_ =	shalt  }
0x6b: {  	_ =	shalt  }
0x6c: {  	_ =	shalt  }
0x6d: {  	_ =	shalt  }
0x6e: {  	_ =	shalt  }
0x6f: {  	_ =	shalt  }
0x70: {  	_ =	shalt  }
0x71: {  	_ =	shalt  }
0x72: {  	_ =	shalt  }
0x73: {  	_ =	shalt  }
0x74: {  	_ =	shalt  }
0x75: {  	_ =	shalt  }
0x76: {  	_ =	shalt  }
0x77: {  	_ =	shalt  }
0x78: {  	_ =	shalt  }
0x79: {  	_ =	shalt  }
0x7a: {  	_ =	shalt  }
0x7b: {  	_ =	shalt  }
0x7c: {  	_ =	shalt  }
0x7d: {  	_ =	shalt  }
0x7e: {  	_ =	shalt  }
0x7f: {  	_ =	shalt  }
0x80: {  	_ =	shalt  }
0x81: {  	_ =	shalt  }
0x82: {  	_ =	shalt  }
0x83: {  	_ =	shalt  }
0x84: {  	_ =	shalt  }
0x85: {  	_ =	shalt  }
0x86: {  	_ =	shalt  }
0x87: {  	_ =	shalt  }
.Lfunc_end0:
.L_simem_size_0:
called_computation_lowered:
.L_overlay_start_0:
0x88: {  	s2 =	sld [smem:$0x3FD9]  }
0x89: {  	s3 =	sld [smem:$0x3FFE];
	_ =	sdelay $0x1  }
0x8a: {  	s1 =	srdreg.scid  }
0x8b: {  	s0 =	sand.u32 $0x1, s1  }
0x8c: {  	s17 =	sshll.u32 s0, $0xA;
	s2 =	sadd.s32 s3, s2  }
0x8d: {  	s2 =	sadd.s32 s2, s17  }
0x8e: {  	[smem:$0x3FC7] =	sst s2  }
0x8f: {  	_ = 	snop  }
0x90: {  	s2 =	sld [smem:$0x3FC9];
	(tm) =	ssettm $0x1  }
0x91: {  	s18 =	sld [smem:$0x3FFB];
	_ =	sdelay $0x3  }
0x92: {  	_ =	strace s18  }
0x93: {  	s3 =	sld [smem:$0x3FFC];
	_ =	sdelay $0x3  }
0x94: {  	_ =	strace s3  }
0x95: {  	s3 =	sld [smem:$0x3FFD];
	_ =	sdelay $0x3  }
0x96: {  	_ =	strace s3  }
0x97: {  	_ =	strace $0x8FFFFFFF  }
0x98: {  	s19 =	sld [smem:$0x3FDB];
	_ =	sdelay $0x1  }
0x99: {  	s4 =	simm.s32 $_scs_section_size  }
0x9a: {  	s5 =	simm.s32 $_size__tile_overlayer_lowered;
	s6 =	simm.s32 $_tile_overlayer_lowered  }
0x9b: {  	s22 =	simm.s32 $0x1BFF;
	s21 =	sshll.u32 s6, $0x1;
	s3 =	sadd.s32 s4, s19  }
0x9c: {  	s7 =	simm.s32 $0x0;
	s20 =	sshll.u32 s5, $0x1;
	s5 =	sadd.s32 s21, s3  }
0x9d: {  	[timem:s7], [sflag:s22] =	dma.local [hbm:s5], s20  }
0x9e: {  	_ =	swait.ge [sflag:s22], s20  }
0x9f: {  	s4 =	ssub.s32 $0x0, s20;
	[sflag:s22] =	ssyncset.done $0x0  }
0xa0: {  	[sflag:s22] =	ssyncadd.s32 s4;
	_ =	sdelay $0x1  }
0xa1: {  	s23 =	simm.s32 $0x1B8B  }
0xa2: {  	_ =	swait.ge [sflag:s23], $0x1  }
0xa3: {  	[sflag:s23] =	ssyncset.done $0x0  }
0xa4: {  	s25 =	simm.s32 $0x1B8E;
	s24 =	sld [smem:$0x3FFE];
	[sflag:s23] =	ssyncadd.s32 $0xFFFFFFFF  }
0xa5: {  	s26 =	simm.s32 $execute0_lowered;
	[smem:$0x3FD2] =	sst s25  }
0xa6: {  	s5 =	sshll.u32 s26, $0x1;
	_ =	strace $0x80000046;
	[dreg:$0x1] =	wrdreg $0xFFFFFFFF  }
0xa7: {  	s28 =	simm.s32 $_size_execute0_lowered;
	s3 =	sadd.s32 s3, s5;
	[dreg:$0x0] =	wrdreg $0x0  }
0xa8: {  	s5 =	sshll.u32 s28, $0x1;
	[dreg:$0x2] =	wrdreg s3  }
0xa9: {  	[dreg:$0x3] =	wrdreg s5  }
0xaa: {  	[dreg:$0x4] =	wrdreg $0xC0  }
0xab: {  	_ =	task [dreg:s7], $0x5FFFF  }
0xac: {  	[dreg:$0x1] =	wrdreg $0xFFFFFFFF  }
0xad: {  	[dreg:$0x0] =	wrdreg $0x60  }
0xae: {  	[dreg:$0x2] =	wrdreg s2  }
0xaf: {  	[dreg:$0x3] =	wrdreg s24  }
0xb0: {  	[dreg:$0x4] =	wrdreg $0x9  }
0xb1: {  	_ =	task.clear_ibuf [dreg:s7], $0x5FFFF;
	_ =	strace $0x90000046  }
0xb2: {  	s29 =	simm.s32 $0x9;
	_ =	strace $0x80000048  }
0xb3: {  	_ =	swait.ge [sflag:s29], $0x1  }
0xb4: {  	[sflag:s29] =	ssyncadd.s32 $0xFFFFFFFF  }
0xb5: {  	_ =	strace $0x90000048  }
0xb6: {  	_ =	sfence  }
0xb7: {  	s30 =	sld [smem:$0x0];
	_ =	sdelay $0x2  }
0xb8: {  	s31 =	sshll.u32 s1, $0xD;
	s1 =	sshrl.u32 s1, $0x2  }
0xb9: {  	s3 =	sand.u32 $0x4000, s31;
	s1 =	sadd.s32 s1, s30  }
0xba: {  	s0 =	sor.u32 s3, s0;
	s1 =	sshll.u32 s1, $0x11  }
0xbb: {  	s0 =	sor.u32 s1, s0  }
0xbc: {  	s0 =	sadd.s32 $0x8F2B, s0  }
0xbd: {  	[sflag:s0] =	ssyncadd.remote.s32 $0x1  }
0xbe: {  	_ =	sfence.sel $0xFFFF  }
0xbf: {  	[dreg:$0x0] =	wrdreg $0xFFFFFFFF;
	(pc) =	sbr.abs _section_cstart, $3  }
0xc0: {  	[dreg:$0x1] =	wrdreg $0xFFFFFFFF  }
0xc1: {  	_ =	task.clear_ibuf [dreg:s7], $0x2FFFF;
	_ =	strace $0x9FFFFFFF  }
0xc2: {  	(tm) =	ssettm $0x7FFFFFFF  }
0xc3: {  	_ =	shalt  }
tec
execute0_lowered:
.L_overlay_start_1:
0x0: {  	(tag) =	ssettag $0x1  }
0x1: {  	s3 =	rddreg [dreg:$0x0]  }
0x2: {  	s4 =	rddreg [dreg:$0x1]  }
0x3: {  	s5 =	srdreg.scid;
	s1 =	stileid.u32  }
0x4: {  	s2 =	simm.s32 $0x0;
	s9 =	simm.s32 $0x4000;
	s10 =	simm.s32 $0x2  }
0x5: {  	s11 =	simm.s32 $0x0;
	s5 =	sand.u32 $0x1, s5;
	s6 =	sshll.u32 s1, $0x5  }
0x6: {  	s7 =	sshll.u32 s1, $0xB;
	[smem:$0x7FF] =	sst s2;
	s8 =	sshll.u32 s5, $0x4  }
0x7: {  	s6 =	sand.u32 $0x60, s6;
	s7 =	sand.u32 $0x6000, s7;
	s5 =	ssub.s32 $0x2, s5  }
0x8: {  	v0 =	vlaneseq.u32;
	_ =	strace $0x80000047;
	s6 =	sor.u32 s8, s6;
	s31 =	sshrl.u32 s5, $0x1  }
0x9: {  	v3 =	vmul.u32 $0xFFFFFFFF, v0;
	s8 =	simm.s32 $0x1;
	s6 =	sor.u32 s7, s6;
	s5 =	ssub.s32 s5, s31  }
0xa: {  	v1 =	vimm.s32 $0x0;
	s7 =	simm.s32 $0x400;
	s4 =	sadd.s32 s6, s4;
	s3 =	sadd.s32 s3, s6  }
0xb: {  	v2 =	vimm.s32 $0x1;
	v4 =	vimm.s32 $0x80000000;
	v3 =	vadd.s32 $0xF, v3;
	s5 =	smax.u32 s5, $0x1;
	s6 =	simm.s32 $0x80;
	s4 =	sadd.s32 $0x600, s4  }
.LBB2_1:
0xc: {  	[tilespmem:s2], [sflag:$0x1] =	stream.strided.gather [hbm4b:s3+s6], $0x2000, s7, s6, $0x38;
	[tilespmem:$0x4100] =	vst v63  }
0xd: {  	_ =	swait.ge [sflag:s8], $0x2000  }
0xe: {  	[sflag:s8] =	ssyncset.done $0x0  }
0xf: {  	[sflag:s8] =	ssyncadd.s32 $0xFFFFE000  }
0x10: {  	[tilespmem:$0x4000] =	vst v1  }
0x11: {  	[tilespmem:$0x4010] =	vst v1  }
0x12: {  	[tilespmem:$0x4020] =	vst v1  }
0x13: {  	[tilespmem:$0x4030] =	vst v1  }
0x14: {  	[tilespmem:$0x4040] =	vst v1  }
0x15: {  	[tilespmem:$0x4050] =	vst v1  }
0x16: {  	[tilespmem:$0x4060] =	vst v1  }
0x17: {  	[tilespmem:$0x4070] =	vst v1  }
0x18: {  	[tilespmem:$0x4080] =	vst v1  }
0x19: {  	[tilespmem:$0x4090] =	vst v1  }
0x1a: {  	[tilespmem:$0x40A0] =	vst v1  }
0x1b: {  	[tilespmem:$0x40B0] =	vst v1  }
0x1c: {  	[tilespmem:$0x40C0] =	vst v1  }
0x1d: {  	[tilespmem:$0x40D0] =	vst v1  }
0x1e: {  	[tilespmem:$0x40E0] =	vst v1  }
0x1f: {  	s13 =	simm.s32 $0x40;
	[tilespmem:$0x40F0] =	vst v1  }
0x20: {  	v5 =	vld [tilespmem:s13+$0x10]  }
0x21: {  	v8 =	vld [tilespmem:s13+$0xFFFFFFD0]  }
0x22: {  	v9 =	vld [tilespmem:s13+$0xFFFFFFC0]  }
0x23: {  	v11 =	vld [tilespmem:s13+$0x30]  }
0x24: {  	v14 =	vld [tilespmem:s13+$0xFFFFFFE0]  }
0x25: {  	v7 =	vld [tilespmem:s13+$0x20];
	v6 =	vxor.u32 $0xFFFFFFFF, v5;
	v10 =	vor.u32 $0x80000000, v5;
	vm0 =	vlt.s32 v5, $0x0  }
0x26: {  	v5 =	vxor.u32 $0xFFFFFFFF, v8;
	v12 =	vor.u32 $0x80000000, v8;
	v15 =	vsel vm0, v6, v10  }
0x27: {  	v13 =	vor.u32 $0x80000000, v9;
	vm1 =	vlt.s32 v9, $0x0;
	v6 =	vld [tilespmem:s13+$0xFFFFFFF0];
	v17 =	vshrl.u32 v15, $0x18  }
0x28: {  	v18 =	vor.u32 $0x80000000, v11;
	vm0 =	vlt.s32 v8, $0x0;
	v8 =	vxor.u32 $0xFFFFFFFF, v9  }
0x29: {  	v16 =	vor.u32 $0x80000000, v14;
	v10 =	vsel vm0, v5, v12;
	v13 =	vsel vm1, v8, v13  }
0x2a: {  	s12 =	simm.s32 $0x2040;
	v9 =	vld [tilespmem:s13+$0x0];
	v8 =	vxor.u32 $0xFFFFFFFF, v7;
	vm1 =	vlt.s32 v11, $0x0;
	v12 =	vshrl.u32 v13, $0x18  }
0x2b: {  	[tilespmem:s12+$0x10] =	vst v15;
	v15 =	vxor.u32 $0xFFFFFFFF, v14;
	v11 =	vxor.u32 $0xFFFFFFFF, v11;
	vm0 =	vlt.s32 v14, $0x0  }
0x2c: {  	s14 =	simm.s32 $0xC0;
	s15 =	simm.s32 $0x2040;
	s13 =	simm.s32 $0x0;
	v5 =	vshrl.u32 v10, $0x18;
	v11 =	vsel vm1, v11, v18;
	v14 =	vxor.u32 $0xFFFFFFFF, v6;
	[tilespmem:v17+s9+$0x0] =	vst.idx.add.s32.msk $0xffff, v2  }
.LBB2_2:
0x2d: {  	v17 =	vld [tilespmem:s14+$0xFFFFFFD0];
	s13 =	sadd.s32 $0x8, s13;
	[tilespmem:s12+$0xFFFFFFC0] =	vst v13;
	v13 =	vsel vm0, v15, v16;
	vm0 =	vlt.s32 v6, $0x0;
	vm1 =	vlt.s32 v7, $0x0;
	s15 =	sadd.s32 $0x80, s15  }
0x2e: {  	v15 =	vor.u32 $0x80000000, v6;
	v7 =	vor.u32 $0x80000000, v7;
	p0 =	slt.u32 s13, $0x1F8;
	[tilespmem:s12+$0xFFFFFFD0] =	vst v10;
	v10 =	vshrl.u32 v13, $0x18;
	v6 =	vld [tilespmem:s14+$0xFFFFFFF0]  }
0x2f: {  	[tilespmem:v12+s9+$0x0] =	vst.idx.add.s32.msk $0xffff, v2;
	v12 =	vsel vm0, v14, v15;
	v14 =	vxor.u32 $0xFFFFFFFF, v9;
	v15 =	vshrl.u32 v11, $0x18  }
0x30: {  	v18 =	vor.u32 $0x80000000, v9;
	vm0 =	vlt.s32 v9, $0x0;
	v16 =	vld [tilespmem:s14+$0x10];
	[tilespmem:s12+$0xFFFFFFF0] =	vst v12;
	v12 =	vshrl.u32 v12, $0x18  }
0x31: {  	v8 =	vsel vm1, v8, v7;
	v9 =	vld [tilespmem:s14+$0xFFFFFFC0];
	[tilespmem:s12+$0xFFFFFFE0] =	vst v13;
	v13 =	vsel vm0, v14, v18  }
0x32: {  	v14 =	vshrl.u32 v8, $0x18;
	v7 =	vld [tilespmem:s14+$0x20];
	[tilespmem:s12+$0x30] =	vst v11  }
0x33: {  	[tilespmem:v10+s9+$0x0] =	vst.idx.add.s32.msk $0xffff, v2  }
0x34: {  	v11 =	vshrl.u32 v13, $0x18;
	[tilespmem:v15+s9+$0x0] =	vst.idx.add.s32.msk $0xffff, v2  }
0x35: {  	v10 =	vxor.u32 $0xFFFFFFFF, v16;
	v15 =	vor.u32 $0x80000000, v16;
	vm0 =	vlt.s32 v16, $0x0;
	v18 =	vld [tilespmem:s14+$0x30];
	[tilespmem:s12+$0x0] =	vst v13  }
0x36: {  	v13 =	vxor.u32 $0xFFFFFFFF, v17;
	v16 =	vor.u32 $0x80000000, v17;
	v19 =	vld [tilespmem:s14+$0xFFFFFFE0];
	v15 =	vsel vm0, v10, v15;
	[tilespmem:s12+$0x20] =	vst v8;
	s12 =	smov.u32 s15  }
0x37: {  	v8 =	vor.u32 $0x80000000, v9;
	vm0 =	vlt.s32 v17, $0x0;
	v17 =	vshrl.u32 v15, $0x18;
	[tilespmem:v14+s9+$0x0] =	vst.idx.add.s32.msk $0xffff, v2  }
.Ltmp0:
0x38: {  	vm1 =	vlt.s32 v9, $0x0;
	v14 =	vxor.u32 $0xFFFFFFFF, v9;
	v10 =	vsel vm0, v13, v16;
	[tilespmem:v5+s9+$0x0] =	vst.idx.add.s32.msk $0xffff, v2;
	(pc) =	sbr.rel @p0 .LBB2_2-.Ltmp0, $4  }
0x39: {  	v13 =	vsel vm1, v14, v8;
	v5 =	vshrl.u32 v10, $0x18;
	v8 =	vxor.u32 $0xFFFFFFFF, v7;
	[tilespmem:v12+s9+$0x0] =	vst.idx.add.s32.msk $0xffff, v2  }
0x3a: {  	v12 =	vshrl.u32 v13, $0x18;
	v9 =	vld [tilespmem:s14+$0x0];
	[tilespmem:s15+$0x10] =	vst v15;
	v20 =	vor.u32 $0x80000000, v18;
	vm1 =	vlt.s32 v18, $0x0  }
0x3b: {  	v18 =	vxor.u32 $0xFFFFFFFF, v18;
	v15 =	vxor.u32 $0xFFFFFFFF, v19;
	v16 =	vor.u32 $0x80000000, v19;
	[tilespmem:v11+s9+$0x0] =	vst.idx.add.s32.msk $0xffff, v2  }
0x3c: {  	v14 =	vxor.u32 $0xFFFFFFFF, v6;
	s14 =	sadd.s32 $0x80, s14;
	vm0 =	vlt.s32 v19, $0x0;
	v11 =	vsel vm1, v18, v20;
	[tilespmem:v17+s9+$0x0] =	vst.idx.add.s32.msk $0xffff, v2  }
0x3d: {  	_ = 	snop  }
0x3e: {  	[tilespmem:s12+$0xFFFFFFC0] =	vst v13  }
0x3f: {  	[tilespmem:s12+$0xFFFFFFD0] =	vst v10  }
0x40: {  	v13 =	vsel vm0, v15, v16;
	[tilespmem:s12+$0x30] =	vst v11  }
0x41: {  	vm0 =	vlt.s32 v6, $0x0;
	v6 =	vor.u32 $0x80000000, v6;
	v10 =	vshrl.u32 v13, $0x18;
	[tilespmem:v12+s9+$0x0] =	vst.idx.add.s32.msk $0xffff, v2  }
0x42: {  	v6 =	vsel vm0, v14, v6;
	vm0 =	vlt.s32 v7, $0x0;
	v7 =	vor.u32 $0x80000000, v7;
	[tilespmem:s12+$0xFFFFFFE0] =	vst v13  }
0x43: {  	v12 =	vshrl.u32 v11, $0x18;
	[tilespmem:v5+s9+$0x0] =	vst.idx.add.s32.msk $0xffff, v2;
	v7 =	vsel vm0, v8, v7;
	v11 =	vxor.u32 $0xFFFFFFFF, v9  }
0x44: {  	[tilespmem:s12+$0xFFFFFFF0] =	vst v6;
	v13 =	vor.u32 $0x80000000, v9;
	vm0 =	vlt.s32 v9, $0x0;
	v6 =	vshrl.u32 v6, $0x18  }
0x45: {  	v8 =	vshrl.u32 v7, $0x18;
	v9 =	vsel vm0, v11, v13;
	[tilespmem:s12+$0x20] =	vst v7  }
0x46: {  	[tilespmem:v10+s9+$0x0] =	vst.idx.add.s32.msk $0xffff, v2;
	v10 =	vshrl.u32 v9, $0x18  }
0x47: {  	[tilespmem:s12+$0x0] =	vst v9  }
0x48: {  	[tilespmem:v12+s9+$0x0] =	vst.idx.add.s32.msk $0xffff, v2  }
0x49: {  	[tilespmem:v6+s9+$0x0] =	vst.idx.add.s32.msk $0xffff, v2  }
0x4a: {  	[tilespmem:v8+s9+$0x0] =	vst.idx.add.s32.msk $0xffff, v2  }
0x4b: {  	[tilespmem:v10+s9+$0x0] =	vst.idx.add.s32.msk $0xffff, v2  }
0x4c: {  	v20 =	vld [tilespmem:$0x4000]  }
0x4d: {  	v19 =	vld [tilespmem:$0x4010]  }
0x4e: {  	v18 =	vld [tilespmem:$0x4020]  }
0x4f: {  	v16 =	vld [tilespmem:$0x4030]  }
0x50: {  	v14 =	vld [tilespmem:$0x4040]  }
0x51: {  	v7 =	vld [tilespmem:$0x4050];
	(xrf0) =	vadd.scan.msk.s32 $0xffff, v20  }
0x52: {  	v8 =	vld [tilespmem:$0x4060];
	(xrf0) =	vadd.scan.msk.s32 $0xffff, v19  }
0x53: {  	v9 =	vld [tilespmem:$0x4070];
	(xrf0) =	vadd.scan.msk.s32 $0xffff, v18  }
0x54: {  	v10 =	vld [tilespmem:$0x4080];
	(xrf0) =	vadd.scan.msk.s32 $0xffff, v16  }
0x55: {  	v11 =	vld [tilespmem:$0x4090];
	(xrf0) =	vadd.scan.msk.s32 $0xffff, v14  }
0x56: {  	v12 =	vld [tilespmem:$0x40A0];
	(xrf0) =	vadd.scan.msk.s32 $0xffff, v7  }
0x57: {  	v5 =	vld [tilespmem:$0x40B0];
	v13, _, _ =	vpop (xrf0);
	(xrf0) =	vadd.scan.msk.s32 $0xffff, v8  }
0x58: {  	v6 =	vld [tilespmem:$0x40C0];
	(v2sf) =	vpush v13, $0xF;
	v15, _, _ =	vpop (xrf0);
	(xrf0) =	vadd.scan.msk.s32 $0xffff, v9  }
0x59: {  	v13 =	vld [tilespmem:$0x40D0];
	(v2sf) =	vpush v15, $0xF;
	v17, _, _ =	vpop (xrf0);
	(xrf0) =	vadd.scan.msk.s32 $0xffff, v10  }
0x5a: {  	v15 =	vld [tilespmem:$0x40E0];
	(v2sf) =	vpush v17, $0xF;
	v21, _, _ =	vpop (xrf0);
	(xrf0) =	vadd.scan.msk.s32 $0xffff, v11  }
0x5b: {  	v17 =	vld [tilespmem:$0x40F0];
	(v2sf) =	vpush v21, $0xF;
	v53, _, _ =	vpop (xrf0);
	(xrf0) =	vadd.scan.msk.s32 $0xffff, v12  }
0x5c: {  	(v2sf) =	vpush v53, $0xF;
	v54, _, _ =	vpop (xrf0);
	(xrf0) =	vadd.scan.msk.s32 $0xffff, v5  }
0x5d: {  	(v2sf) =	vpush v54, $0xF;
	v55, _, _ =	vpop (xrf0);
	(xrf0) =	vadd.scan.msk.s32 $0xffff, v6  }
0x5e: {  	(v2sf) =	vpush v55, $0xF;
	v56, _, _ =	vpop (xrf0);
	(xrf0) =	vadd.scan.msk.s32 $0xffff, v13  }
0x5f: {  	(v2sf) =	vpush v56, $0xF;
	v57, _, _ =	vpop (xrf0);
	(xrf0) =	vadd.scan.msk.s32 $0xffff, v15  }
0x60: {  	(v2sf) =	vpush v57, $0xF;
	v58, _, _ =	vpop (xrf0);
	(xrf0) =	vadd.scan.msk.s32 $0xffff, v17  }
0x61: {  	v22, _, _ =	vpop (xrf0);
	(v2sf) =	vpush v58, $0xF  }
0x62: {  	v59, _, _ =	vpop (xrf0);
	(v2sf) =	vpush v22, $0xF  }
0x63: {  	v60, _, _ =	vpop (xrf0);
	(v2sf) =	vpush v59, $0xF  }
0x64: {  	v61, _, _ =	vpop (xrf0);
	(v2sf) =	vpush v60, $0xF  }
0x65: {  	v62, _, _ =	vpop (xrf0);
	(v2sf) =	vpush v61, $0xF  }
0x66: {  	(v2sf) =	vpush v62, $0xF;
	v63, _, _ =	vpop (xrf0)  }
0x67: {  	s28 =	spop (v2sf);
	(v2sf) =	vpush v63, $0xF  }
0x68: {  	s29 =	spop (v2sf)  }
0x69: {  	s26 =	spop (v2sf)  }
0x6a: {  	s25 =	spop (v2sf)  }
0x6b: {  	s24 =	spop (v2sf)  }
0x6c: {  	s23 =	spop (v2sf)  }
0x6d: {  	s22 =	spop (v2sf)  }
0x6e: {  	s21 =	spop (v2sf)  }
0x6f: {  	s20 =	spop (v2sf)  }
0x70: {  	s19 =	spop (v2sf)  }
0x71: {  	s18 =	spop (v2sf)  }
0x72: {  	s17 =	spop (v2sf)  }
0x73: {  	s16 =	spop (v2sf)  }
0x74: {  	s15 =	spop (v2sf)  }
0x75: {  	s14 =	spop (v2sf)  }
0x76: {  	s13 =	spop (v2sf)  }
0x77: {  	s14 =	sadd.s32 s14, s13  }
0x78: {  	s15 =	sadd.s32 s15, s14  }
0x79: {  	s16 =	sadd.s32 s16, s15  }
0x7a: {  	s17 =	sadd.s32 s17, s16  }
0x7b: {  	s18 =	sadd.s32 s18, s17  }
0x7c: {  	s19 =	sadd.s32 s19, s18  }
0x7d: {  	s20 =	sadd.s32 s20, s19  }
0x7e: {  	s21 =	sadd.s32 s21, s20  }
0x7f: {  	s22 =	sadd.s32 s22, s21  }
0x80: {  	s23 =	sadd.s32 s23, s22  }
0x81: {  	s24 =	sadd.s32 s24, s23  }
0x82: {  	s25 =	sadd.s32 s25, s24  }
0x83: {  	s30 =	simm.s32 $0x1;
	p6 =	slt.s32 s13, $0x100;
	s26 =	sadd.s32 s26, s25  }
0x84: {  	s30 =	simm.s32 @!p6 $0x0;
	p5 =	sgt.s32 s15, $0xFF;
	s12 =	sadd.s32 s29, s26  }
0x85: {  	p6 =	sgt.s32 s16, $0xFF;
	p4 =	sgt.s32 s24, $0xFF;
	s28 =	sadd.s32 s28, s12  }
0x86: {  	p3 =	sgt.s32 s25, $0xFF;
	p0 =	sgt.s32 s28, $0xFF;
	s28 =	simm.s32 $0x1  }
0x87: {  	s29 =	simm.s32 $0x1;
	s28 =	simm.s32 @!p5 $0x0;
	p5 =	sgt.s32 s14, $0xFF  }
0x88: {  	p2 =	sgt.s32 s26, $0xFF;
	p1 =	sgt.s32 s12, $0xFF;
	s29 =	simm.s32 @!p5 $0x0  }
0x89: {  	p5 =	sgt.s32 s18, $0xFF;
	s29 =	ssub.s32 s29, s30;
	s30 =	simm.s32 $0x1  }
0x8a: {  	s28 =	sadd.s32 s28, s29;
	s29 =	simm.s32 $0x1;
	s30 =	simm.s32 @!p6 $0x0  }
0x8b: {  	p6 =	sgt.s32 s17, $0xFF;
	s28 =	sadd.s32 s30, s28;
	s30 =	simm.s32 $0x1  }
0x8c: {  	s29 =	simm.s32 @!p5 $0x0;
	p5 =	sgt.s32 s21, $0xFF;
	s30 =	simm.s32 @!p6 $0x0  }
0x8d: {  	p6 =	sgt.s32 s19, $0xFF;
	s28 =	sadd.s32 s30, s28;
	s30 =	simm.s32 $0x1  }
0x8e: {  	s28 =	sadd.s32 s29, s28;
	s29 =	simm.s32 $0x1;
	s30 =	simm.s32 @!p6 $0x0  }
0x8f: {  	p6 =	sgt.s32 s20, $0xFF;
	s28 =	sadd.s32 s30, s28;
	s30 =	simm.s32 $0x1  }
0x90: {  	s29 =	simm.s32 @!p5 $0x0;
	p5 =	sgt.s32 s23, $0xFF;
	s30 =	simm.s32 @!p6 $0x0  }
0x91: {  	p6 =	sgt.s32 s22, $0xFF;
	s28 =	sadd.s32 s30, s28;
	s30 =	simm.s32 $0x1  }
0x92: {  	s28 =	sadd.s32 s29, s28;
	s29 =	simm.s32 $0x1;
	s30 =	simm.s32 @!p6 $0x0  }
0x93: {  	s28 =	sadd.s32 s30, s28;
	s30 =	simm.s32 $0x1;
	s29 =	simm.s32 @!p5 $0x0  }
0x94: {  	s28 =	sadd.s32 s29, s28;
	s29 =	simm.s32 $0x1;
	s30 =	simm.s32 @!p4 $0x0  }
0x95: {  	s28 =	sadd.s32 s30, s28;
	s30 =	simm.s32 $0x1;
	s29 =	simm.s32 @!p3 $0x0  }
0x96: {  	s28 =	sadd.s32 s29, s28;
	s29 =	simm.s32 $0x1;
	s30 =	simm.s32 @!p2 $0x0  }
0x97: {  	s28 =	sadd.s32 s30, s28;
	s30 =	simm.s32 $0x1;
	s29 =	simm.s32 @!p1 $0x0  }
0x98: {  	s28 =	sadd.s32 s29, s28;
	s30 =	simm.s32 @!p0 $0x0  }
0x99: {  	s28 =	sadd.s32 s30, s28  }
0x9a: {  	p0 =	seq.s32 s28, $0x0  }
0x9b: {  	p2 =	seq.s32 s28, $0x1;
	v20 =	vpsel !p0, $0x0, v20  }
0x9c: {  	p6 =	seq.s32 s28, $0x2;
	v19 =	vpsel p2, v19, v20  }
0x9d: {  	p5 =	seq.s32 s28, $0x3;
	p1 =	seq.s32 s28, $0x4;
	v18 =	vpsel p6, v18, v19  }
0x9e: {  	s0 =	simm.s32 @!p1 $0x0;
	v16 =	vpsel p5, v16, v18  }
0x9f: {  	s0 =	simm.s32 @p1 $0x1;
	v14 =	vpsel p1, v14, v16;
	p1 =	seq.s32 s28, $0x5  }
0xa0: {  	[smem:$0x7F8] =	sst s0;
	s0 =	simm.s32 @!p1 $0x0  }
0xa1: {  	v7 =	vpsel p1, v7, v14;
	s0 =	simm.s32 @p1 $0x1;
	p1 =	seq.s32 s28, $0x6  }
0xa2: {  	[smem:$0x7F9] =	sst s0;
	s0 =	simm.s32 @!p1 $0x0  }
0xa3: {  	v7 =	vpsel p1, v8, v7;
	s0 =	simm.s32 @p1 $0x1;
	p1 =	seq.s32 s28, $0x7  }
0xa4: {  	s12 =	simm.s32 @!p0 $0x0;
	[smem:$0x7FA] =	sst s0;
	s0 =	simm.s32 @!p1 $0x0  }
0xa5: {  	s30 =	sld [smem:$0x7F8];
	v7 =	vpsel p1, v9, v7;
	s0 =	simm.s32 @p1 $0x1;
	p1 =	seq.s32 s28, $0x8  }
0xa6: {  	s12 =	smov.u32 @p2 s26;
	[smem:$0x7FB] =	sst s0;
	s0 =	simm.s32 @!p1 $0x0  }
0xa7: {  	s12 =	smov.u32 @p6 s25;
	v7 =	vpsel p1, v10, v7;
	s0 =	simm.s32 @p1 $0x1;
	p1 =	seq.s32 s28, $0x9  }
0xa8: {  	p4 =	seq.s32 s28, $0xA;
	p3 =	seq.s32 s28, $0xB;
	s12 =	smov.u32 @p5 s24;
	v7 =	vpsel p1, v11, v7  }
0xa9: {  	p5 =	seq.s32 s30, $0x1;
	[smem:$0x7FC] =	sst s0;
	s0 =	simm.s32 @!p1 $0x0;
	v7 =	vpsel p4, v12, v7  }
0xaa: {  	s31 =	sld [smem:$0x7F9];
	s0 =	simm.s32 @p1 $0x1;
	p1 =	seq.s32 s28, $0xC;
	v5 =	vpsel p3, v5, v7  }
0xab: {  	p2 =	seq.s32 s28, $0xD;
	s12 =	smov.u32 @p5 s23;
	s23 =	sld [smem:$0x7FA];
	v5 =	vpsel p1, v6, v5  }
0xac: {  	p6 =	seq.s32 s28, $0xE;
	s24 =	sld [smem:$0x7FB];
	v5 =	vpsel p2, v13, v5  }
0xad: {  	p0 =	seq.s32 s28, $0xF;
	s25 =	sld [smem:$0x7FC];
	v5 =	vpsel p6, v15, v5  }
0xae: {  	p5 =	seq.s32 s31, $0x1;
	[smem:$0x7FD] =	sst s0;
	v9 =	vpsel p0, v17, v5  }
0xaf: {  	s12 =	smov.u32 @p5 s22;
	p5 =	seq.s32 s23, $0x1;
	s26 =	sld [smem:$0x7FD];
	v5 =	vperm.xlane v9, v3  }
0xb0: {  	s12 =	smov.u32 @p5 s21;
	p5 =	seq.s32 s24, $0x1  }
0xb1: {  	s12 =	smov.u32 @p5 s20;
	p5 =	seq.s32 s25, $0x1;
	(xrf0) =	vadd.scan.msk.s32 $0xffff, v5  }
0xb2: {  	s12 =	smov.u32 @p5 s19;
	p5 =	seq.s32 s26, $0x1  }
0xb3: {  	s12 =	smov.u32 @p5 s18  }
0xb4: {  	s12 =	smov.u32 @p4 s17  }
0xb5: {  	s12 =	smov.u32 @p3 s16  }
0xb6: {  	s12 =	smov.u32 @p1 s15  }
0xb7: {  	s12 =	smov.u32 @p2 s14;
	v5, _, _ =	vpop (xrf0)  }
0xb8: {  	s12 =	smov.u32 @p6 s13;
	v8 =	vperm.xlane v5, v3  }
0xb9: {  	s12 =	simm.s32 @p0 $0x0  }
0xba: {  	v5 =	vadd.s32 s12, v8  }
0xbb: {  	vm0 =	vgt.s32 v5, $0xFF  }
0xbc: {  	v5 =	vsel vm0, $0x1, v1  }
0xbd: {  	(xrf0) =	vadd.scan.msk.s32 $0xffff, v5;
	_ =	sdelay $0x3  }
0xbe: {  	[tilespmem:$0x4000] =	vst v1  }
0xbf: {  	[tilespmem:$0x4010] =	vst v1  }
0xc0: {  	[tilespmem:$0x4020] =	vst v1;
	v5, _, _ =	vpop (xrf0)  }
0xc1: {  	[tilespmem:$0x4030] =	vst v1;
	(v2sf) =	vpush v5, $0xF  }
0xc2: {  	[tilespmem:$0x4040] =	vst v1  }
0xc3: {  	[tilespmem:$0x4050] =	vst v1  }
0xc4: {  	[tilespmem:$0x4060] =	vst v1  }
0xc5: {  	[tilespmem:$0x4070] =	vst v1  }
0xc6: {  	[tilespmem:$0x4080] =	vst v1  }
0xc7: {  	[tilespmem:$0x4090] =	vst v1  }
0xc8: {  	[tilespmem:$0x40A0] =	vst v1  }
0xc9: {  	[tilespmem:$0x40B0] =	vst v1  }
0xca: {  	[tilespmem:$0x40C0] =	vst v1  }
0xcb: {  	[tilespmem:$0x40D0] =	vst v1  }
0xcc: {  	[tilespmem:$0x40E0] =	vst v1  }
0xcd: {  	[tilespmem:$0x40F0] =	vst v1;
	s29 =	simm.s32 $0x2040  }
0xce: {  	v6 =	vld [tilespmem:s29+$0xFFFFFFC0]  }
0xcf: {  	v10 =	vld [tilespmem:s29+$0xFFFFFFE0]  }
0xd0: {  	s30 =	spop (v2sf)  }
0xd1: {  	s31 =	sshll.u32 s28, $0x4;
	s13 =	sadd.s32 $0xFFFFFFFF, s30  }
0xd2: {  	v12 =	vld [tilespmem:s29+$0xFFFFFFF0];
	s15 =	sadd.s32 s31, s13  }
0xd3: {  	v14 =	vld [tilespmem:s29+$0x20];
	v7 =	vshrl.u32 v6, $0x18;
	v5 =	vmov s15  }
0xd4: {  	v6 =	vshrl.u32 v6, $0x10;
	v11 =	vshrl.u32 v10, $0x18;
	vm3 =	veq.s32 v7, v5  }
0xd5: {  	v16 =	vld [tilespmem:s29+$0x30];
	v10 =	vshrl.u32 v10, $0x10;
	v15 =	vand.u32 $0xFF, v6;
	vm2 =	veq.s32 v11, v5  }
0xd6: {  	v6 =	vld [tilespmem:s29+$0xFFFFFFD0];
	v11 =	vand.u32 $0xFF, v10;
	_ =	sdelay $0x1  }
0xd7: {  	v17 =	vshrl.u32 v14, $0x18;
	v7 =	vshrl.u32 v12, $0x10;
	v10 =	vshrl.u32 v12, $0x18;
	v12 =	vld [tilespmem:s29+$0x10]  }
0xd8: {  	v13 =	vld [tilespmem:s29+$0x0];
	vm1 =	veq.s32 v17, v5;
	vm0 =	veq.s32 v10, v5;
	v10 =	vshrl.u32 v14, $0x10  }
0xd9: {  	s14 =	simm.s32 $0x0;
	s15 =	simm.s32 $0x20C0;
	v14 =	vshrl.u32 v16, $0x10;
	v10 =	vand.u32 $0xFF, v10;
	[tilespmem:v15+s9+$0x0] =	vst.idx.add.s32.msk vm3, v2;
	v15 =	vshrl.u32 v16, $0x18  }
.LBB2_4:
0xda: {  	s14 =	sadd.s32 $0x8, s14;
	v16 =	vshrl.u32 v6, $0x18;
	[tilespmem:v11+s9+$0x0] =	vst.idx.add.s32.msk vm2, v2;
	vm3 =	veq.s32 v15, v5  }
0xdb: {  	v6 =	vshrl.u32 v6, $0x10;
	v11 =	vand.u32 $0xFF, v7;
	v15 =	vld [tilespmem:s15+$0xFFFFFFF0];
	p0 =	slt.u32 s14, $0x1F8;
	vm4 =	veq.s32 v16, v5  }
0xdc: {  	v14 =	vand.u32 $0xFF, v14;
	v17 =	vand.u32 $0xFF, v6;
	v16 =	vld [tilespmem:s15+$0xFFFFFFE0];
	v6 =	vshrl.u32 v12, $0x18  }
0xdd: {  	v18 =	vld [tilespmem:s15+$0xFFFFFFC0];
	v7 =	vshrl.u32 v13, $0x18;
	vm5 =	veq.s32 v6, v5;
	v6 =	vshrl.u32 v12, $0x10  }
0xde: {  	v19 =	vld [tilespmem:s15+$0x30];
	vm6 =	veq.s32 v7, v5;
	v7 =	vshrl.u32 v13, $0x10;
	v12 =	vand.u32 $0xFF, v6  }
0xdf: {  	v20 =	vld [tilespmem:s15+$0x20];
	v13 =	vand.u32 $0xFF, v7  }
0xe0: {  	v6 =	vld [tilespmem:s15+$0xFFFFFFD0];
	v7 =	vshrl.u32 v15, $0x10  }
0xe1: {  	[tilespmem:v11+s9+$0x0] =	vst.idx.add.s32.msk vm0, v2  }
0xe2: {  	v21 =	vshrl.u32 v16, $0x18;
	v16 =	vshrl.u32 v16, $0x10;
	v11 =	vshrl.u32 v18, $0x18;
	[tilespmem:v10+s9+$0x0] =	vst.idx.add.s32.msk vm1, v2  }
0xe3: {  	v10 =	vshrl.u32 v18, $0x10;
	vm2 =	veq.s32 v21, v5;
	vm7 =	veq.s32 v11, v5;
	[tilespmem:v12+s9+$0x0] =	vst.idx.add.s32.msk vm5, v2  }
0xe4: {  	v10 =	vand.u32 $0xFF, v10;
	v11 =	vand.u32 $0xFF, v16;
	[tilespmem:v13+s9+$0x0] =	vst.idx.add.s32.msk vm6, v2  }
.Ltmp1:
0xe5: {  	v12 =	vshrl.u32 v15, $0x18;
	[tilespmem:v14+s9+$0x0] =	vst.idx.add.s32.msk vm3, v2;
	(pc) =	sbr.rel @p0 .LBB2_4-.Ltmp1, $4  }
0xe6: {  	vm0 =	veq.s32 v12, v5;
	[tilespmem:v17+s9+$0x0] =	vst.idx.add.s32.msk vm4, v2  }
0xe7: {  	v14 =	vshrl.u32 v20, $0x18;
	v12 =	vld [tilespmem:s15+$0x10]  }
0xe8: {  	vm1 =	veq.s32 v14, v5;
	v14 =	vshrl.u32 v20, $0x10;
	v13 =	vld [tilespmem:s15+$0x0]  }
0xe9: {  	v15 =	vshrl.u32 v19, $0x18;
	s15 =	sadd.s32 $0x80, s15;
	[tilespmem:v10+s9+$0x0] =	vst.idx.add.s32.msk vm7, v2;
	v10 =	vand.u32 $0xFF, v14;
	v14 =	vshrl.u32 v19, $0x10  }
0xea: {  	_ =	sdelay $0x3  }
0xeb: {  	v7 =	vand.u32 $0xFF, v7;
	vm5 =	veq.s32 v15, v5  }
0xec: {  	[tilespmem:v11+s9+$0x0] =	vst.idx.add.s32.msk vm2, v2;
	v11 =	vand.u32 $0xFF, v14;
	v16 =	vshrl.u32 v12, $0x18;
	v12 =	vshrl.u32 v12, $0x10  }
0xed: {  	v17 =	vshrl.u32 v13, $0x18;
	vm3 =	veq.s32 v16, v5;
	v13 =	vshrl.u32 v13, $0x10  }
0xee: {  	v12 =	vand.u32 $0xFF, v12;
	v16 =	vshrl.u32 v6, $0x18;
	vm4 =	veq.s32 v17, v5  }
0xef: {  	v6 =	vshrl.u32 v6, $0x10;
	v13 =	vand.u32 $0xFF, v13;
	vm2 =	veq.s32 v16, v5  }
0xf0: {  	[tilespmem:v10+s9+$0x0] =	vst.idx.add.s32.msk vm1, v2;
	v6 =	vand.u32 $0xFF, v6  }
0xf1: {  	[tilespmem:v7+s9+$0x0] =	vst.idx.add.s32.msk vm0, v2  }
0xf2: {  	[tilespmem:v11+s9+$0x0] =	vst.idx.add.s32.msk vm5, v2  }
0xf3: {  	[tilespmem:v12+s9+$0x0] =	vst.idx.add.s32.msk vm3, v2  }
0xf4: {  	[tilespmem:v13+s9+$0x0] =	vst.idx.add.s32.msk vm4, v2  }
0xf5: {  	[tilespmem:v6+s9+$0x0] =	vst.idx.add.s32.msk vm2, v2  }
0xf6: {  	v7 =	vmov s13;
	v6 =	vld [tilespmem:$0x4000]  }
0xf7: {  	vm0 =	veq.s32 v7, v0;
	v7 =	vld [tilespmem:$0x4010]  }
0xf8: {  	v10 =	vnsel vm0, $0x0, v8;
	v8 =	vld [tilespmem:$0x4020]  }
0xf9: {  	v9 =	vnsel vm0, $0x0, v9;
	(xrf0) =	vadd.scan.msk.s32 $0xffff, v10;
	v13 =	vld [tilespmem:$0x4030]  }
0xfa: {  	(xrf0) =	vadd.scan.msk.s32 $0xffff, v9;
	v14 =	vld [tilespmem:$0x4040]  }
0xfb: {  	v9 =	vld [tilespmem:$0x4050];
	(xrf0) =	vadd.scan.msk.s32 $0xffff, v6  }
0xfc: {  	v10 =	vld [tilespmem:$0x4060];
	(xrf0) =	vadd.scan.msk.s32 $0xffff, v7  }
0xfd: {  	v11 =	vld [tilespmem:$0x4070];
	(xrf0) =	vadd.scan.msk.s32 $0xffff, v8  }
0xfe: {  	v12 =	vld [tilespmem:$0x4080];
	(xrf0) =	vadd.scan.msk.s32 $0xffff, v13  }
0xff: {  	v15 =	vld [tilespmem:$0x4090];
	v16, _, _ =	vpop (xrf0);
	(xrf0) =	vadd.scan.msk.s32 $0xffff, v14  }
0x100: {  	(v2sf) =	vpush v16, $0xF;
	v17, _, _ =	vpop (xrf0);
	v16 =	vld [tilespmem:$0x40A0];
	(xrf0) =	vadd.scan.msk.s32 $0xffff, v9  }
0x101: {  	(v2sf) =	vpush v17, $0xF;
	v17 =	vld [tilespmem:$0x40B0];
	v19, _, _ =	vpop (xrf0);
	(xrf0) =	vadd.scan.msk.s32 $0xffff, v10  }
0x102: {  	v18 =	vld [tilespmem:$0x40C0];
	(v2sf) =	vpush v19, $0xF;
	v20, _, _ =	vpop (xrf0);
	(xrf0) =	vadd.scan.msk.s32 $0xffff, v11  }
0x103: {  	v50 =	vld [tilespmem:$0x40D0];
	(v2sf) =	vpush v20, $0xF;
	v21, _, _ =	vpop (xrf0);
	(xrf0) =	vadd.scan.msk.s32 $0xffff, v12  }
0x104: {  	v51 =	vld [tilespmem:$0x40E0];
	(v2sf) =	vpush v21, $0xF;
	v22, _, _ =	vpop (xrf0);
	(xrf0) =	vadd.scan.msk.s32 $0xffff, v15  }
0x105: {  	v52 =	vld [tilespmem:$0x40F0];
	(v2sf) =	vpush v22, $0xF;
	v53, _, _ =	vpop (xrf0);
	(xrf0) =	vadd.scan.msk.s32 $0xffff, v16  }
0x106: {  	(v2sf) =	vpush v53, $0xF;
	v54, _, _ =	vpop (xrf0);
	(xrf0) =	vadd.scan.msk.s32 $0xffff, v17  }
0x107: {  	(v2sf) =	vpush v54, $0xF;
	v55, _, _ =	vpop (xrf0);
	(xrf0) =	vadd.scan.msk.s32 $0xffff, v18  }
0x108: {  	(v2sf) =	vpush v55, $0xF;
	v56, _, _ =	vpop (xrf0);
	(xrf0) =	vadd.scan.msk.s32 $0xffff, v50  }
0x109: {  	(v2sf) =	vpush v56, $0xF;
	v57, _, _ =	vpop (xrf0);
	(xrf0) =	vadd.scan.msk.s32 $0xffff, v51  }
0x10a: {  	(v2sf) =	vpush v57, $0xF;
	v58, _, _ =	vpop (xrf0);
	(xrf0) =	vadd.scan.msk.s32 $0xffff, v52  }
0x10b: {  	v23, _, _ =	vpop (xrf0);
	(v2sf) =	vpush v58, $0xF  }
0x10c: {  	v59, _, _ =	vpop (xrf0);
	(v2sf) =	vpush v23, $0xF  }
0x10d: {  	v60, _, _ =	vpop (xrf0);
	(v2sf) =	vpush v59, $0xF  }
0x10e: {  	v61, _, _ =	vpop (xrf0);
	(v2sf) =	vpush v60, $0xF  }
0x10f: {  	s0 =	spop (v2sf);
	v62, _, _ =	vpop (xrf0);
	(v2sf) =	vpush v61, $0xF  }
0x110: {  	s29 =	spop (v2sf);
	(v2sf) =	vpush v62, $0xF;
	v63, _, _ =	vpop (xrf0)  }
0x111: {  	s30 =	spop (v2sf);
	(v2sf) =	vpush v63, $0xF  }
0x112: {  	s31 =	spop (v2sf)  }
0x113: {  	s28 =	spop (v2sf)  }
0x114: {  	s26 =	spop (v2sf)  }
0x115: {  	s25 =	spop (v2sf)  }
0x116: {  	s24 =	spop (v2sf)  }
0x117: {  	s23 =	spop (v2sf)  }
0x118: {  	s22 =	spop (v2sf)  }
0x119: {  	s21 =	spop (v2sf)  }
0x11a: {  	s20 =	spop (v2sf)  }
0x11b: {  	s19 =	spop (v2sf)  }
0x11c: {  	s18 =	spop (v2sf)  }
0x11d: {  	s17 =	spop (v2sf)  }
0x11e: {  	s16 =	spop (v2sf)  }
0x11f: {  	s15 =	spop (v2sf)  }
0x120: {  	s14 =	spop (v2sf)  }
0x121: {  	s15 =	sadd.s32 s15, s14  }
0x122: {  	s16 =	sadd.s32 s16, s15  }
0x123: {  	s17 =	sadd.s32 s17, s16  }
0x124: {  	s18 =	sadd.s32 s18, s17  }
0x125: {  	s19 =	sadd.s32 s19, s18  }
0x126: {  	s20 =	sadd.s32 s20, s19  }
0x127: {  	s21 =	sadd.s32 s21, s20  }
0x128: {  	s22 =	sadd.s32 s22, s21  }
0x129: {  	s12 =	sadd.s32 s0, s12;
	s23 =	sadd.s32 s23, s22  }
0x12a: {  	s12 =	ssub.s32 s29, s12;
	s24 =	sadd.s32 s24, s23  }
0x12b: {  	s29 =	simm.s32 $0x1;
	s12 =	sadd.s32 $0x100, s12;
	s25 =	sadd.s32 s25, s24  }
0x12c: {  	p6 =	slt.s32 s14, s12;
	p5 =	sge.s32 s16, s12;
	s26 =	sadd.s32 s26, s25  }
0x12d: {  	s29 =	simm.s32 @!p5 $0x0;
	p5 =	sge.s32 s15, s12;
	s28 =	sadd.s32 s28, s26  }
0x12e: {  	p4 =	sge.s32 s25, s12;
	p3 =	sge.s32 s26, s12;
	s13 =	sadd.s32 s31, s28  }
0x12f: {  	p2 =	sge.s32 s28, s12;
	s31 =	simm.s32 $0x1;
	s0 =	sadd.s32 s30, s13  }
0x130: {  	p1 =	sge.s32 s13, s12;
	s30 =	simm.s32 $0x1;
	s31 =	simm.s32 @!p6 $0x0  }
0x131: {  	p6 =	sge.s32 s17, s12;
	p0 =	sge.s32 s0, s12;
	s30 =	simm.s32 @!p5 $0x0  }
0x132: {  	p5 =	sge.s32 s19, s12;
	s30 =	ssub.s32 s30, s31;
	s31 =	simm.s32 $0x1  }
0x133: {  	s29 =	sadd.s32 s29, s30;
	s30 =	simm.s32 $0x1;
	s31 =	simm.s32 @!p6 $0x0  }
0x134: {  	p6 =	sge.s32 s18, s12;
	s29 =	sadd.s32 s31, s29;
	s31 =	simm.s32 $0x1  }
0x135: {  	s30 =	simm.s32 @!p5 $0x0;
	p5 =	sge.s32 s22, s12;
	s31 =	simm.s32 @!p6 $0x0  }
0x136: {  	p6 =	sge.s32 s20, s12;
	s29 =	sadd.s32 s31, s29;
	s31 =	simm.s32 $0x1  }
0x137: {  	s29 =	sadd.s32 s30, s29;
	s30 =	simm.s32 $0x1;
	s31 =	simm.s32 @!p6 $0x0  }
0x138: {  	p6 =	sge.s32 s21, s12;
	s29 =	sadd.s32 s31, s29;
	s31 =	simm.s32 $0x1  }
0x139: {  	s30 =	simm.s32 @!p5 $0x0;
	p5 =	sge.s32 s24, s12;
	s31 =	simm.s32 @!p6 $0x0  }
0x13a: {  	p6 =	sge.s32 s23, s12;
	s29 =	sadd.s32 s31, s29;
	s31 =	simm.s32 $0x1  }
0x13b: {  	s29 =	sadd.s32 s30, s29;
	s30 =	simm.s32 $0x1;
	s31 =	simm.s32 @!p6 $0x0  }
0x13c: {  	s29 =	sadd.s32 s31, s29;
	s31 =	simm.s32 $0x1;
	s30 =	simm.s32 @!p5 $0x0  }
0x13d: {  	s29 =	sadd.s32 s30, s29;
	s30 =	simm.s32 $0x1;
	s31 =	simm.s32 @!p4 $0x0  }
0x13e: {  	s29 =	sadd.s32 s31, s29;
	s31 =	simm.s32 $0x1;
	s30 =	simm.s32 @!p3 $0x0  }
0x13f: {  	s29 =	sadd.s32 s30, s29;
	s30 =	simm.s32 $0x1;
	s31 =	simm.s32 @!p2 $0x0  }
0x140: {  	s29 =	sadd.s32 s31, s29;
	s31 =	simm.s32 $0x1;
	s30 =	simm.s32 @!p1 $0x0  }
0x141: {  	s29 =	sadd.s32 s30, s29;
	s31 =	simm.s32 @!p0 $0x0  }
0x142: {  	s29 =	sadd.s32 s31, s29  }
0x143: {  	p0 =	seq.s32 s29, $0x0  }
0x144: {  	p2 =	seq.s32 s29, $0x1;
	v6 =	vpsel !p0, $0x0, v6  }
0x145: {  	p6 =	seq.s32 s29, $0x2;
	v6 =	vpsel p2, v7, v6  }
0x146: {  	p5 =	seq.s32 s29, $0x3;
	p1 =	seq.s32 s29, $0x4;
	v6 =	vpsel p6, v8, v6  }
0x147: {  	s0 =	simm.s32 @!p1 $0x0;
	v6 =	vpsel p5, v13, v6  }
0x148: {  	s0 =	simm.s32 @p1 $0x1;
	v6 =	vpsel p1, v14, v6;
	p1 =	seq.s32 s29, $0x5  }
0x149: {  	[smem:$0x7F2] =	sst s0;
	s0 =	simm.s32 @!p1 $0x0  }
0x14a: {  	v6 =	vpsel p1, v9, v6;
	s0 =	simm.s32 @p1 $0x1;
	p1 =	seq.s32 s29, $0x6  }
0x14b: {  	p4 =	seq.s32 s29, $0xA;
	[smem:$0x7F3] =	sst s0;
	s0 =	simm.s32 @!p1 $0x0  }
0x14c: {  	s13 =	simm.s32 @!p0 $0x0;
	v6 =	vpsel p1, v10, v6;
	s0 =	simm.s32 @p1 $0x1;
	p1 =	seq.s32 s29, $0x7  }
0x14d: {  	s13 =	smov.u32 @p2 s28;
	[smem:$0x7F4] =	sst s0;
	s0 =	simm.s32 @!p1 $0x0  }
0x14e: {  	s30 =	sld [smem:$0x7F2];
	v6 =	vpsel p1, v11, v6;
	s0 =	simm.s32 @p1 $0x1;
	p1 =	seq.s32 s29, $0x8  }
0x14f: {  	s13 =	smov.u32 @p6 s26;
	[smem:$0x7F5] =	sst s0;
	s0 =	simm.s32 @!p1 $0x0  }
0x150: {  	s31 =	sld [smem:$0x7F3];
	v6 =	vpsel p1, v12, v6;
	s0 =	simm.s32 @p1 $0x1;
	p1 =	seq.s32 s29, $0x9  }
0x151: {  	p3 =	seq.s32 s29, $0xB;
	s13 =	smov.u32 @p5 s25;
	p5 =	seq.s32 s30, $0x1;
	v6 =	vpsel p1, v15, v6  }
0x152: {  	s13 =	smov.u32 @p5 s24;
	[smem:$0x7F6] =	sst s0;
	s0 =	simm.s32 @!p1 $0x0;
	v6 =	vpsel p4, v16, v6  }
0x153: {  	p5 =	seq.s32 s31, $0x1;
	s0 =	simm.s32 @p1 $0x1;
	p1 =	seq.s32 s29, $0xC;
	v6 =	vpsel p3, v17, v6  }
0x154: {  	p2 =	seq.s32 s29, $0xD;
	s13 =	smov.u32 @p5 s23;
	s23 =	sld [smem:$0x7F4];
	v6 =	vpsel p1, v18, v6  }
0x155: {  	p6 =	seq.s32 s29, $0xE;
	s24 =	sld [smem:$0x7F5];
	v6 =	vpsel p2, v50, v6  }
0x156: {  	p0 =	seq.s32 s29, $0xF;
	s25 =	sld [smem:$0x7F6];
	v6 =	vpsel p6, v51, v6  }
0x157: {  	[smem:$0x7F7] =	sst s0;
	v6 =	vpsel p0, v52, v6  }
0x158: {  	p5 =	seq.s32 s23, $0x1;
	s26 =	sld [smem:$0x7F7];
	v7 =	vperm.xlane v6, v3  }
0x159: {  	s13 =	smov.u32 @p5 s22;
	p5 =	seq.s32 s24, $0x1  }
0x15a: {  	s13 =	smov.u32 @p5 s21;
	p5 =	seq.s32 s25, $0x1;
	(xrf0) =	vadd.scan.msk.s32 $0xffff, v7  }
0x15b: {  	s13 =	smov.u32 @p5 s20;
	p5 =	seq.s32 s26, $0x1  }
0x15c: {  	s13 =	smov.u32 @p5 s19  }
0x15d: {  	s13 =	smov.u32 @p4 s18  }
0x15e: {  	s13 =	smov.u32 @p3 s17  }
0x15f: {  	s13 =	smov.u32 @p1 s16  }
0x160: {  	s13 =	smov.u32 @p2 s15;
	v7, _, _ =	vpop (xrf0)  }
0x161: {  	s13 =	smov.u32 @p6 s14;
	v9 =	vperm.xlane v7, v3  }
0x162: {  	s13 =	simm.s32 @p0 $0x0  }
0x163: {  	v7 =	vadd.s32 s13, v9  }
0x164: {  	vm0 =	vge.s32 v7, s12  }
0x165: {  	v7 =	vsel vm0, $0x1, v1  }
0x166: {  	(xrf0) =	vadd.scan.msk.s32 $0xffff, v7;
	_ =	sdelay $0x3  }
0x167: {  	[tilespmem:$0x4000] =	vst v1  }
0x168: {  	[tilespmem:$0x4010] =	vst v1  }
0x169: {  	[tilespmem:$0x4020] =	vst v1;
	v7, _, _ =	vpop (xrf0)  }
0x16a: {  	[tilespmem:$0x4030] =	vst v1;
	(v2sf) =	vpush v7, $0xF  }
0x16b: {  	[tilespmem:$0x4040] =	vst v1  }
0x16c: {  	[tilespmem:$0x4050] =	vst v1  }
0x16d: {  	[tilespmem:$0x4060] =	vst v1  }
0x16e: {  	[tilespmem:$0x4070] =	vst v1  }
0x16f: {  	[tilespmem:$0x4080] =	vst v1  }
0x170: {  	[tilespmem:$0x4090] =	vst v1  }
0x171: {  	[tilespmem:$0x40C0] =	vst v1  }
0x172: {  	[tilespmem:$0x40D0] =	vst v1  }
0x173: {  	[tilespmem:$0x40E0] =	vst v1  }
0x174: {  	[tilespmem:$0x40F0] =	vst v1  }
0x175: {  	[tilespmem:$0x40A0] =	vst v1  }
0x176: {  	[tilespmem:$0x40B0] =	vst v1;
	s28 =	simm.s32 $0x2040  }
0x177: {  	v7 =	vld [tilespmem:s28+$0xFFFFFFC0]  }
0x178: {  	v10 =	vld [tilespmem:s28+$0xFFFFFFE0]  }
0x179: {  	s30 =	spop (v2sf)  }
0x17a: {  	s31 =	sshll.u32 s29, $0x4;
	s14 =	sadd.s32 $0xFFFFFFFF, s30  }
0x17b: {  	v5 =	vshll.u32 v5, $0x8;
	v12 =	vld [tilespmem:s28+$0xFFFFFFF0];
	s16 =	sadd.s32 s31, s14  }
0x17c: {  	v14 =	vld [tilespmem:s28+$0x20];
	v8 =	vshrl.u32 v7, $0x10;
	v5 =	vor.u32 s16, v5  }
0x17d: {  	v11 =	vshrl.u32 v10, $0x10;
	v7 =	vshrl.u32 v7, $0x8;
	vm3 =	veq.s32 v8, v5  }
0x17e: {  	v16 =	vld [tilespmem:s28+$0x30];
	v10 =	vshrl.u32 v10, $0x8;
	v15 =	vand.u32 $0xFF, v7;
	vm2 =	veq.s32 v11, v5  }
0x17f: {  	v7 =	vld [tilespmem:s28+$0xFFFFFFD0];
	v11 =	vand.u32 $0xFF, v10;
	_ =	sdelay $0x1  }
0x180: {  	v17 =	vshrl.u32 v14, $0x10;
	v8 =	vshrl.u32 v12, $0x8;
	v10 =	vshrl.u32 v12, $0x10;
	v12 =	vld [tilespmem:s28+$0x10]  }
0x181: {  	v13 =	vld [tilespmem:s28+$0x0];
	vm1 =	veq.s32 v17, v5;
	vm0 =	veq.s32 v10, v5;
	v10 =	vshrl.u32 v14, $0x8  }
0x182: {  	s15 =	simm.s32 $0x0;
	s16 =	simm.s32 $0x20C0;
	v14 =	vshrl.u32 v16, $0x8;
	v10 =	vand.u32 $0xFF, v10;
	[tilespmem:v15+s9+$0x0] =	vst.idx.add.s32.msk vm3, v2;
	v15 =	vshrl.u32 v16, $0x10  }
.LBB2_6:
0x183: {  	s15 =	sadd.s32 $0x8, s15;
	v16 =	vshrl.u32 v7, $0x10;
	[tilespmem:v11+s9+$0x0] =	vst.idx.add.s32.msk vm2, v2;
	vm3 =	veq.s32 v15, v5  }
0x184: {  	v7 =	vshrl.u32 v7, $0x8;
	v11 =	vand.u32 $0xFF, v8;
	v15 =	vld [tilespmem:s16+$0xFFFFFFF0];
	p0 =	slt.u32 s15, $0x1F8;
	vm4 =	veq.s32 v16, v5  }
0x185: {  	v14 =	vand.u32 $0xFF, v14;
	v17 =	vand.u32 $0xFF, v7;
	v16 =	vld [tilespmem:s16+$0xFFFFFFE0];
	v7 =	vshrl.u32 v12, $0x10  }
0x186: {  	v18 =	vld [tilespmem:s16+$0xFFFFFFC0];
	v8 =	vshrl.u32 v13, $0x10;
	vm5 =	veq.s32 v7, v5;
	v7 =	vshrl.u32 v12, $0x8  }
0x187: {  	v19 =	vld [tilespmem:s16+$0x30];
	vm6 =	veq.s32 v8, v5;
	v8 =	vshrl.u32 v13, $0x8;
	v12 =	vand.u32 $0xFF, v7  }
0x188: {  	v20 =	vld [tilespmem:s16+$0x20];
	v13 =	vand.u32 $0xFF, v8  }
0x189: {  	v7 =	vld [tilespmem:s16+$0xFFFFFFD0];
	v8 =	vshrl.u32 v15, $0x8  }
0x18a: {  	[tilespmem:v11+s9+$0x0] =	vst.idx.add.s32.msk vm0, v2  }
0x18b: {  	v21 =	vshrl.u32 v16, $0x10;
	v16 =	vshrl.u32 v16, $0x8;
	v11 =	vshrl.u32 v18, $0x10;
	[tilespmem:v10+s9+$0x0] =	vst.idx.add.s32.msk vm1, v2  }
0x18c: {  	v10 =	vshrl.u32 v18, $0x8;
	vm2 =	veq.s32 v21, v5;
	vm7 =	veq.s32 v11, v5;
	[tilespmem:v12+s9+$0x0] =	vst.idx.add.s32.msk vm5, v2  }
0x18d: {  	v10 =	vand.u32 $0xFF, v10;
	v11 =	vand.u32 $0xFF, v16;
	[tilespmem:v13+s9+$0x0] =	vst.idx.add.s32.msk vm6, v2  }
.Ltmp2:
0x18e: {  	v12 =	vshrl.u32 v15, $0x10;
	[tilespmem:v14+s9+$0x0] =	vst.idx.add.s32.msk vm3, v2;
	(pc) =	sbr.rel @p0 .LBB2_6-.Ltmp2, $4  }
0x18f: {  	vm0 =	veq.s32 v12, v5;
	[tilespmem:v17+s9+$0x0] =	vst.idx.add.s32.msk vm4, v2  }
0x190: {  	v14 =	vshrl.u32 v20, $0x10;
	v12 =	vld [tilespmem:s16+$0x10]  }
0x191: {  	vm1 =	veq.s32 v14, v5;
	v14 =	vshrl.u32 v20, $0x8;
	v13 =	vld [tilespmem:s16+$0x0]  }
0x192: {  	v15 =	vshrl.u32 v19, $0x10;
	s16 =	sadd.s32 $0x80, s16;
	[tilespmem:v10+s9+$0x0] =	vst.idx.add.s32.msk vm7, v2;
	v10 =	vand.u32 $0xFF, v14;
	v14 =	vshrl.u32 v19, $0x8  }
0x193: {  	_ =	sdelay $0x3  }
0x194: {  	v8 =	vand.u32 $0xFF, v8;
	v32 =	vshrl.u32 v7, $0x10  }
0x195: {  	vm5 =	veq.s32 v15, v5;
	[tilespmem:v11+s9+$0x0] =	vst.idx.add.s32.msk vm2, v2;
	v7 =	vshrl.u32 v7, $0x8;
	v11 =	vand.u32 $0xFF, v14  }
0x196: {  	vm2 =	veq.s32 v32, v5;
	v7 =	vand.u32 $0xFF, v7;
	v16 =	vshrl.u32 v12, $0x10  }
0x197: {  	v30 =	vshrl.u32 v12, $0x8;
	v17 =	vshrl.u32 v13, $0x10;
	vm3 =	veq.s32 v16, v5  }
0x198: {  	v31 =	vshrl.u32 v13, $0x8;
	v12 =	vand.u32 $0xFF, v30;
	vm4 =	veq.s32 v17, v5  }
0x199: {  	[tilespmem:v10+s9+$0x0] =	vst.idx.add.s32.msk vm1, v2;
	v13 =	vand.u32 $0xFF, v31  }
0x19a: {  	[tilespmem:v8+s9+$0x0] =	vst.idx.add.s32.msk vm0, v2  }
0x19b: {  	[tilespmem:v11+s9+$0x0] =	vst.idx.add.s32.msk vm5, v2  }
0x19c: {  	[tilespmem:v7+s9+$0x0] =	vst.idx.add.s32.msk vm2, v2  }
0x19d: {  	[tilespmem:v12+s9+$0x0] =	vst.idx.add.s32.msk vm3, v2  }
0x19e: {  	[tilespmem:v13+s9+$0x0] =	vst.idx.add.s32.msk vm4, v2  }
0x19f: {  	v8 =	vmov s14;
	v7 =	vld [tilespmem:$0x4000]  }
0x1a0: {  	vm0 =	veq.s32 v8, v0;
	v8 =	vld [tilespmem:$0x4010]  }
0x1a1: {  	v10 =	vnsel vm0, $0x0, v9;
	v9 =	vld [tilespmem:$0x4020]  }
0x1a2: {  	v6 =	vnsel vm0, $0x0, v6;
	(xrf0) =	vadd.scan.msk.s32 $0xffff, v10;
	v13 =	vld [tilespmem:$0x4030]  }
0x1a3: {  	(xrf0) =	vadd.scan.msk.s32 $0xffff, v6;
	v33 =	vld [tilespmem:$0x4040]  }
0x1a4: {  	v6 =	vld [tilespmem:$0x4050];
	(xrf0) =	vadd.scan.msk.s32 $0xffff, v7  }
0x1a5: {  	v10 =	vld [tilespmem:$0x4060];
	(xrf0) =	vadd.scan.msk.s32 $0xffff, v8  }
0x1a6: {  	v11 =	vld [tilespmem:$0x4070];
	(xrf0) =	vadd.scan.msk.s32 $0xffff, v9  }
0x1a7: {  	v12 =	vld [tilespmem:$0x4080];
	(xrf0) =	vadd.scan.msk.s32 $0xffff, v13  }
0x1a8: {  	v35 =	vld [tilespmem:$0x4090];
	v34, _, _ =	vpop (xrf0);
	(xrf0) =	vadd.scan.msk.s32 $0xffff, v33  }
0x1a9: {  	v37 =	vld [tilespmem:$0x40A0];
	(v2sf) =	vpush v34, $0xF;
	v36, _, _ =	vpop (xrf0);
	(xrf0) =	vadd.scan.msk.s32 $0xffff, v6  }
0x1aa: {  	v38 =	vld [tilespmem:$0x40B0];
	(v2sf) =	vpush v36, $0xF;
	v19, _, _ =	vpop (xrf0);
	(xrf0) =	vadd.scan.msk.s32 $0xffff, v10  }
0x1ab: {  	v18 =	vld [tilespmem:$0x40C0];
	(v2sf) =	vpush v19, $0xF;
	v20, _, _ =	vpop (xrf0);
	(xrf0) =	vadd.scan.msk.s32 $0xffff, v11  }
0x1ac: {  	v39 =	vld [tilespmem:$0x40D0];
	(v2sf) =	vpush v20, $0xF;
	v21, _, _ =	vpop (xrf0);
	(xrf0) =	vadd.scan.msk.s32 $0xffff, v12  }
0x1ad: {  	v40 =	vld [tilespmem:$0x40E0];
	(v2sf) =	vpush v21, $0xF;
	v22, _, _ =	vpop (xrf0);
	(xrf0) =	vadd.scan.msk.s32 $0xffff, v35  }
0x1ae: {  	v41 =	vld [tilespmem:$0x40F0];
	(v2sf) =	vpush v22, $0xF;
	v42, _, _ =	vpop (xrf0);
	(xrf0) =	vadd.scan.msk.s32 $0xffff, v37  }
0x1af: {  	(v2sf) =	vpush v42, $0xF;
	v43, _, _ =	vpop (xrf0);
	(xrf0) =	vadd.scan.msk.s32 $0xffff, v38  }
0x1b0: {  	(v2sf) =	vpush v43, $0xF;
	v44, _, _ =	vpop (xrf0);
	(xrf0) =	vadd.scan.msk.s32 $0xffff, v18  }
0x1b1: {  	(v2sf) =	vpush v44, $0xF;
	v45, _, _ =	vpop (xrf0);
	(xrf0) =	vadd.scan.msk.s32 $0xffff, v39  }
0x1b2: {  	(v2sf) =	vpush v45, $0xF;
	v46, _, _ =	vpop (xrf0);
	(xrf0) =	vadd.scan.msk.s32 $0xffff, v40  }
0x1b3: {  	(v2sf) =	vpush v46, $0xF;
	v47, _, _ =	vpop (xrf0);
	(xrf0) =	vadd.scan.msk.s32 $0xffff, v41  }
0x1b4: {  	v23, _, _ =	vpop (xrf0);
	(v2sf) =	vpush v47, $0xF  }
0x1b5: {  	v48, _, _ =	vpop (xrf0);
	(v2sf) =	vpush v23, $0xF  }
0x1b6: {  	v49, _, _ =	vpop (xrf0);
	(v2sf) =	vpush v48, $0xF  }
0x1b7: {  	v50, _, _ =	vpop (xrf0);
	(v2sf) =	vpush v49, $0xF  }
0x1b8: {  	s28 =	spop (v2sf);
	v51, _, _ =	vpop (xrf0);
	(v2sf) =	vpush v50, $0xF  }
0x1b9: {  	s29 =	spop (v2sf);
	(v2sf) =	vpush v51, $0xF;
	v52, _, _ =	vpop (xrf0)  }
0x1ba: {  	s30 =	spop (v2sf);
	(v2sf) =	vpush v52, $0xF  }
0x1bb: {  	s31 =	spop (v2sf)  }
0x1bc: {  	s0 =	spop (v2sf)  }
0x1bd: {  	s26 =	spop (v2sf)  }
0x1be: {  	s25 =	spop (v2sf)  }
0x1bf: {  	s24 =	spop (v2sf)  }
0x1c0: {  	s23 =	spop (v2sf)  }
0x1c1: {  	s22 =	spop (v2sf)  }
0x1c2: {  	s21 =	spop (v2sf)  }
0x1c3: {  	s20 =	spop (v2sf)  }
0x1c4: {  	s19 =	spop (v2sf)  }
0x1c5: {  	s18 =	spop (v2sf)  }
0x1c6: {  	s17 =	spop (v2sf)  }
0x1c7: {  	s16 =	spop (v2sf)  }
0x1c8: {  	s15 =	spop (v2sf)  }
0x1c9: {  	s14 =	spop (v2sf)  }
0x1ca: {  	s15 =	sadd.s32 s15, s14  }
0x1cb: {  	s16 =	sadd.s32 s16, s15  }
0x1cc: {  	s17 =	sadd.s32 s17, s16  }
0x1cd: {  	s18 =	sadd.s32 s18, s17  }
0x1ce: {  	s19 =	sadd.s32 s19, s18  }
0x1cf: {  	s20 =	sadd.s32 s20, s19  }
0x1d0: {  	s21 =	sadd.s32 s21, s20  }
0x1d1: {  	s13 =	sadd.s32 s28, s13;
	s22 =	sadd.s32 s22, s21  }
0x1d2: {  	s12 =	ssub.s32 s12, s13;
	s23 =	sadd.s32 s23, s22  }
0x1d3: {  	s12 =	sadd.s32 s29, s12;
	s24 =	sadd.s32 s24, s23  }
0x1d4: {  	p6 =	slt.s32 s14, s12;
	s25 =	sadd.s32 s25, s24  }
0x1d5: {  	p5 =	sge.s32 s16, s12;
	s26 =	sadd.s32 s26, s25;
	p4 =	sge.s32 s25, s12  }
0x1d6: {  	s28 =	sadd.s32 s0, s26;
	p3 =	sge.s32 s26, s12;
	s0 =	simm.s32 $0x1  }
0x1d7: {  	s13 =	sadd.s32 s31, s28;
	p2 =	sge.s32 s28, s12;
	s0 =	simm.s32 @!p5 $0x0  }
0x1d8: {  	p5 =	sge.s32 s15, s12;
	s29 =	sadd.s32 s30, s13;
	p1 =	sge.s32 s13, s12  }
0x1d9: {  	s30 =	simm.s32 $0x1;
	p0 =	sge.s32 s29, s12;
	s29 =	simm.s32 $0x1  }
0x1da: {  	s30 =	simm.s32 @!p6 $0x0;
	p6 =	sge.s32 s17, s12;
	s29 =	simm.s32 @!p5 $0x0  }
0x1db: {  	p5 =	sge.s32 s19, s12;
	s29 =	ssub.s32 s29, s30;
	s30 =	simm.s32 $0x1  }
0x1dc: {  	s0 =	sadd.s32 s0, s29;
	s29 =	simm.s32 $0x1;
	s30 =	simm.s32 @!p6 $0x0  }
0x1dd: {  	p6 =	sge.s32 s18, s12;
	s0 =	sadd.s32 s30, s0;
	s30 =	simm.s32 $0x1  }
0x1de: {  	s29 =	simm.s32 @!p5 $0x0;
	p5 =	sge.s32 s22, s12;
	s30 =	simm.s32 @!p6 $0x0  }
0x1df: {  	p6 =	sge.s32 s20, s12;
	s0 =	sadd.s32 s30, s0;
	s30 =	simm.s32 $0x1  }
0x1e0: {  	s0 =	sadd.s32 s29, s0;
	s29 =	simm.s32 $0x1;
	s30 =	simm.s32 @!p6 $0x0  }
0x1e1: {  	p6 =	sge.s32 s21, s12;
	s0 =	sadd.s32 s30, s0;
	s30 =	simm.s32 $0x1  }
0x1e2: {  	s29 =	simm.s32 @!p5 $0x0;
	p5 =	sge.s32 s24, s12;
	s30 =	simm.s32 @!p6 $0x0  }
0x1e3: {  	p6 =	sge.s32 s23, s12;
	s0 =	sadd.s32 s30, s0;
	s30 =	simm.s32 $0x1  }
0x1e4: {  	s0 =	sadd.s32 s29, s0;
	s29 =	simm.s32 $0x1;
	s30 =	simm.s32 @!p6 $0x0  }
0x1e5: {  	s0 =	sadd.s32 s30, s0;
	s30 =	simm.s32 $0x1;
	s29 =	simm.s32 @!p5 $0x0  }
0x1e6: {  	s0 =	sadd.s32 s29, s0;
	s29 =	simm.s32 $0x1;
	s30 =	simm.s32 @!p4 $0x0  }
0x1e7: {  	s0 =	sadd.s32 s30, s0;
	s30 =	simm.s32 $0x1;
	s29 =	simm.s32 @!p3 $0x0  }
0x1e8: {  	s0 =	sadd.s32 s29, s0;
	s29 =	simm.s32 $0x1;
	s30 =	simm.s32 @!p2 $0x0  }
0x1e9: {  	s0 =	sadd.s32 s30, s0;
	s30 =	simm.s32 $0x1;
	s29 =	simm.s32 @!p1 $0x0  }
0x1ea: {  	s0 =	sadd.s32 s29, s0;
	s30 =	simm.s32 @!p0 $0x0  }
0x1eb: {  	s29 =	sadd.s32 s30, s0  }
0x1ec: {  	p0 =	seq.s32 s29, $0x0  }
0x1ed: {  	p2 =	seq.s32 s29, $0x1;
	v7 =	vpsel !p0, $0x0, v7  }
0x1ee: {  	p6 =	seq.s32 s29, $0x2;
	v7 =	vpsel p2, v8, v7  }
0x1ef: {  	p5 =	seq.s32 s29, $0x3;
	p1 =	seq.s32 s29, $0x4;
	v7 =	vpsel p6, v9, v7  }
0x1f0: {  	s0 =	simm.s32 @!p1 $0x0;
	v7 =	vpsel p5, v13, v7  }
0x1f1: {  	s0 =	simm.s32 @p1 $0x1;
	v7 =	vpsel p1, v33, v7;
	p1 =	seq.s32 s29, $0x5  }
0x1f2: {  	[smem:$0x7EC] =	sst s0;
	s0 =	simm.s32 @!p1 $0x0  }
0x1f3: {  	v6 =	vpsel p1, v6, v7;
	s0 =	simm.s32 @p1 $0x1;
	p1 =	seq.s32 s29, $0x6  }
0x1f4: {  	p4 =	seq.s32 s29, $0xA;
	[smem:$0x7ED] =	sst s0;
	s0 =	simm.s32 @!p1 $0x0  }
0x1f5: {  	s13 =	simm.s32 @!p0 $0x0;
	v6 =	vpsel p1, v10, v6;
	s0 =	simm.s32 @p1 $0x1;
	p1 =	seq.s32 s29, $0x7  }
0x1f6: {  	s13 =	smov.u32 @p2 s28;
	[smem:$0x7EE] =	sst s0;
	s0 =	simm.s32 @!p1 $0x0  }
0x1f7: {  	s30 =	sld [smem:$0x7EC];
	v6 =	vpsel p1, v11, v6;
	s0 =	simm.s32 @p1 $0x1;
	p1 =	seq.s32 s29, $0x8  }
0x1f8: {  	s13 =	smov.u32 @p6 s26;
	[smem:$0x7EF] =	sst s0;
	s0 =	simm.s32 @!p1 $0x0  }
0x1f9: {  	s31 =	sld [smem:$0x7ED];
	v6 =	vpsel p1, v12, v6;
	s0 =	simm.s32 @p1 $0x1;
	p1 =	seq.s32 s29, $0x9  }
0x1fa: {  	p3 =	seq.s32 s29, $0xB;
	s13 =	smov.u32 @p5 s25;
	p5 =	seq.s32 s30, $0x1;
	v6 =	vpsel p1, v35, v6  }
0x1fb: {  	s13 =	smov.u32 @p5 s24;
	[smem:$0x7F0] =	sst s0;
	s0 =	simm.s32 @!p1 $0x0;
	v6 =	vpsel p4, v37, v6  }
0x1fc: {  	p5 =	seq.s32 s31, $0x1;
	s0 =	simm.s32 @p1 $0x1;
	p1 =	seq.s32 s29, $0xC;
	v6 =	vpsel p3, v38, v6  }
0x1fd: {  	p2 =	seq.s32 s29, $0xD;
	s13 =	smov.u32 @p5 s23;
	s23 =	sld [smem:$0x7EE];
	v6 =	vpsel p1, v18, v6  }
0x1fe: {  	p6 =	seq.s32 s29, $0xE;
	s24 =	sld [smem:$0x7EF];
	v6 =	vpsel p2, v39, v6  }
0x1ff: {  	p0 =	seq.s32 s29, $0xF;
	s25 =	sld [smem:$0x7F0];
	v6 =	vpsel p6, v40, v6  }
0x200: {  	[smem:$0x7F1] =	sst s0;
	v9 =	vpsel p0, v41, v6  }
0x201: {  	p5 =	seq.s32 s23, $0x1;
	s26 =	sld [smem:$0x7F1];
	v6 =	vperm.xlane v9, v3  }
0x202: {  	s13 =	smov.u32 @p5 s22;
	p5 =	seq.s32 s24, $0x1  }
0x203: {  	s13 =	smov.u32 @p5 s21;
	p5 =	seq.s32 s25, $0x1;
	(xrf0) =	vadd.scan.msk.s32 $0xffff, v6  }
0x204: {  	s13 =	smov.u32 @p5 s20;
	p5 =	seq.s32 s26, $0x1  }
0x205: {  	s13 =	smov.u32 @p5 s19  }
0x206: {  	s13 =	smov.u32 @p4 s18  }
0x207: {  	s13 =	smov.u32 @p3 s17  }
0x208: {  	s13 =	smov.u32 @p1 s16  }
0x209: {  	s13 =	smov.u32 @p2 s15;
	v6, _, _ =	vpop (xrf0)  }
0x20a: {  	s13 =	smov.u32 @p6 s14;
	v8 =	vperm.xlane v6, v3  }
0x20b: {  	s13 =	simm.s32 @p0 $0x0  }
0x20c: {  	v6 =	vadd.s32 s13, v8  }
0x20d: {  	vm0 =	vge.s32 v6, s12  }
0x20e: {  	v6 =	vsel vm0, $0x1, v1  }
0x20f: {  	(xrf0) =	vadd.scan.msk.s32 $0xffff, v6;
	_ =	sdelay $0x3  }
0x210: {  	[tilespmem:$0x4000] =	vst v1  }
0x211: {  	[tilespmem:$0x4010] =	vst v1  }
0x212: {  	[tilespmem:$0x4020] =	vst v1;
	v6, _, _ =	vpop (xrf0)  }
0x213: {  	[tilespmem:$0x4030] =	vst v1;
	(v2sf) =	vpush v6, $0xF  }
0x214: {  	[tilespmem:$0x4040] =	vst v1  }
0x215: {  	[tilespmem:$0x4050] =	vst v1  }
0x216: {  	[tilespmem:$0x4060] =	vst v1  }
0x217: {  	[tilespmem:$0x4070] =	vst v1  }
0x218: {  	[tilespmem:$0x4080] =	vst v1  }
0x219: {  	[tilespmem:$0x4090] =	vst v1  }
0x21a: {  	[tilespmem:$0x40A0] =	vst v1  }
0x21b: {  	[tilespmem:$0x40B0] =	vst v1  }
0x21c: {  	[tilespmem:$0x40C0] =	vst v1  }
0x21d: {  	[tilespmem:$0x40D0] =	vst v1  }
0x21e: {  	[tilespmem:$0x40E0] =	vst v1  }
0x21f: {  	[tilespmem:$0x40F0] =	vst v1;
	s28 =	simm.s32 $0x2040  }
0x220: {  	v6 =	vld [tilespmem:s28+$0x30]  }
0x221: {  	v7 =	vld [tilespmem:s28+$0xFFFFFFD0]  }
0x222: {  	v10 =	vld [tilespmem:s28+$0xFFFFFFE0];
	s30 =	spop (v2sf)  }
0x223: {  	s31 =	sshll.u32 s29, $0x4;
	v11 =	vld [tilespmem:s28+$0xFFFFFFF0];
	s14 =	sadd.s32 $0xFFFFFFFF, s30  }
0x224: {  	v5 =	vshll.u32 v5, $0x8;
	s15 =	sadd.s32 s31, s14  }
0x225: {  	v54 =	vld [tilespmem:s28+$0x0];
	v53 =	vshrl.u32 v6, $0x8;
	v5 =	vor.u32 s15, v5  }
0x226: {  	v59 =	vld [tilespmem:s28+$0x20];
	v55 =	vshrl.u32 v7, $0x8;
	vm1 =	veq.s32 v53, v5  }
0x227: {  	v60 =	vld [tilespmem:s28+$0xFFFFFFC0];
	v57 =	vshrl.u32 v10, $0x8;
	v6 =	vand.u32 $0xFF, v6;
	vm2 =	veq.s32 v55, v5  }
0x228: {  	v56 =	vld [tilespmem:s28+$0x10];
	v58 =	vand.u32 $0xFF, v7;
	v7 =	vshrl.u32 v11, $0x8;
	vm3 =	veq.s32 v57, v5  }
0x229: {  	v10 =	vand.u32 $0xFF, v10;
	vm4 =	veq.s32 v7, v5  }
0x22a: {  	v61 =	vand.u32 $0xFF, v11;
	_ =	sdelay $0x1  }
0x22b: {  	v62 =	vshrl.u32 v59, $0x8;
	v63 =	vshrl.u32 v60, $0x8;
	v7 =	vshrl.u32 v54, $0x8;
	[tilespmem:v6+s9+$0x0] =	vst.idx.add.s32.msk vm1, v2  }
0x22c: {  	v11 =	vand.u32 $0xFF, v60;
	vm0 =	veq.s32 v7, v5;
	v7 =	vshrl.u32 v56, $0x8;
	[tilespmem:v58+s9+$0x0] =	vst.idx.add.s32.msk vm2, v2  }
0x22d: {  	v6 =	vand.u32 $0xFF, v54;
	vm1 =	veq.s32 v7, v5;
	v7 =	vand.u32 $0xFF, v56;
	[tilespmem:v10+s9+$0x0] =	vst.idx.add.s32.msk vm3, v2  }
0x22e: {  	s16 =	simm.s32 $0x20C0;
	s15 =	simm.s32 $0x0;
	vm2 =	veq.s32 v62, v5;
	vm3 =	veq.s32 v63, v5;
	v10 =	vand.u32 $0xFF, v59;
	[tilespmem:v61+s9+$0x0] =	vst.idx.add.s32.msk vm4, v2  }
.LBB2_8:
0x22f: {  	v12 =	vld [tilespmem:s16+$0x30];
	s15 =	sadd.s32 $0x8, s15  }
0x230: {  	v13 =	vld [tilespmem:s16+$0xFFFFFFD0];
	p0 =	slt.u32 s15, $0x1F8  }
0x231: {  	v14 =	vld [tilespmem:s16+$0xFFFFFFE0]  }
0x232: {  	v15 =	vld [tilespmem:s16+$0xFFFFFFF0]  }
0x233: {  	v16 =	vld [tilespmem:s16+$0x0]  }
0x234: {  	v17 =	vld [tilespmem:s16+$0x10];
	v18 =	vshrl.u32 v12, $0x8  }
0x235: {  	v19 =	vshrl.u32 v13, $0x8;
	v13 =	vand.u32 $0xFF, v13;
	v20 =	vld [tilespmem:s16+$0x20];
	vm4 =	veq.s32 v18, v5  }
0x236: {  	v12 =	vand.u32 $0xFF, v12;
	v18 =	vld [tilespmem:s16+$0xFFFFFFC0];
	vm5 =	veq.s32 v19, v5;
	v19 =	vshrl.u32 v14, $0x8  }
0x237: {  	v14 =	vand.u32 $0xFF, v14;
	vm6 =	veq.s32 v19, v5;
	v19 =	vshrl.u32 v15, $0x8;
	[tilespmem:v11+s9+$0x0] =	vst.idx.add.s32.msk vm3, v2  }
0x238: {  	v15 =	vand.u32 $0xFF, v15;
	vm7 =	veq.s32 v19, v5;
	v11 =	vshrl.u32 v16, $0x8;
	[tilespmem:v6+s9+$0x0] =	vst.idx.add.s32.msk vm0, v2  }
0x239: {  	v6 =	vand.u32 $0xFF, v16;
	vm0 =	veq.s32 v11, v5;
	v11 =	vshrl.u32 v17, $0x8;
	[tilespmem:v7+s9+$0x0] =	vst.idx.add.s32.msk vm1, v2  }
.Ltmp3:
0x23a: {  	v7 =	vand.u32 $0xFF, v17;
	vm1 =	veq.s32 v11, v5;
	v16 =	vshrl.u32 v20, $0x8;
	[tilespmem:v10+s9+$0x0] =	vst.idx.add.s32.msk vm2, v2;
	(pc) =	sbr.rel @p0 .LBB2_8-.Ltmp3, $4  }
0x23b: {  	v10 =	vshrl.u32 v18, $0x8;
	v11 =	vand.u32 $0xFF, v18;
	vm2 =	veq.s32 v16, v5;
	[tilespmem:v12+s9+$0x0] =	vst.idx.add.s32.msk vm4, v2  }
0x23c: {  	vm3 =	veq.s32 v10, v5;
	[tilespmem:v13+s9+$0x0] =	vst.idx.add.s32.msk vm5, v2;
	v10 =	vand.u32 $0xFF, v20  }
0x23d: {  	[tilespmem:v14+s9+$0x0] =	vst.idx.add.s32.msk vm6, v2  }
0x23e: {  	s16 =	sadd.s32 $0x80, s16;
	[tilespmem:v15+s9+$0x0] =	vst.idx.add.s32.msk vm7, v2  }
0x23f: {  	_ =	sdelay $0x4  }
0x240: {  	[tilespmem:v11+s9+$0x0] =	vst.idx.add.s32.msk vm3, v2  }
0x241: {  	[tilespmem:v6+s9+$0x0] =	vst.idx.add.s32.msk vm0, v2  }
0x242: {  	[tilespmem:v7+s9+$0x0] =	vst.idx.add.s32.msk vm1, v2  }
0x243: {  	[tilespmem:v10+s9+$0x0] =	vst.idx.add.s32.msk vm2, v2  }
0x244: {  	v7 =	vmov s14;
	v6 =	vld [tilespmem:$0x4000]  }
0x245: {  	vm0 =	veq.s32 v7, v0;
	v7 =	vld [tilespmem:$0x4010]  }
0x246: {  	v10 =	vnsel vm0, $0x0, v8;
	v8 =	vld [tilespmem:$0x4020]  }
0x247: {  	v13 =	vld [tilespmem:$0x4030];
	v9 =	vnsel vm0, $0x0, v9;
	(xrf0) =	vadd.scan.msk.s32 $0xffff, v10  }
0x248: {  	v14 =	vld [tilespmem:$0x4040];
	(xrf0) =	vadd.scan.msk.s32 $0xffff, v9  }
0x249: {  	v9 =	vld [tilespmem:$0x4050];
	(xrf0) =	vadd.scan.msk.s32 $0xffff, v6  }
0x24a: {  	v10 =	vld [tilespmem:$0x4060];
	(xrf0) =	vadd.scan.msk.s32 $0xffff, v7  }
0x24b: {  	v11 =	vld [tilespmem:$0x4070];
	(xrf0) =	vadd.scan.msk.s32 $0xffff, v8  }
0x24c: {  	v12 =	vld [tilespmem:$0x4080];
	(xrf0) =	vadd.scan.msk.s32 $0xffff, v13  }
0x24d: {  	v15 =	vld [tilespmem:$0x4090];
	v16, _, _ =	vpop (xrf0);
	(xrf0) =	vadd.scan.msk.s32 $0xffff, v14  }
0x24e: {  	v48 =	vld [tilespmem:$0x40A0];
	(v2sf) =	vpush v16, $0xF;
	v17, _, _ =	vpop (xrf0);
	(xrf0) =	vadd.scan.msk.s32 $0xffff, v9  }
0x24f: {  	v49 =	vld [tilespmem:$0x40B0];
	(v2sf) =	vpush v17, $0xF;
	v19, _, _ =	vpop (xrf0);
	(xrf0) =	vadd.scan.msk.s32 $0xffff, v10  }
0x250: {  	v18 =	vld [tilespmem:$0x40C0];
	(v2sf) =	vpush v19, $0xF;
	v20, _, _ =	vpop (xrf0);
	(xrf0) =	vadd.scan.msk.s32 $0xffff, v11  }
0x251: {  	v50 =	vld [tilespmem:$0x40D0];
	(v2sf) =	vpush v20, $0xF;
	v21, _, _ =	vpop (xrf0);
	(xrf0) =	vadd.scan.msk.s32 $0xffff, v12  }
0x252: {  	v51 =	vld [tilespmem:$0x40E0];
	(v2sf) =	vpush v21, $0xF;
	v22, _, _ =	vpop (xrf0);
	(xrf0) =	vadd.scan.msk.s32 $0xffff, v15  }
0x253: {  	v52 =	vld [tilespmem:$0x40F0];
	(v2sf) =	vpush v22, $0xF;
	v53, _, _ =	vpop (xrf0);
	(xrf0) =	vadd.scan.msk.s32 $0xffff, v48  }
0x254: {  	(v2sf) =	vpush v53, $0xF;
	v54, _, _ =	vpop (xrf0);
	(xrf0) =	vadd.scan.msk.s32 $0xffff, v49  }
0x255: {  	(v2sf) =	vpush v54, $0xF;
	v55, _, _ =	vpop (xrf0);
	(xrf0) =	vadd.scan.msk.s32 $0xffff, v18  }
0x256: {  	(v2sf) =	vpush v55, $0xF;
	v56, _, _ =	vpop (xrf0);
	(xrf0) =	vadd.scan.msk.s32 $0xffff, v50  }
0x257: {  	(v2sf) =	vpush v56, $0xF;
	v57, _, _ =	vpop (xrf0);
	(xrf0) =	vadd.scan.msk.s32 $0xffff, v51  }
0x258: {  	(v2sf) =	vpush v57, $0xF;
	v58, _, _ =	vpop (xrf0);
	(xrf0) =	vadd.scan.msk.s32 $0xffff, v52  }
0x259: {  	v23, _, _ =	vpop (xrf0);
	(v2sf) =	vpush v58, $0xF  }
0x25a: {  	v59, _, _ =	vpop (xrf0);
	(v2sf) =	vpush v23, $0xF  }
0x25b: {  	v60, _, _ =	vpop (xrf0);
	(v2sf) =	vpush v59, $0xF  }
0x25c: {  	v61, _, _ =	vpop (xrf0);
	(v2sf) =	vpush v60, $0xF  }
0x25d: {  	s0 =	spop (v2sf);
	v62, _, _ =	vpop (xrf0);
	(v2sf) =	vpush v61, $0xF  }
0x25e: {  	s29 =	spop (v2sf);
	(v2sf) =	vpush v62, $0xF;
	v63, _, _ =	vpop (xrf0)  }
0x25f: {  	s30 =	spop (v2sf);
	(v2sf) =	vpush v63, $0xF  }
0x260: {  	s31 =	spop (v2sf)  }
0x261: {  	s28 =	spop (v2sf)  }
0x262: {  	s26 =	spop (v2sf)  }
0x263: {  	s25 =	spop (v2sf)  }
0x264: {  	s24 =	spop (v2sf)  }
0x265: {  	s23 =	spop (v2sf)  }
0x266: {  	s22 =	spop (v2sf)  }
0x267: {  	s21 =	spop (v2sf)  }
0x268: {  	s20 =	spop (v2sf)  }
0x269: {  	s19 =	spop (v2sf)  }
0x26a: {  	s18 =	spop (v2sf)  }
0x26b: {  	s17 =	spop (v2sf)  }
0x26c: {  	s16 =	spop (v2sf)  }
0x26d: {  	s15 =	spop (v2sf)  }
0x26e: {  	s14 =	spop (v2sf)  }
0x26f: {  	s15 =	sadd.s32 s15, s14  }
0x270: {  	s16 =	sadd.s32 s16, s15  }
0x271: {  	s17 =	sadd.s32 s17, s16  }
0x272: {  	s18 =	sadd.s32 s18, s17  }
0x273: {  	s19 =	sadd.s32 s19, s18  }
0x274: {  	s20 =	sadd.s32 s20, s19  }
0x275: {  	s21 =	sadd.s32 s21, s20  }
0x276: {  	s22 =	sadd.s32 s22, s21  }
0x277: {  	s0 =	sadd.s32 s0, s13;
	s23 =	sadd.s32 s23, s22  }
0x278: {  	s0 =	ssub.s32 s12, s0;
	s24 =	sadd.s32 s24, s23  }
0x279: {  	s12 =	sadd.s32 s29, s0;
	s0 =	simm.s32 $0x1;
	s25 =	sadd.s32 s25, s24  }
0x27a: {  	s29 =	simm.s32 $0x1;
	p5 =	sge.s32 s16, s12;
	s26 =	sadd.s32 s26, s25  }
0x27b: {  	s0 =	simm.s32 @!p5 $0x0;
	p5 =	sge.s32 s15, s12;
	s28 =	sadd.s32 s28, s26  }
0x27c: {  	p6 =	slt.s32 s14, s12;
	s29 =	simm.s32 @!p5 $0x0;
	s13 =	sadd.s32 s31, s28  }
0x27d: {  	p5 =	sge.s32 s19, s12;
	p4 =	sge.s32 s25, s12;
	s30 =	sadd.s32 s30, s13  }
0x27e: {  	p3 =	sge.s32 s26, s12;
	p0 =	sge.s32 s30, s12;
	s30 =	simm.s32 $0x1  }
0x27f: {  	p2 =	sge.s32 s28, s12;
	p1 =	sge.s32 s13, s12;
	s30 =	simm.s32 @!p6 $0x0  }
0x280: {  	p6 =	sge.s32 s17, s12;
	s29 =	ssub.s32 s29, s30;
	s30 =	simm.s32 $0x1  }
0x281: {  	s0 =	sadd.s32 s0, s29;
	s29 =	simm.s32 $0x1;
	s30 =	simm.s32 @!p6 $0x0  }
0x282: {  	p6 =	sge.s32 s18, s12;
	s0 =	sadd.s32 s30, s0;
	s30 =	simm.s32 $0x1  }
0x283: {  	s29 =	simm.s32 @!p5 $0x0;
	p5 =	sge.s32 s22, s12;
	s30 =	simm.s32 @!p6 $0x0  }
0x284: {  	p6 =	sge.s32 s20, s12;
	s0 =	sadd.s32 s30, s0;
	s30 =	simm.s32 $0x1  }
0x285: {  	s0 =	sadd.s32 s29, s0;
	s29 =	simm.s32 $0x1;
	s30 =	simm.s32 @!p6 $0x0  }
0x286: {  	p6 =	sge.s32 s21, s12;
	s0 =	sadd.s32 s30, s0;
	s30 =	simm.s32 $0x1  }
0x287: {  	s29 =	simm.s32 @!p5 $0x0;
	p5 =	sge.s32 s24, s12;
	s30 =	simm.s32 @!p6 $0x0  }
0x288: {  	p6 =	sge.s32 s23, s12;
	s0 =	sadd.s32 s30, s0;
	s30 =	simm.s32 $0x1  }
0x289: {  	s0 =	sadd.s32 s29, s0;
	s29 =	simm.s32 $0x1;
	s30 =	simm.s32 @!p6 $0x0  }
0x28a: {  	s0 =	sadd.s32 s30, s0;
	s30 =	simm.s32 $0x1;
	s29 =	simm.s32 @!p5 $0x0  }
0x28b: {  	s0 =	sadd.s32 s29, s0;
	s29 =	simm.s32 $0x1;
	s30 =	simm.s32 @!p4 $0x0  }
0x28c: {  	s0 =	sadd.s32 s30, s0;
	s30 =	simm.s32 $0x1;
	s29 =	simm.s32 @!p3 $0x0  }
0x28d: {  	s0 =	sadd.s32 s29, s0;
	s29 =	simm.s32 $0x1;
	s30 =	simm.s32 @!p2 $0x0  }
0x28e: {  	s0 =	sadd.s32 s30, s0;
	s30 =	simm.s32 $0x1;
	s29 =	simm.s32 @!p1 $0x0  }
0x28f: {  	s0 =	sadd.s32 s29, s0;
	s30 =	simm.s32 @!p0 $0x0  }
0x290: {  	s0 =	sadd.s32 s30, s0  }
0x291: {  	p0 =	seq.s32 s0, $0x0  }
0x292: {  	p2 =	seq.s32 s0, $0x1;
	v6 =	vpsel !p0, $0x0, v6  }
0x293: {  	p6 =	seq.s32 s0, $0x2;
	v6 =	vpsel p2, v7, v6  }
0x294: {  	p5 =	seq.s32 s0, $0x3;
	p1 =	seq.s32 s0, $0x4;
	v6 =	vpsel p6, v8, v6  }
0x295: {  	s29 =	simm.s32 @!p1 $0x0;
	v6 =	vpsel p5, v13, v6  }
0x296: {  	s29 =	simm.s32 @p1 $0x1;
	v6 =	vpsel p1, v14, v6;
	p1 =	seq.s32 s0, $0x5  }
0x297: {  	[smem:$0x7E6] =	sst s29;
	s29 =	simm.s32 @!p1 $0x0  }
0x298: {  	v6 =	vpsel p1, v9, v6;
	s29 =	simm.s32 @p1 $0x1;
	p1 =	seq.s32 s0, $0x6  }
0x299: {  	[smem:$0x7E7] =	sst s29;
	s29 =	simm.s32 @!p1 $0x0  }
0x29a: {  	v6 =	vpsel p1, v10, v6;
	s29 =	simm.s32 @p1 $0x1;
	p1 =	seq.s32 s0, $0x7  }
0x29b: {  	[smem:$0x7E8] =	sst s29;
	s29 =	simm.s32 @!p1 $0x0  }
0x29c: {  	p4 =	seq.s32 s0, $0xA;
	v6 =	vpsel p1, v11, v6;
	s29 =	simm.s32 @p1 $0x1;
	p1 =	seq.s32 s0, $0x8  }
0x29d: {  	s13 =	simm.s32 @!p0 $0x0;
	[smem:$0x7E9] =	sst s29;
	s29 =	simm.s32 @!p1 $0x0  }
0x29e: {  	s13 =	smov.u32 @p2 s28;
	v6 =	vpsel p1, v12, v6;
	s29 =	simm.s32 @p1 $0x1;
	p1 =	seq.s32 s0, $0x9  }
0x29f: {  	p3 =	seq.s32 s0, $0xB;
	s13 =	smov.u32 @p6 s26;
	s31 =	sld [smem:$0x7E6];
	v6 =	vpsel p1, v15, v6  }
0x2a0: {  	s13 =	smov.u32 @p5 s25;
	[smem:$0x7EA] =	sst s29;
	s29 =	simm.s32 @!p1 $0x0;
	v6 =	vpsel p4, v48, v6  }
0x2a1: {  	s25 =	sld [smem:$0x7E7];
	s29 =	simm.s32 @p1 $0x1;
	p1 =	seq.s32 s0, $0xC;
	v6 =	vpsel p3, v49, v6  }
0x2a2: {  	p2 =	seq.s32 s0, $0xD;
	s26 =	sld [smem:$0x7E8];
	v6 =	vpsel p1, v18, v6  }
0x2a3: {  	p6 =	seq.s32 s0, $0xE;
	s28 =	sld [smem:$0x7E9];
	v6 =	vpsel p2, v50, v6  }
0x2a4: {  	p0 =	seq.s32 s0, $0xF;
	p5 =	seq.s32 s31, $0x1;
	[smem:$0x7EB] =	sst s29;
	v6 =	vpsel p6, v51, v6  }
0x2a5: {  	s13 =	smov.u32 @p5 s24;
	p5 =	seq.s32 s25, $0x1;
	s29 =	sld [smem:$0x7EA];
	v6 =	vpsel p0, v52, v6  }
0x2a6: {  	s13 =	smov.u32 @p5 s23;
	p5 =	seq.s32 s26, $0x1;
	s30 =	sld [smem:$0x7EB];
	v6 =	vperm.xlane v6, v3  }
0x2a7: {  	s13 =	smov.u32 @p5 s22;
	p5 =	seq.s32 s28, $0x1  }
0x2a8: {  	s13 =	smov.u32 @p5 s21;
	p5 =	seq.s32 s29, $0x1;
	(xrf0) =	vadd.scan.msk.s32 $0xffff, v6  }
0x2a9: {  	s13 =	smov.u32 @p5 s20;
	p5 =	seq.s32 s30, $0x1  }
0x2aa: {  	s13 =	smov.u32 @p5 s19  }
0x2ab: {  	s13 =	smov.u32 @p4 s18  }
0x2ac: {  	s13 =	smov.u32 @p3 s17  }
0x2ad: {  	s13 =	smov.u32 @p1 s16  }
0x2ae: {  	s13 =	smov.u32 @p2 s15;
	v6, _, _ =	vpop (xrf0)  }
0x2af: {  	s13 =	smov.u32 @p6 s14;
	v6 =	vperm.xlane v6, v3  }
0x2b0: {  	s13 =	simm.s32 @p0 $0x0  }
0x2b1: {  	v6 =	vadd.s32 s13, v6  }
0x2b2: {  	vm0 =	vge.s32 v6, s12  }
0x2b3: {  	v6 =	vsel vm0, $0x1, v1  }
0x2b4: {  	(xrf0) =	vadd.scan.msk.s32 $0xffff, v6;
	_ =	sdelay $0x5  }
0x2b5: {  	v6, _, _ =	vpop (xrf0)  }
0x2b6: {  	(v2sf) =	vpush v6, $0xF;
	_ =	sdelay $0xe  }
0x2b7: {  	s0 =	sshll.u32 s0, $0x4;
	s31 =	spop (v2sf)  }
0x2b8: {  	s12 =	simm.s32 $0x40;
	s0 =	sadd.s32 s31, s0  }
0x2b9: {  	v5 =	vshll.u32 v5, $0x8;
	v9 =	vld [tilespmem:s12+$0x30];
	s0 =	sadd.s32 $0xFFFFFFFF, s0  }
0x2ba: {  	v12 =	vld [tilespmem:s12+$0xFFFFFFD0];
	v5 =	vor.u32 s0, v5  }
0x2bb: {  	v11 =	vld [tilespmem:s12+$0xFFFFFFE0];
	vm0 =	vgt.s32 v5, $0xFFFFFFFF  }
0x2bc: {  	v10 =	vld [tilespmem:s12+$0xFFFFFFF0];
	v6 =	vsel vm0, $0xFFFFFFFF, v4  }
0x2bd: {  	v8 =	vld [tilespmem:s12+$0x0];
	v5 =	vxor.u32 v5, v6  }
0x2be: {  	v7 =	vld [tilespmem:s12+$0x10];
	vm0 =	vge.f32 v9, v5  }
0x2bf: {  	v6 =	vld [tilespmem:s12+$0x20];
	vm1 =	vge.f32 v12, v5;
	v13 =	vnsel vm0, $0x0, v9  }
0x2c0: {  	s14 =	simm.s32 $0xC0;
	s13 =	simm.s32 $0x0;
	v9 =	vld [tilespmem:s12+$0xFFFFFFC0];
	v12 =	vnsel vm1, $0x0, v12;
	vm0 =	vge.f32 v11, v5;
	[tilespmem:s12+$0x30] =	vst v13  }
.LBB2_10:
0x2c1: {  	v13 =	vld [tilespmem:s14+$0x30];
	s13 =	sadd.s32 $0x8, s13;
	[tilespmem:s12+$0xFFFFFFD0] =	vst v12;
	v11 =	vnsel vm0, $0x0, v11;
	vm0 =	vge.f32 v10, v5  }
0x2c2: {  	v12 =	vld [tilespmem:s14+$0xFFFFFFD0];
	p0 =	slt.u32 s13, $0x1F8;
	[tilespmem:s12+$0xFFFFFFE0] =	vst v11;
	v10 =	vnsel vm0, $0x0, v10;
	vm0 =	vge.f32 v8, v5  }
0x2c3: {  	v11 =	vld [tilespmem:s14+$0xFFFFFFE0];
	[tilespmem:s12+$0xFFFFFFF0] =	vst v10;
	v8 =	vnsel vm0, $0x0, v8;
	vm0 =	vge.f32 v7, v5  }
.Ltmp4:
0x2c4: {  	v10 =	vld [tilespmem:s14+$0xFFFFFFF0];
	[tilespmem:s12+$0x0] =	vst v8;
	v7 =	vnsel vm0, $0x0, v7;
	vm0 =	vge.f32 v6, v5;
	(pc) =	sbr.rel @p0 .LBB2_10-.Ltmp4, $4  }
0x2c5: {  	v8 =	vld [tilespmem:s14+$0x0];
	vm1 =	vge.f32 v9, v5;
	[tilespmem:s12+$0x10] =	vst v7;
	v6 =	vnsel vm0, $0x0, v6  }
0x2c6: {  	v7 =	vld [tilespmem:s14+$0x10];
	vm0 =	vge.f32 v13, v5;
	v9 =	vnsel vm1, $0x0, v9;
	[tilespmem:s12+$0x20] =	vst v6  }
0x2c7: {  	vm1 =	vge.f32 v12, v5;
	v6 =	vld [tilespmem:s14+$0x20];
	v13 =	vnsel vm0, $0x0, v13;
	[tilespmem:s12+$0xFFFFFFC0] =	vst v9;
	s12 =	smov.u32 s14  }
0x2c8: {  	s14 =	sadd.s32 $0x80, s14;
	v9 =	vld [tilespmem:s12+$0xFFFFFFC0];
	v12 =	vnsel vm1, $0x0, v12;
	vm0 =	vge.f32 v11, v5;
	[tilespmem:s12+$0x30] =	vst v13  }
0x2c9: {  	[tilespmem:s12+$0xFFFFFFD0] =	vst v12;
	v11 =	vnsel vm0, $0x0, v11;
	vm12 =	vge.f32 v10, v5  }
0x2ca: {  	[tilespmem:s12+$0xFFFFFFE0] =	vst v11;
	v10 =	vnsel vm12, $0x0, v10;
	vm13 =	vge.f32 v8, v5  }
0x2cb: {  	[tilespmem:s12+$0xFFFFFFF0] =	vst v10;
	v8 =	vnsel vm13, $0x0, v8;
	vm14 =	vge.f32 v7, v5  }
0x2cc: {  	[tilespmem:s12+$0x0] =	vst v8;
	v7 =	vnsel vm14, $0x0, v7;
	vm15 =	vge.f32 v6, v5  }
0x2cd: {  	s11 =	sadd.s32 $0x1, s11;
	vm1 =	vge.f32 v9, v5;
	[tilespmem:s12+$0x10] =	vst v7;
	v5 =	vnsel vm15, $0x0, v6  }
0x2ce: {  	p0 =	sne.s32 s11, s5;
	v6 =	vnsel vm1, $0x0, v9;
	[tilespmem:s12+$0x20] =	vst v5  }
.Ltmp5:
0x2cf: {  	[tilespmem:s12+$0xFFFFFFC0] =	vst v6;
	(pc) =	sbr.rel @p0 .LBB2_1-.Ltmp5, $4  }
0x2d0: {  	[hbm4b:s4+s6] =	stream.strided.scatter [tilespmem:s2], [sflag:$0x2], $0x2000, s7, s6, $0x38;
	[tilespmem:$0x4100] =	vst v63  }
0x2d1: {  	_ =	swait.ge [sflag:s10], $0x2000  }
0x2d2: {  	[sflag:s10] =	ssyncset.done $0x0  }
0x2d3: {  	[sflag:s10] =	ssyncadd.s32 $0xFFFFE000  }
0x2d4: {  	_ =	sfence.sel $0x180000  }
0x2d5: {  	[bflag:$0x0] =	sbarrier.arrive $0xFFFF  }
0x2d6: {  	_ =	strace $0x90000047  }
0x2d7: {  	[bflag:$0x2] =	sbarrier.arrive $0xFFFF  }
0x2d8: {  	p0 =	sne.s32 s1, $0x0;
	s0 =	rddreg [dreg:$0x2]  }
0x2d9: {  	s0 =	sadd.s32 @!p0 $0x100000, s0  }
0x2da: {  	[sflag:s0] =	ssyncadd.tile.s32 @!p0 $0x1;
	_ =	shalt  }
.Lfunc_end2:
_tile_overlayer_lowered:
.L_overlay_start_2:
0x2db: {  	(tag) =	ssettag $0x2  }
0x2dc: {  	s0 =	rddreg [dreg:$0x0];
	s2 =	stileid.u32  }
0x2dd: {  	s1 =	rddreg [dreg:$0x1];
	p0 =	sne.s32 s2, $0x0  }
0x2de: {  	s3 =	rddreg [dreg:$0x2];
	[bflag:$0x3] =	sbarrier.arrive $0xFFFF;
	s2 =	simm.s32 @!p0 $0x1C03  }
0x2df: {  	[timem:s3], [sflag:s2] =	dma.local @!p0 [hbm:s0], s1  }
0x2e0: {  	s0 =	simm.s32 @!p0 $0x3  }
0x2e1: {  	_ =	swait.ge @!p0 [sflag:s0], s1  }
0x2e2: {  	s1 =	ssub.s32 @!p0 $0x0, s1;
	[sflag:s0] =	ssyncset.done @!p0 $0x0  }
0x2e3: {  	[sflag:s0] =	ssyncadd.s32 @!p0 s1  }
0x2e4: {  	[bflag:$0x3] =	sbarrier.arrive $0xFFFF  }
0x2e5: {  	_ =	shalt  }

</sc_bundles>
